<compile_context>
chip_gen: v7x
topology: tpu7x:2x2x1
jax: 0.10.2.dev20260603
libtpu: 0.0.44.dev20260713+nightly
codegen_flags: <defaults>
</compile_context>

<pallas_src>
import functools

import jax
import jax.numpy as jnp
from jax import lax
from jax.experimental import pallas as pl
from jax.experimental.pallas import tpu as pltpu
from jax.experimental.pallas import tpu_sc as plsc

_D = 32
_NB = 16384
_S = 200
_NC = 2
_NS = 16
_NW = _NC * _NS
_BW = _NB // _NW
_CT = _BW // 128
_DT = _D // 8
_NBT = _NB // 128
_TR = _DT * _CT * 8
_PITCH = 129

_mesh = plsc.VectorSubcoreMesh(core_axis_name="c", subcore_axis_name="s")


@functools.partial(
    pl.kernel,
    mesh=_mesh,
    out_type=jax.ShapeDtypeStruct((_S * _DT * _NBT * 8, 128), jnp.float32),
    compiler_params=pltpu.CompilerParams(use_tc_tiling_on_sc=False,
                                         needs_layout_passes=False),
    scratch_types=(
        [pltpu.VMEM((_BW,), jnp.int32) for _ in range(2)]
        + [pltpu.VMEM((_BW, _D), jnp.float32) for _ in range(2)]
        + [pltpu.VMEM((_TR, _PITCH), jnp.float32) for _ in range(2)]
        + [pltpu.SemaphoreType.DMA for _ in range(6)]
    ),
)
def _embed_gather(idx_hbm, table_hbm, out_hbm, idx0, idx1, rows0, rows1,
                  tr0, tr1, isem0, isem1, gsem0, gsem1, osem0, osem1):
    idx_v = (idx0, idx1)
    rows_v = (rows0, rows1)
    tr_v = (tr0, tr1)
    isem = (isem0, isem1)
    gsem = (gsem0, gsem1)
    osem = (osem0, osem1)

    wid = lax.axis_index("s") * _NC + lax.axis_index("c")
    b0 = wid * _BW
    c0 = wid * _CT

    iota = lax.iota(jnp.int32, 16)
    r_lo = (lax.shift_right_logical(iota, 3) * (_CT * 8)
            + lax.bitwise_and(iota, 7))
    r_hi = r_lo + 2 * (_CT * 8)

    def idx_start(s, b):
        pltpu.async_copy(idx_hbm.at[pl.ds(s * _NB + b0, _BW)], idx_v[b],
                         isem[b])

    def idx_wait(b):
        pltpu.make_async_copy(idx_hbm.at[pl.ds(b0, _BW)], idx_v[b],
                              isem[b]).wait()

    def gather_start(b):
        pltpu.async_copy(table_hbm.at[idx_v[b]], rows_v[b], gsem[b])

    def gather_wait(b):
        pltpu.make_async_copy(table_hbm.at[idx_v[b]], rows_v[b],
                              gsem[b]).wait()

    def store_start(s, b):
        for t in range(_DT):
            pltpu.async_copy(
                tr_v[b].at[pl.ds(t * _CT * 8, _CT * 8), pl.ds(0, 128)],
                out_hbm.at[pl.ds((((s * _DT + t) * _NBT + c0) * 8),
                                 _CT * 8)],
                osem[b])

    def store_wait(b):
        for t in range(_DT):
            pltpu.make_async_copy(
                tr_v[b].at[pl.ds(t * _CT * 8, _CT * 8), pl.ds(0, 128)],
                out_hbm.at[pl.ds((t * _NBT + c0) * 8, _CT * 8)],
                osem[b]).wait()

    def transpose(b):
        rows = rows_v[b]
        tr = tr_v[b]

        @plsc.parallel_loop(0, _BW, unroll=8)
        def _(row):
            ct8 = lax.shift_right_logical(row, 7) * 8
            db = lax.bitwise_and(row, 127)
            lo = jnp.full((16,), ct8, jnp.int32) + r_lo
            hi = jnp.full((16,), ct8, jnp.int32) + r_hi
            dbs = jnp.full((16,), db, jnp.int32)
            plsc.store_scatter(tr, [lo, dbs], rows[row, pl.ds(0, 16)])
            plsc.store_scatter(tr, [hi, dbs], rows[row, pl.ds(16, 16)])

    def stage(s, b, do_idx, do_gather, first):
        nb = 1 - b
        gather_wait(b)
        if do_idx:
            idx_start(s + 2, b)
        if do_gather:
            idx_wait(nb)
            gather_start(nb)
        if not first:
            store_wait(b)
        transpose(b)
        store_start(s, b)

    idx_start(0, 0)
    idx_start(1, 1)
    idx_wait(0)
    gather_start(0)

    stage(0, 0, True, True, True)
    stage(1, 1, True, True, True)

    def body(jj, carry):
        s0 = 2 * jj
        stage(s0, 0, True, True, False)
        stage(s0 + 1, 1, True, True, False)
        return carry

    lax.fori_loop(1, _S // 2 - 1, body, 0)

    stage(_S - 2, 0, False, True, False)
    stage(_S - 1, 1, False, False, False)
    store_wait(0)
    store_wait(1)


def kernel(actions, weight):
    acts_t = actions.T.reshape(-1).astype(jnp.int32)
    out2 = _embed_gather(acts_t, weight)
    return (out2.reshape(_S, _DT, _NBT, 8, 128)
            .transpose(2, 4, 0, 1, 3)
            .reshape(_NB, _S, _D))

# --- scband reference (transcript-rebuilt; emitter-appended) ---
"""Pipeline reference for scband-action-embedder-88252987998459 (READ-ONLY COPY).

The authoritative reference and input builder live on the scoring server;
editing this copy changes nothing except your own understanding.
"""

import jax, jax.numpy as jnp
import numpy as np

NUM_ACTIONS = 1000000
EMBED_DIM = 32


def setup_inputs(seed: int = 0) -> dict:
    key = jax.random.key(seed)
    k1, k2 = jax.random.split(key)
    actions = jax.random.randint(k1, (16384, 200), 0, NUM_ACTIONS, dtype=jnp.int64 if jax.config.jax_enable_x64 else jnp.int32)
    weight = jax.random.normal(k2, (NUM_ACTIONS, EMBED_DIM), dtype=jnp.float32) * (1.0 / EMBED_DIM ** 0.5)
    return {"actions": actions, "weight": weight}


def reference(actions, weight):
    # Integer-index path of ActionEmbedder.forward: torch.embedding -> gather rows.
    # dropout_p = 0.0, so dropout is identity.
    embed = jnp.take(weight, actions, axis=0)
    return embed

if __name__ == "__main__":
    import jax
    _d = setup_inputs()
    print(jax.jit(kernel)(*tuple(_d.values())))

</pallas_src>

<mosaic_0001>
#map = affine_map<(d0, d1) -> (0)>
#map1 = affine_map<(d0, d1) -> (0, 0)>
module attributes {stable_mosaic.version = 14 : i64} {
  func.func @_embed_gather(%arg0: i32, %arg1: i32, %arg2: memref<3276800xi32, #tpu.memory_space<hbm>>, %arg3: memref<1000000x32xf32, #tpu.memory_space<hbm>>, %arg4: memref<819200x128xf32, #tpu.memory_space<hbm>>, %arg5: memref<512xi32, #tpu.memory_space<vmem>>, %arg6: memref<512xi32, #tpu.memory_space<vmem>>, %arg7: memref<512x32xf32, #tpu.memory_space<vmem>>, %arg8: memref<512x32xf32, #tpu.memory_space<vmem>>, %arg9: memref<128x129xf32, #tpu.memory_space<vmem>>, %arg10: memref<128x129xf32, #tpu.memory_space<vmem>>, %arg11: memref<!tpu.dma_semaphore, #tpu.memory_space<semaphore_mem>>, %arg12: memref<!tpu.dma_semaphore, #tpu.memory_space<semaphore_mem>>, %arg13: memref<!tpu.dma_semaphore, #tpu.memory_space<semaphore_mem>>, %arg14: memref<!tpu.dma_semaphore, #tpu.memory_space<semaphore_mem>>, %arg15: memref<!tpu.dma_semaphore, #tpu.memory_space<semaphore_mem>>, %arg16: memref<!tpu.dma_semaphore, #tpu.memory_space<semaphore_mem>>) attributes {dimension_semantics = [#tpu.dimension_semantics<core_parallel>, #tpu.dimension_semantics<subcore_parallel>], iteration_bounds = array<i64: 2, 16>, scalar_prefetch = 0 : i64, scratch_operands = 12 : i64, tpu.core_type = #tpu.core_type<sc_vector_subcore>, window_params = [{transform_indices = #map}, {transform_indices = #map1}, {transform_indices = #map1}]} {
    %mul3A = arith.constant 2 : i32
    %mul3A_0 = arith.muli %arg1, %mul3A : i32
    %add3A = arith.addi %mul3A_0, %arg0 : i32
    %mul3A_1 = arith.constant 512 : i32
    %mul3A_2 = arith.muli %add3A, %mul3A_1 : i32
    %mul3A_3 = arith.constant 4 : i32
    %mul3A_4 = arith.muli %add3A, %mul3A_3 : i32
    %iota3A = tpu.iota {dimensions = array<i32: 0>} : vector<16xi32>
    %shift_right_logical3A = arith.constant 3 : i32
    %shift_right_logical3A_5 = vector.broadcast %shift_right_logical3A : i32 to vector<16xi32>
    %shift_right_logical3A_6 = arith.shrui %iota3A, %shift_right_logical3A_5 : vector<16xi32>
    %mul3A_7 = arith.constant 32 : i32
    %mul3A_8 = vector.broadcast %mul3A_7 : i32 to vector<16xi32>
    %mul3A_9 = arith.muli %shift_right_logical3A_6, %mul3A_8 : vector<16xi32>
    %and3A = arith.constant 7 : i32
    %and3A_10 = vector.broadcast %and3A : i32 to vector<16xi32>
    %and3A_11 = arith.andi %iota3A, %and3A_10 : vector<16xi32>
    %add3A_12 = arith.addi %mul3A_9, %and3A_11 : vector<16xi32>
    %add3A_13 = arith.constant 64 : i32
    %add3A_14 = vector.broadcast %add3A_13 : i32 to vector<16xi32>
    %add3A_15 = arith.addi %add3A_12, %add3A_14 : vector<16xi32>
    %add3A_16 = arith.constant 0 : i32
    %add3A_17 = arith.addi %add3A_16, %mul3A_2 : i32
    %dma_start3A = tpu.memref_slice %arg2[%add3A_17] : memref<3276800xi32, #tpu.memory_space<hbm>> -> memref<512xi32, #tpu.memory_space<hbm>>
    %dma_start3A_18 = tpu.memref_slice %arg2[%add3A_17] : memref<3276800xi32, #tpu.memory_space<hbm>> -> memref<512xi32, #tpu.memory_space<hbm>>
    tpu.enqueue_dma source(%dma_start3A_18 : memref<512xi32, #tpu.memory_space<hbm>>) target(%arg5 : memref<512xi32, #tpu.memory_space<vmem>>) target_semaphore(%arg11 : memref<!tpu.dma_semaphore, #tpu.memory_space<semaphore_mem>>)
    %add3A_19 = arith.constant 16384 : i32
    %add3A_20 = arith.addi %add3A_19, %mul3A_2 : i32
    %dma_start3A_21 = tpu.memref_slice %arg2[%add3A_20] : memref<3276800xi32, #tpu.memory_space<hbm>> -> memref<512xi32, #tpu.memory_space<hbm>>
    %dma_start3A_22 = tpu.memref_slice %arg2[%add3A_20] : memref<3276800xi32, #tpu.memory_space<hbm>> -> memref<512xi32, #tpu.memory_space<hbm>>
    tpu.enqueue_dma source(%dma_start3A_22 : memref<512xi32, #tpu.memory_space<hbm>>) target(%arg6 : memref<512xi32, #tpu.memory_space<vmem>>) target_semaphore(%arg12 : memref<!tpu.dma_semaphore, #tpu.memory_space<semaphore_mem>>)
    %dma_wait3A = tpu.memref_slice %arg2[%mul3A_2] : memref<3276800xi32, #tpu.memory_space<hbm>> -> memref<512xi32, #tpu.memory_space<hbm>>
    %dma_wait3A_23 = tpu.memref_slice %arg2[%mul3A_2] : memref<3276800xi32, #tpu.memory_space<hbm>> -> memref<512xi32, #tpu.memory_space<hbm>>
    tpu.wait_dma2 semaphore(%arg11 : memref<!tpu.dma_semaphore, #tpu.memory_space<semaphore_mem>>) src(%dma_wait3A_23 : memref<512xi32, #tpu.memory_space<hbm>>) dst(%arg5 : memref<512xi32, #tpu.memory_space<vmem>>)
    %dma_start3A_24 = arith.constant 0 : i32
    %dma_start3A_25 = arith.constant 0 : i32
    %dma_start3A_26 = tpu.memref_slice %arg3[%dma_start3A_24, %dma_start3A_25] : memref<1000000x32xf32, #tpu.memory_space<hbm>> -> memref<1000000x32xf32, #tpu.memory_space<hbm>>
    tpu.enqueue_indirect_dma source(%dma_start3A_26 : memref<1000000x32xf32, #tpu.memory_space<hbm>>) target(%arg7 : memref<512x32xf32, #tpu.memory_space<vmem>>) offsets(%arg5 : memref<512xi32, #tpu.memory_space<vmem>>) semaphore(%arg13 : memref<!tpu.dma_semaphore, #tpu.memory_space<semaphore_mem>>)
    %dma_wait3A_27 = arith.constant 0 : i32
    %dma_wait3A_28 = arith.constant 0 : i32
    %dma_wait3A_29 = tpu.memref_slice %arg3[%dma_wait3A_27, %dma_wait3A_28] : memref<1000000x32xf32, #tpu.memory_space<hbm>> -> memref<1000000x32xf32, #tpu.memory_space<hbm>>
    tpu.wait_indirect_dma semaphore(%arg13 : memref<!tpu.dma_semaphore, #tpu.memory_space<semaphore_mem>>) src(%dma_wait3A_29 : memref<1000000x32xf32, #tpu.memory_space<hbm>>) dst(%arg7 : memref<512x32xf32, #tpu.memory_space<vmem>>)
    %add3A_30 = arith.constant 32768 : i32
    %add3A_31 = arith.addi %add3A_30, %mul3A_2 : i32
    %dma_start3A_32 = tpu.memref_slice %arg2[%add3A_31] : memref<3276800xi32, #tpu.memory_space<hbm>> -> memref<512xi32, #tpu.memory_space<hbm>>
    %dma_start3A_33 = tpu.memref_slice %arg2[%add3A_31] : memref<3276800xi32, #tpu.memory_space<hbm>> -> memref<512xi32, #tpu.memory_space<hbm>>
    tpu.enqueue_dma source(%dma_start3A_33 : memref<512xi32, #tpu.memory_space<hbm>>) target(%arg5 : memref<512xi32, #tpu.memory_space<vmem>>) target_semaphore(%arg11 : memref<!tpu.dma_semaphore, #tpu.memory_space<semaphore_mem>>)
    %dma_wait3A_34 = tpu.memref_slice %arg2[%mul3A_2] : memref<3276800xi32, #tpu.memory_space<hbm>> -> memref<512xi32, #tpu.memory_space<hbm>>
    %dma_wait3A_35 = tpu.memref_slice %arg2[%mul3A_2] : memref<3276800xi32, #tpu.memory_space<hbm>> -> memref<512xi32, #tpu.memory_space<hbm>>
    tpu.wait_dma2 semaphore(%arg12 : memref<!tpu.dma_semaphore, #tpu.memory_space<semaphore_mem>>) src(%dma_wait3A_35 : memref<512xi32, #tpu.memory_space<hbm>>) dst(%arg6 : memref<512xi32, #tpu.memory_space<vmem>>)
    %dma_start3A_36 = arith.constant 0 : i32
    %dma_start3A_37 = arith.constant 0 : i32
    %dma_start3A_38 = tpu.memref_slice %arg3[%dma_start3A_36, %dma_start3A_37] : memref<1000000x32xf32, #tpu.memory_space<hbm>> -> memref<1000000x32xf32, #tpu.memory_space<hbm>>
    tpu.enqueue_indirect_dma source(%dma_start3A_38 : memref<1000000x32xf32, #tpu.memory_space<hbm>>) target(%arg8 : memref<512x32xf32, #tpu.memory_space<vmem>>) offsets(%arg6 : memref<512xi32, #tpu.memory_space<vmem>>) semaphore(%arg14 : memref<!tpu.dma_semaphore, #tpu.memory_space<semaphore_mem>>)
    %parallel_loop3A = arith.constant 0 : i32
    %parallel_loop3A_39 = arith.constant 512 : i32
    %parallel_loop3A_40 = arith.constant 1 : i32
    scf.for %parallel_loop3A_526 = %parallel_loop3A to %parallel_loop3A_39 step %parallel_loop3A_40  : i32 {
      %parallel_loop3A_527 = arith.constant 7 : i32
      %parallel_loop3A_528 = arith.shrui %parallel_loop3A_526, %parallel_loop3A_527 : i32
      %parallel_loop3A_529 = arith.constant 8 : i32
      %parallel_loop3A_530 = arith.muli %parallel_loop3A_528, %parallel_loop3A_529 : i32
      %parallel_loop3A_531 = arith.constant 127 : i32
      %parallel_loop3A_532 = arith.andi %parallel_loop3A_526, %parallel_loop3A_531 : i32
      %parallel_loop3A_533 = vector.broadcast %parallel_loop3A_530 : i32 to vector<16xi32>
      %parallel_loop3A_534 = arith.addi %parallel_loop3A_533, %add3A_12 : vector<16xi32>
      %parallel_loop3A_535 = vector.broadcast %parallel_loop3A_530 : i32 to vector<16xi32>
      %parallel_loop3A_536 = arith.addi %parallel_loop3A_535, %add3A_15 : vector<16xi32>
      %parallel_loop3A_537 = vector.broadcast %parallel_loop3A_532 : i32 to vector<16xi32>
      %parallel_loop3A_538 = arith.index_cast %parallel_loop3A_526 : i32 to index
      %parallel_loop3A_539 = arith.constant 0 : index
      %parallel_loop3A_540 = tpu.vector_load %arg7[%parallel_loop3A_538, %parallel_loop3A_539] {strides = array<i32>} : memref<512x32xf32, #tpu.memory_space<vmem>>, vector<16xf32>,
      tpu.vector_store_idx %arg9[%parallel_loop3A_534, %parallel_loop3A_537], %parallel_loop3A_540 : memref<128x129xf32, #tpu.memory_space<vmem>>[vector<16xi32>, vector<16xi32>], vector<16xf32>,
      %parallel_loop3A_541 = arith.index_cast %parallel_loop3A_526 : i32 to index
      %parallel_loop3A_542 = arith.constant 16 : index
      %parallel_loop3A_543 = tpu.vector_load %arg7[%parallel_loop3A_541, %parallel_loop3A_542] {strides = array<i32>} : memref<512x32xf32, #tpu.memory_space<vmem>>, vector<16xf32>,
      tpu.vector_store_idx %arg9[%parallel_loop3A_536, %parallel_loop3A_537], %parallel_loop3A_543 : memref<128x129xf32, #tpu.memory_space<vmem>>[vector<16xi32>, vector<16xi32>], vector<16xf32>,
    } {sc.loop_unroll_factor = 8 : i64, sc.parallel_access}
    %add3A_41 = arith.constant 0 : i32
    %add3A_42 = arith.addi %add3A_41, %mul3A_4 : i32
    %mul3A_43 = arith.constant 8 : i32
    %mul3A_44 = arith.muli %add3A_42, %mul3A_43 : i32
    %dma_start3A_45 = arith.constant 0 : i32
    %dma_start3A_46 = arith.constant 0 : i32
    %dma_start3A_47 = tpu.memref_slice %arg9[%dma_start3A_45, %dma_start3A_46] : memref<128x129xf32, #tpu.memory_space<vmem>> -> memref<32x128xf32, #tpu.memory_space<vmem>>
    %dma_start3A_48 = arith.constant 0 : i32
    %dma_start3A_49 = tpu.memref_slice %arg4[%mul3A_44, %dma_start3A_48] : memref<819200x128xf32, #tpu.memory_space<hbm>> -> memref<32x128xf32, #tpu.memory_space<hbm>>
    %dma_start3A_50 = arith.constant 0 : i32
    %dma_start3A_51 = tpu.memref_slice %arg4[%mul3A_44, %dma_start3A_50] : memref<819200x128xf32, #tpu.memory_space<hbm>> -> memref<32x128xf32, #tpu.memory_space<hbm>>
    %dma_start3A_52 = arith.constant 0 : i32
    %dma_start3A_53 = arith.constant 0 : i32
    %dma_start3A_54 = tpu.memref_slice %arg9[%dma_start3A_52, %dma_start3A_53] : memref<128x129xf32, #tpu.memory_space<vmem>> -> memref<32x128xf32, #tpu.memory_space<vmem>>
    tpu.enqueue_dma source(%dma_start3A_54 : memref<32x128xf32, #tpu.memory_space<vmem>>) target(%dma_start3A_51 : memref<32x128xf32, #tpu.memory_space<hbm>>) target_semaphore(%arg15 : memref<!tpu.dma_semaphore, #tpu.memory_space<semaphore_mem>>)
    %add3A_55 = arith.constant 128 : i32
    %add3A_56 = arith.addi %add3A_55, %mul3A_4 : i32
    %mul3A_57 = arith.constant 8 : i32
    %mul3A_58 = arith.muli %add3A_56, %mul3A_57 : i32
    %dma_start3A_59 = arith.constant 32 : i32
    %dma_start3A_60 = arith.constant 0 : i32
    %dma_start3A_61 = tpu.memref_slice %arg9[%dma_start3A_59, %dma_start3A_60] : memref<128x129xf32, #tpu.memory_space<vmem>> -> memref<32x128xf32, #tpu.memory_space<vmem>>
    %dma_start3A_62 = arith.constant 0 : i32
    %dma_start3A_63 = tpu.memref_slice %arg4[%mul3A_58, %dma_start3A_62] : memref<819200x128xf32, #tpu.memory_space<hbm>> -> memref<32x128xf32, #tpu.memory_space<hbm>>
    %dma_start3A_64 = arith.constant 0 : i32
    %dma_start3A_65 = tpu.memref_slice %arg4[%mul3A_58, %dma_start3A_64] : memref<819200x128xf32, #tpu.memory_space<hbm>> -> memref<32x128xf32, #tpu.memory_space<hbm>>
    %dma_start3A_66 = arith.constant 32 : i32
    %dma_start3A_67 = arith.constant 0 : i32
    %dma_start3A_68 = tpu.memref_slice %arg9[%dma_start3A_66, %dma_start3A_67] : memref<128x129xf32, #tpu.memory_space<vmem>> -> memref<32x128xf32, #tpu.memory_space<vmem>>
    tpu.enqueue_dma source(%dma_start3A_68 : memref<32x128xf32, #tpu.memory_space<vmem>>) target(%dma_start3A_65 : memref<32x128xf32, #tpu.memory_space<hbm>>) target_semaphore(%arg15 : memref<!tpu.dma_semaphore, #tpu.memory_space<semaphore_mem>>)
    %add3A_69 = arith.constant 256 : i32
    %add3A_70 = arith.addi %add3A_69, %mul3A_4 : i32
    %mul3A_71 = arith.constant 8 : i32
    %mul3A_72 = arith.muli %add3A_70, %mul3A_71 : i32
    %dma_start3A_73 = arith.constant 64 : i32
    %dma_start3A_74 = arith.constant 0 : i32
    %dma_start3A_75 = tpu.memref_slice %arg9[%dma_start3A_73, %dma_start3A_74] : memref<128x129xf32, #tpu.memory_space<vmem>> -> memref<32x128xf32, #tpu.memory_space<vmem>>
    %dma_start3A_76 = arith.constant 0 : i32
    %dma_start3A_77 = tpu.memref_slice %arg4[%mul3A_72, %dma_start3A_76] : memref<819200x128xf32, #tpu.memory_space<hbm>> -> memref<32x128xf32, #tpu.memory_space<hbm>>
    %dma_start3A_78 = arith.constant 0 : i32
    %dma_start3A_79 = tpu.memref_slice %arg4[%mul3A_72, %dma_start3A_78] : memref<819200x128xf32, #tpu.memory_space<hbm>> -> memref<32x128xf32, #tpu.memory_space<hbm>>
    %dma_start3A_80 = arith.constant 64 : i32
    %dma_start3A_81 = arith.constant 0 : i32
    %dma_start3A_82 = tpu.memref_slice %arg9[%dma_start3A_80, %dma_start3A_81] : memref<128x129xf32, #tpu.memory_space<vmem>> -> memref<32x128xf32, #tpu.memory_space<vmem>>
    tpu.enqueue_dma source(%dma_start3A_82 : memref<32x128xf32, #tpu.memory_space<vmem>>) target(%dma_start3A_79 : memref<32x128xf32, #tpu.memory_space<hbm>>) target_semaphore(%arg15 : memref<!tpu.dma_semaphore, #tpu.memory_space<semaphore_mem>>)
    %add3A_83 = arith.constant 384 : i32
    %add3A_84 = arith.addi %add3A_83, %mul3A_4 : i32
    %mul3A_85 = arith.constant 8 : i32
    %mul3A_86 = arith.muli %add3A_84, %mul3A_85 : i32
    %dma_start3A_87 = arith.constant 96 : i32
    %dma_start3A_88 = arith.constant 0 : i32
    %dma_start3A_89 = tpu.memref_slice %arg9[%dma_start3A_87, %dma_start3A_88] : memref<128x129xf32, #tpu.memory_space<vmem>> -> memref<32x128xf32, #tpu.memory_space<vmem>>
    %dma_start3A_90 = arith.constant 0 : i32
    %dma_start3A_91 = tpu.memref_slice %arg4[%mul3A_86, %dma_start3A_90] : memref<819200x128xf32, #tpu.memory_space<hbm>> -> memref<32x128xf32, #tpu.memory_space<hbm>>
    %dma_start3A_92 = arith.constant 0 : i32
    %dma_start3A_93 = tpu.memref_slice %arg4[%mul3A_86, %dma_start3A_92] : memref<819200x128xf32, #tpu.memory_space<hbm>> -> memref<32x128xf32, #tpu.memory_space<hbm>>
    %dma_start3A_94 = arith.constant 96 : i32
    %dma_start3A_95 = arith.constant 0 : i32
    %dma_start3A_96 = tpu.memref_slice %arg9[%dma_start3A_94, %dma_start3A_95] : memref<128x129xf32, #tpu.memory_space<vmem>> -> memref<32x128xf32, #tpu.memory_space<vmem>>
    tpu.enqueue_dma source(%dma_start3A_96 : memref<32x128xf32, #tpu.memory_space<vmem>>) target(%dma_start3A_93 : memref<32x128xf32, #tpu.memory_space<hbm>>) target_semaphore(%arg15 : memref<!tpu.dma_semaphore, #tpu.memory_space<semaphore_mem>>)
    %dma_wait3A_97 = arith.constant 0 : i32
    %dma_wait3A_98 = arith.constant 0 : i32
    %dma_wait3A_99 = tpu.memref_slice %arg3[%dma_wait3A_97, %dma_wait3A_98] : memref<1000000x32xf32, #tpu.memory_space<hbm>> -> memref<1000000x32xf32, #tpu.memory_space<hbm>>
    tpu.wait_indirect_dma semaphore(%arg14 : memref<!tpu.dma_semaphore, #tpu.memory_space<semaphore_mem>>) src(%dma_wait3A_99 : memref<1000000x32xf32, #tpu.memory_space<hbm>>) dst(%arg8 : memref<512x32xf32, #tpu.memory_space<vmem>>)
    %add3A_100 = arith.constant 49152 : i32
    %add3A_101 = arith.addi %add3A_100, %mul3A_2 : i32
    %dma_start3A_102 = tpu.memref_slice %arg2[%add3A_101] : memref<3276800xi32, #tpu.memory_space<hbm>> -> memref<512xi32, #tpu.memory_space<hbm>>
    %dma_start3A_103 = tpu.memref_slice %arg2[%add3A_101] : memref<3276800xi32, #tpu.memory_space<hbm>> -> memref<512xi32, #tpu.memory_space<hbm>>
    tpu.enqueue_dma source(%dma_start3A_103 : memref<512xi32, #tpu.memory_space<hbm>>) target(%arg6 : memref<512xi32, #tpu.memory_space<vmem>>) target_semaphore(%arg12 : memref<!tpu.dma_semaphore, #tpu.memory_space<semaphore_mem>>)
    %dma_wait3A_104 = tpu.memref_slice %arg2[%mul3A_2] : memref<3276800xi32, #tpu.memory_space<hbm>> -> memref<512xi32, #tpu.memory_space<hbm>>
    %dma_wait3A_105 = tpu.memref_slice %arg2[%mul3A_2] : memref<3276800xi32, #tpu.memory_space<hbm>> -> memref<512xi32, #tpu.memory_space<hbm>>
    tpu.wait_dma2 semaphore(%arg11 : memref<!tpu.dma_semaphore, #tpu.memory_space<semaphore_mem>>) src(%dma_wait3A_105 : memref<512xi32, #tpu.memory_space<hbm>>) dst(%arg5 : memref<512xi32, #tpu.memory_space<vmem>>)
    %dma_start3A_106 = arith.constant 0 : i32
    %dma_start3A_107 = arith.constant 0 : i32
    %dma_start3A_108 = tpu.memref_slice %arg3[%dma_start3A_106, %dma_start3A_107] : memref<1000000x32xf32, #tpu.memory_space<hbm>> -> memref<1000000x32xf32, #tpu.memory_space<hbm>>
    tpu.enqueue_indirect_dma source(%dma_start3A_108 : memref<1000000x32xf32, #tpu.memory_space<hbm>>) target(%arg7 : memref<512x32xf32, #tpu.memory_space<vmem>>) offsets(%arg5 : memref<512xi32, #tpu.memory_space<vmem>>) semaphore(%arg13 : memref<!tpu.dma_semaphore, #tpu.memory_space<semaphore_mem>>)
    %parallel_loop3A_109 = arith.constant 0 : i32
    %parallel_loop3A_110 = arith.constant 512 : i32
    %parallel_loop3A_111 = arith.constant 1 : i32
    scf.for %parallel_loop3A_526 = %parallel_loop3A_109 to %parallel_loop3A_110 step %parallel_loop3A_111  : i32 {
      %parallel_loop3A_527 = arith.constant 7 : i32
      %parallel_loop3A_528 = arith.shrui %parallel_loop3A_526, %parallel_loop3A_527 : i32
      %parallel_loop3A_529 = arith.constant 8 : i32
      %parallel_loop3A_530 = arith.muli %parallel_loop3A_528, %parallel_loop3A_529 : i32
      %parallel_loop3A_531 = arith.constant 127 : i32
      %parallel_loop3A_532 = arith.andi %parallel_loop3A_526, %parallel_loop3A_531 : i32
      %parallel_loop3A_533 = vector.broadcast %parallel_loop3A_530 : i32 to vector<16xi32>
      %parallel_loop3A_534 = arith.addi %parallel_loop3A_533, %add3A_12 : vector<16xi32>
      %parallel_loop3A_535 = vector.broadcast %parallel_loop3A_530 : i32 to vector<16xi32>
      %parallel_loop3A_536 = arith.addi %parallel_loop3A_535, %add3A_15 : vector<16xi32>
      %parallel_loop3A_537 = vector.broadcast %parallel_loop3A_532 : i32 to vector<16xi32>
      %parallel_loop3A_538 = arith.index_cast %parallel_loop3A_526 : i32 to index
      %parallel_loop3A_539 = arith.constant 0 : index
      %parallel_loop3A_540 = tpu.vector_load %arg8[%parallel_loop3A_538, %parallel_loop3A_539] {strides = array<i32>} : memref<512x32xf32, #tpu.memory_space<vmem>>, vector<16xf32>,
      tpu.vector_store_idx %arg10[%parallel_loop3A_534, %parallel_loop3A_537], %parallel_loop3A_540 : memref<128x129xf32, #tpu.memory_space<vmem>>[vector<16xi32>, vector<16xi32>], vector<16xf32>,
      %parallel_loop3A_541 = arith.index_cast %parallel_loop3A_526 : i32 to index
      %parallel_loop3A_542 = arith.constant 16 : index
      %parallel_loop3A_543 = tpu.vector_load %arg8[%parallel_loop3A_541, %parallel_loop3A_542] {strides = array<i32>} : memref<512x32xf32, #tpu.memory_space<vmem>>, vector<16xf32>,
      tpu.vector_store_idx %arg10[%parallel_loop3A_536, %parallel_loop3A_537], %parallel_loop3A_543 : memref<128x129xf32, #tpu.memory_space<vmem>>[vector<16xi32>, vector<16xi32>], vector<16xf32>,
    } {sc.loop_unroll_factor = 8 : i64, sc.parallel_access}
    %add3A_112 = arith.constant 512 : i32
    %add3A_113 = arith.addi %add3A_112, %mul3A_4 : i32
    %mul3A_114 = arith.constant 8 : i32
    %mul3A_115 = arith.muli %add3A_113, %mul3A_114 : i32
    %dma_start3A_116 = arith.constant 0 : i32
    %dma_start3A_117 = arith.constant 0 : i32
    %dma_start3A_118 = tpu.memref_slice %arg10[%dma_start3A_116, %dma_start3A_117] : memref<128x129xf32, #tpu.memory_space<vmem>> -> memref<32x128xf32, #tpu.memory_space<vmem>>
    %dma_start3A_119 = arith.constant 0 : i32
    %dma_start3A_120 = tpu.memref_slice %arg4[%mul3A_115, %dma_start3A_119] : memref<819200x128xf32, #tpu.memory_space<hbm>> -> memref<32x128xf32, #tpu.memory_space<hbm>>
    %dma_start3A_121 = arith.constant 0 : i32
    %dma_start3A_122 = tpu.memref_slice %arg4[%mul3A_115, %dma_start3A_121] : memref<819200x128xf32, #tpu.memory_space<hbm>> -> memref<32x128xf32, #tpu.memory_space<hbm>>
    %dma_start3A_123 = arith.constant 0 : i32
    %dma_start3A_124 = arith.constant 0 : i32
    %dma_start3A_125 = tpu.memref_slice %arg10[%dma_start3A_123, %dma_start3A_124] : memref<128x129xf32, #tpu.memory_space<vmem>> -> memref<32x128xf32, #tpu.memory_space<vmem>>
    tpu.enqueue_dma source(%dma_start3A_125 : memref<32x128xf32, #tpu.memory_space<vmem>>) target(%dma_start3A_122 : memref<32x128xf32, #tpu.memory_space<hbm>>) target_semaphore(%arg16 : memref<!tpu.dma_semaphore, #tpu.memory_space<semaphore_mem>>)
    %add3A_126 = arith.constant 640 : i32
    %add3A_127 = arith.addi %add3A_126, %mul3A_4 : i32
    %mul3A_128 = arith.constant 8 : i32
    %mul3A_129 = arith.muli %add3A_127, %mul3A_128 : i32
    %dma_start3A_130 = arith.constant 32 : i32
    %dma_start3A_131 = arith.constant 0 : i32
    %dma_start3A_132 = tpu.memref_slice %arg10[%dma_start3A_130, %dma_start3A_131] : memref<128x129xf32, #tpu.memory_space<vmem>> -> memref<32x128xf32, #tpu.memory_space<vmem>>
    %dma_start3A_133 = arith.constant 0 : i32
    %dma_start3A_134 = tpu.memref_slice %arg4[%mul3A_129, %dma_start3A_133] : memref<819200x128xf32, #tpu.memory_space<hbm>> -> memref<32x128xf32, #tpu.memory_space<hbm>>
    %dma_start3A_135 = arith.constant 0 : i32
    %dma_start3A_136 = tpu.memref_slice %arg4[%mul3A_129, %dma_start3A_135] : memref<819200x128xf32, #tpu.memory_space<hbm>> -> memref<32x128xf32, #tpu.memory_space<hbm>>
    %dma_start3A_137 = arith.constant 32 : i32
    %dma_start3A_138 = arith.constant 0 : i32
    %dma_start3A_139 = tpu.memref_slice %arg10[%dma_start3A_137, %dma_start3A_138] : memref<128x129xf32, #tpu.memory_space<vmem>> -> memref<32x128xf32, #tpu.memory_space<vmem>>
    tpu.enqueue_dma source(%dma_start3A_139 : memref<32x128xf32, #tpu.memory_space<vmem>>) target(%dma_start3A_136 : memref<32x128xf32, #tpu.memory_space<hbm>>) target_semaphore(%arg16 : memref<!tpu.dma_semaphore, #tpu.memory_space<semaphore_mem>>)
    %add3A_140 = arith.constant 768 : i32
    %add3A_141 = arith.addi %add3A_140, %mul3A_4 : i32
    %mul3A_142 = arith.constant 8 : i32
    %mul3A_143 = arith.muli %add3A_141, %mul3A_142 : i32
    %dma_start3A_144 = arith.constant 64 : i32
    %dma_start3A_145 = arith.constant 0 : i32
    %dma_start3A_146 = tpu.memref_slice %arg10[%dma_start3A_144, %dma_start3A_145] : memref<128x129xf32, #tpu.memory_space<vmem>> -> memref<32x128xf32, #tpu.memory_space<vmem>>
    %dma_start3A_147 = arith.constant 0 : i32
    %dma_start3A_148 = tpu.memref_slice %arg4[%mul3A_143, %dma_start3A_147] : memref<819200x128xf32, #tpu.memory_space<hbm>> -> memref<32x128xf32, #tpu.memory_space<hbm>>
    %dma_start3A_149 = arith.constant 0 : i32
    %dma_start3A_150 = tpu.memref_slice %arg4[%mul3A_143, %dma_start3A_149] : memref<819200x128xf32, #tpu.memory_space<hbm>> -> memref<32x128xf32, #tpu.memory_space<hbm>>
    %dma_start3A_151 = arith.constant 64 : i32
    %dma_start3A_152 = arith.constant 0 : i32
    %dma_start3A_153 = tpu.memref_slice %arg10[%dma_start3A_151, %dma_start3A_152] : memref<128x129xf32, #tpu.memory_space<vmem>> -> memref<32x128xf32, #tpu.memory_space<vmem>>
    tpu.enqueue_dma source(%dma_start3A_153 : memref<32x128xf32, #tpu.memory_space<vmem>>) target(%dma_start3A_150 : memref<32x128xf32, #tpu.memory_space<hbm>>) target_semaphore(%arg16 : memref<!tpu.dma_semaphore, #tpu.memory_space<semaphore_mem>>)
    %add3A_154 = arith.constant 896 : i32
    %add3A_155 = arith.addi %add3A_154, %mul3A_4 : i32
    %mul3A_156 = arith.constant 8 : i32
    %mul3A_157 = arith.muli %add3A_155, %mul3A_156 : i32
    %dma_start3A_158 = arith.constant 96 : i32
    %dma_start3A_159 = arith.constant 0 : i32
    %dma_start3A_160 = tpu.memref_slice %arg10[%dma_start3A_158, %dma_start3A_159] : memref<128x129xf32, #tpu.memory_space<vmem>> -> memref<32x128xf32, #tpu.memory_space<vmem>>
    %dma_start3A_161 = arith.constant 0 : i32
    %dma_start3A_162 = tpu.memref_slice %arg4[%mul3A_157, %dma_start3A_161] : memref<819200x128xf32, #tpu.memory_space<hbm>> -> memref<32x128xf32, #tpu.memory_space<hbm>>
    %dma_start3A_163 = arith.constant 0 : i32
    %dma_start3A_164 = tpu.memref_slice %arg4[%mul3A_157, %dma_start3A_163] : memref<819200x128xf32, #tpu.memory_space<hbm>> -> memref<32x128xf32, #tpu.memory_space<hbm>>
    %dma_start3A_165 = arith.constant 96 : i32
    %dma_start3A_166 = arith.constant 0 : i32
    %dma_start3A_167 = tpu.memref_slice %arg10[%dma_start3A_165, %dma_start3A_166] : memref<128x129xf32, #tpu.memory_space<vmem>> -> memref<32x128xf32, #tpu.memory_space<vmem>>
    tpu.enqueue_dma source(%dma_start3A_167 : memref<32x128xf32, #tpu.memory_space<vmem>>) target(%dma_start3A_164 : memref<32x128xf32, #tpu.memory_space<hbm>>) target_semaphore(%arg16 : memref<!tpu.dma_semaphore, #tpu.memory_space<semaphore_mem>>)
    %scan3A = arith.constant 0 : i32
    %scan3A_168 = arith.constant 1 : i32
    %scan3A_169 = arith.constant 98 : i32
    %scan3A_170 = arith.addi %scan3A_168, %scan3A_169 : i32
    %scan3A_171 = arith.constant 1 : i32
    scf.for %scan3A_526 = %scan3A_168 to %scan3A_170 step %scan3A_171  : i32 {
      %mul3A_527 = arith.constant 2 : i32
      %mul3A_528 = arith.muli %mul3A_527, %scan3A_526 : i32
      %dma_wait3A_529 = arith.constant 0 : i32
      %dma_wait3A_530 = arith.constant 0 : i32
      %dma_wait3A_531 = tpu.memref_slice %arg3[%dma_wait3A_529, %dma_wait3A_530] : memref<1000000x32xf32, #tpu.memory_space<hbm>> -> memref<1000000x32xf32, #tpu.memory_space<hbm>>
      tpu.wait_indirect_dma semaphore(%arg13 : memref<!tpu.dma_semaphore, #tpu.memory_space<semaphore_mem>>) src(%dma_wait3A_531 : memref<1000000x32xf32, #tpu.memory_space<hbm>>) dst(%arg7 : memref<512x32xf32, #tpu.memory_space<vmem>>)
      %add3A_532 = arith.constant 2 : i32
      %add3A_533 = arith.addi %mul3A_528, %add3A_532 : i32
      %mul3A_534 = arith.constant 16384 : i32
      %mul3A_535 = arith.muli %add3A_533, %mul3A_534 : i32
      %add3A_536 = arith.addi %mul3A_535, %mul3A_2 : i32
      %dma_start3A_537 = tpu.memref_slice %arg2[%add3A_536] : memref<3276800xi32, #tpu.memory_space<hbm>> -> memref<512xi32, #tpu.memory_space<hbm>>
      %dma_start3A_538 = tpu.memref_slice %arg2[%add3A_536] : memref<3276800xi32, #tpu.memory_space<hbm>> -> memref<512xi32, #tpu.memory_space<hbm>>
      tpu.enqueue_dma source(%dma_start3A_538 : memref<512xi32, #tpu.memory_space<hbm>>) target(%arg5 : memref<512xi32, #tpu.memory_space<vmem>>) target_semaphore(%arg11 : memref<!tpu.dma_semaphore, #tpu.memory_space<semaphore_mem>>)
      %dma_wait3A_539 = tpu.memref_slice %arg2[%mul3A_2] : memref<3276800xi32, #tpu.memory_space<hbm>> -> memref<512xi32, #tpu.memory_space<hbm>>
      %dma_wait3A_540 = tpu.memref_slice %arg2[%mul3A_2] : memref<3276800xi32, #tpu.memory_space<hbm>> -> memref<512xi32, #tpu.memory_space<hbm>>
      tpu.wait_dma2 semaphore(%arg12 : memref<!tpu.dma_semaphore, #tpu.memory_space<semaphore_mem>>) src(%dma_wait3A_540 : memref<512xi32, #tpu.memory_space<hbm>>) dst(%arg6 : memref<512xi32, #tpu.memory_space<vmem>>)
      %dma_start3A_541 = arith.constant 0 : i32
      %dma_start3A_542 = arith.constant 0 : i32
      %dma_start3A_543 = tpu.memref_slice %arg3[%dma_start3A_541, %dma_start3A_542] : memref<1000000x32xf32, #tpu.memory_space<hbm>> -> memref<1000000x32xf32, #tpu.memory_space<hbm>>
      tpu.enqueue_indirect_dma source(%dma_start3A_543 : memref<1000000x32xf32, #tpu.memory_space<hbm>>) target(%arg8 : memref<512x32xf32, #tpu.memory_space<vmem>>) offsets(%arg6 : memref<512xi32, #tpu.memory_space<vmem>>) semaphore(%arg14 : memref<!tpu.dma_semaphore, #tpu.memory_space<semaphore_mem>>)
      %add3A_544 = arith.constant 0 : i32
      %add3A_545 = arith.addi %add3A_544, %mul3A_4 : i32
      %mul3A_546 = arith.constant 8 : i32
      %mul3A_547 = arith.muli %add3A_545, %mul3A_546 : i32
      %dma_wait3A_548 = arith.constant 0 : i32
      %dma_wait3A_549 = arith.constant 0 : i32
      %dma_wait3A_550 = tpu.memref_slice %arg9[%dma_wait3A_548, %dma_wait3A_549] : memref<128x129xf32, #tpu.memory_space<vmem>> -> memref<32x128xf32, #tpu.memory_space<vmem>>
      %dma_wait3A_551 = arith.constant 0 : i32
      %dma_wait3A_552 = tpu.memref_slice %arg4[%mul3A_547, %dma_wait3A_551] : memref<819200x128xf32, #tpu.memory_space<hbm>> -> memref<32x128xf32, #tpu.memory_space<hbm>>
      %dma_wait3A_553 = arith.constant 0 : i32
      %dma_wait3A_554 = tpu.memref_slice %arg4[%mul3A_547, %dma_wait3A_553] : memref<819200x128xf32, #tpu.memory_space<hbm>> -> memref<32x128xf32, #tpu.memory_space<hbm>>
      %dma_wait3A_555 = arith.constant 0 : i32
      %dma_wait3A_556 = arith.constant 0 : i32
      %dma_wait3A_557 = tpu.memref_slice %arg9[%dma_wait3A_555, %dma_wait3A_556] : memref<128x129xf32, #tpu.memory_space<vmem>> -> memref<32x128xf32, #tpu.memory_space<vmem>>
      tpu.wait_dma2 semaphore(%arg15 : memref<!tpu.dma_semaphore, #tpu.memory_space<semaphore_mem>>) src(%dma_wait3A_557 : memref<32x128xf32, #tpu.memory_space<vmem>>) dst(%dma_wait3A_554 : memref<32x128xf32, #tpu.memory_space<hbm>>)
      %add3A_558 = arith.constant 128 : i32
      %add3A_559 = arith.addi %add3A_558, %mul3A_4 : i32
      %mul3A_560 = arith.constant 8 : i32
      %mul3A_561 = arith.muli %add3A_559, %mul3A_560 : i32
      %dma_wait3A_562 = arith.constant 32 : i32
      %dma_wait3A_563 = arith.constant 0 : i32
      %dma_wait3A_564 = tpu.memref_slice %arg9[%dma_wait3A_562, %dma_wait3A_563] : memref<128x129xf32, #tpu.memory_space<vmem>> -> memref<32x128xf32, #tpu.memory_space<vmem>>
      %dma_wait3A_565 = arith.constant 0 : i32
      %dma_wait3A_566 = tpu.memref_slice %arg4[%mul3A_561, %dma_wait3A_565] : memref<819200x128xf32, #tpu.memory_space<hbm>> -> memref<32x128xf32, #tpu.memory_space<hbm>>
      %dma_wait3A_567 = arith.constant 0 : i32
      %dma_wait3A_568 = tpu.memref_slice %arg4[%mul3A_561, %dma_wait3A_567] : memref<819200x128xf32, #tpu.memory_space<hbm>> -> memref<32x128xf32, #tpu.memory_space<hbm>>
      %dma_wait3A_569 = arith.constant 32 : i32
      %dma_wait3A_570 = arith.constant 0 : i32
      %dma_wait3A_571 = tpu.memref_slice %arg9[%dma_wait3A_569, %dma_wait3A_570] : memref<128x129xf32, #tpu.memory_space<vmem>> -> memref<32x128xf32, #tpu.memory_space<vmem>>
      tpu.wait_dma2 semaphore(%arg15 : memref<!tpu.dma_semaphore, #tpu.memory_space<semaphore_mem>>) src(%dma_wait3A_571 : memref<32x128xf32, #tpu.memory_space<vmem>>) dst(%dma_wait3A_568 : memref<32x128xf32, #tpu.memory_space<hbm>>)
      %add3A_572 = arith.constant 256 : i32
      %add3A_573 = arith.addi %add3A_572, %mul3A_4 : i32
      %mul3A_574 = arith.constant 8 : i32
      %mul3A_575 = arith.muli %add3A_573, %mul3A_574 : i32
      %dma_wait3A_576 = arith.constant 64 : i32
      %dma_wait3A_577 = arith.constant 0 : i32
      %dma_wait3A_578 = tpu.memref_slice %arg9[%dma_wait3A_576, %dma_wait3A_577] : memref<128x129xf32, #tpu.memory_space<vmem>> -> memref<32x128xf32, #tpu.memory_space<vmem>>
      %dma_wait3A_579 = arith.constant 0 : i32
      %dma_wait3A_580 = tpu.memref_slice %arg4[%mul3A_575, %dma_wait3A_579] : memref<819200x128xf32, #tpu.memory_space<hbm>> -> memref<32x128xf32, #tpu.memory_space<hbm>>
      %dma_wait3A_581 = arith.constant 0 : i32
      %dma_wait3A_582 = tpu.memref_slice %arg4[%mul3A_575, %dma_wait3A_581] : memref<819200x128xf32, #tpu.memory_space<hbm>> -> memref<32x128xf32, #tpu.memory_space<hbm>>
      %dma_wait3A_583 = arith.constant 64 : i32
      %dma_wait3A_584 = arith.constant 0 : i32
      %dma_wait3A_585 = tpu.memref_slice %arg9[%dma_wait3A_583, %dma_wait3A_584] : memref<128x129xf32, #tpu.memory_space<vmem>> -> memref<32x128xf32, #tpu.memory_space<vmem>>
      tpu.wait_dma2 semaphore(%arg15 : memref<!tpu.dma_semaphore, #tpu.memory_space<semaphore_mem>>) src(%dma_wait3A_585 : memref<32x128xf32, #tpu.memory_space<vmem>>) dst(%dma_wait3A_582 : memref<32x128xf32, #tpu.memory_space<hbm>>)
      %add3A_586 = arith.constant 384 : i32
      %add3A_587 = arith.addi %add3A_586, %mul3A_4 : i32
      %mul3A_588 = arith.constant 8 : i32
      %mul3A_589 = arith.muli %add3A_587, %mul3A_588 : i32
      %dma_wait3A_590 = arith.constant 96 : i32
      %dma_wait3A_591 = arith.constant 0 : i32
      %dma_wait3A_592 = tpu.memref_slice %arg9[%dma_wait3A_590, %dma_wait3A_591] : memref<128x129xf32, #tpu.memory_space<vmem>> -> memref<32x128xf32, #tpu.memory_space<vmem>>
      %dma_wait3A_593 = arith.constant 0 : i32
      %dma_wait3A_594 = tpu.memref_slice %arg4[%mul3A_589, %dma_wait3A_593] : memref<819200x128xf32, #tpu.memory_space<hbm>> -> memref<32x128xf32, #tpu.memory_space<hbm>>
      %dma_wait3A_595 = arith.constant 0 : i32
      %dma_wait3A_596 = tpu.memref_slice %arg4[%mul3A_589, %dma_wait3A_595] : memref<819200x128xf32, #tpu.memory_space<hbm>> -> memref<32x128xf32, #tpu.memory_space<hbm>>
      %dma_wait3A_597 = arith.constant 96 : i32
      %dma_wait3A_598 = arith.constant 0 : i32
      %dma_wait3A_599 = tpu.memref_slice %arg9[%dma_wait3A_597, %dma_wait3A_598] : memref<128x129xf32, #tpu.memory_space<vmem>> -> memref<32x128xf32, #tpu.memory_space<vmem>>
      tpu.wait_dma2 semaphore(%arg15 : memref<!tpu.dma_semaphore, #tpu.memory_space<semaphore_mem>>) src(%dma_wait3A_599 : memref<32x128xf32, #tpu.memory_space<vmem>>) dst(%dma_wait3A_596 : memref<32x128xf32, #tpu.memory_space<hbm>>)
      %parallel_loop3A_600 = arith.constant 0 : i32
      %parallel_loop3A_601 = arith.constant 512 : i32
      %parallel_loop3A_602 = arith.constant 1 : i32
      scf.for %parallel_loop3A_831 = %parallel_loop3A_600 to %parallel_loop3A_601 step %parallel_loop3A_602  : i32 {
        %parallel_loop3A_832 = arith.constant 7 : i32
        %parallel_loop3A_833 = arith.shrui %parallel_loop3A_831, %parallel_loop3A_832 : i32
        %parallel_loop3A_834 = arith.constant 8 : i32
        %parallel_loop3A_835 = arith.muli %parallel_loop3A_833, %parallel_loop3A_834 : i32
        %parallel_loop3A_836 = arith.constant 127 : i32
        %parallel_loop3A_837 = arith.andi %parallel_loop3A_831, %parallel_loop3A_836 : i32
        %parallel_loop3A_838 = vector.broadcast %parallel_loop3A_835 : i32 to vector<16xi32>
        %parallel_loop3A_839 = arith.addi %parallel_loop3A_838, %add3A_12 : vector<16xi32>
        %parallel_loop3A_840 = vector.broadcast %parallel_loop3A_835 : i32 to vector<16xi32>
        %parallel_loop3A_841 = arith.addi %parallel_loop3A_840, %add3A_15 : vector<16xi32>
        %parallel_loop3A_842 = vector.broadcast %parallel_loop3A_837 : i32 to vector<16xi32>
        %parallel_loop3A_843 = arith.index_cast %parallel_loop3A_831 : i32 to index
        %parallel_loop3A_844 = arith.constant 0 : index
        %parallel_loop3A_845 = tpu.vector_load %arg7[%parallel_loop3A_843, %parallel_loop3A_844] {strides = array<i32>} : memref<512x32xf32, #tpu.memory_space<vmem>>, vector<16xf32>,
        tpu.vector_store_idx %arg9[%parallel_loop3A_839, %parallel_loop3A_842], %parallel_loop3A_845 : memref<128x129xf32, #tpu.memory_space<vmem>>[vector<16xi32>, vector<16xi32>], vector<16xf32>,
        %parallel_loop3A_846 = arith.index_cast %parallel_loop3A_831 : i32 to index
        %parallel_loop3A_847 = arith.constant 16 : index
        %parallel_loop3A_848 = tpu.vector_load %arg7[%parallel_loop3A_846, %parallel_loop3A_847] {strides = array<i32>} : memref<512x32xf32, #tpu.memory_space<vmem>>, vector<16xf32>,
        tpu.vector_store_idx %arg9[%parallel_loop3A_841, %parallel_loop3A_842], %parallel_loop3A_848 : memref<128x129xf32, #tpu.memory_space<vmem>>[vector<16xi32>, vector<16xi32>], vector<16xf32>,
      } {sc.loop_unroll_factor = 8 : i64, sc.parallel_access}
      %mul3A_603 = arith.constant 4 : i32
      %mul3A_604 = arith.muli %mul3A_528, %mul3A_603 : i32
      %add3A_605 = arith.constant 0 : i32
      %add3A_606 = arith.addi %mul3A_604, %add3A_605 : i32
      %mul3A_607 = arith.constant 128 : i32
      %mul3A_608 = arith.muli %add3A_606, %mul3A_607 : i32
      %add3A_609 = arith.addi %mul3A_608, %mul3A_4 : i32
      %mul3A_610 = arith.constant 8 : i32
      %mul3A_611 = arith.muli %add3A_609, %mul3A_610 : i32
      %dma_start3A_612 = arith.constant 0 : i32
      %dma_start3A_613 = arith.constant 0 : i32
      %dma_start3A_614 = tpu.memref_slice %arg9[%dma_start3A_612, %dma_start3A_613] : memref<128x129xf32, #tpu.memory_space<vmem>> -> memref<32x128xf32, #tpu.memory_space<vmem>>
      %dma_start3A_615 = arith.constant 0 : i32
      %dma_start3A_616 = tpu.memref_slice %arg4[%mul3A_611, %dma_start3A_615] : memref<819200x128xf32, #tpu.memory_space<hbm>> -> memref<32x128xf32, #tpu.memory_space<hbm>>
      %dma_start3A_617 = arith.constant 0 : i32
      %dma_start3A_618 = tpu.memref_slice %arg4[%mul3A_611, %dma_start3A_617] : memref<819200x128xf32, #tpu.memory_space<hbm>> -> memref<32x128xf32, #tpu.memory_space<hbm>>
      %dma_start3A_619 = arith.constant 0 : i32
      %dma_start3A_620 = arith.constant 0 : i32
      %dma_start3A_621 = tpu.memref_slice %arg9[%dma_start3A_619, %dma_start3A_620] : memref<128x129xf32, #tpu.memory_space<vmem>> -> memref<32x128xf32, #tpu.memory_space<vmem>>
      tpu.enqueue_dma source(%dma_start3A_621 : memref<32x128xf32, #tpu.memory_space<vmem>>) target(%dma_start3A_618 : memref<32x128xf32, #tpu.memory_space<hbm>>) target_semaphore(%arg15 : memref<!tpu.dma_semaphore, #tpu.memory_space<semaphore_mem>>)
      %mul3A_622 = arith.constant 4 : i32
      %mul3A_623 = arith.muli %mul3A_528, %mul3A_622 : i32
      %add3A_624 = arith.constant 1 : i32
      %add3A_625 = arith.addi %mul3A_623, %add3A_624 : i32
      %mul3A_626 = arith.constant 128 : i32
      %mul3A_627 = arith.muli %add3A_625, %mul3A_626 : i32
      %add3A_628 = arith.addi %mul3A_627, %mul3A_4 : i32
      %mul3A_629 = arith.constant 8 : i32
      %mul3A_630 = arith.muli %add3A_628, %mul3A_629 : i32
      %dma_start3A_631 = arith.constant 32 : i32
      %dma_start3A_632 = arith.constant 0 : i32
      %dma_start3A_633 = tpu.memref_slice %arg9[%dma_start3A_631, %dma_start3A_632] : memref<128x129xf32, #tpu.memory_space<vmem>> -> memref<32x128xf32, #tpu.memory_space<vmem>>
      %dma_start3A_634 = arith.constant 0 : i32
      %dma_start3A_635 = tpu.memref_slice %arg4[%mul3A_630, %dma_start3A_634] : memref<819200x128xf32, #tpu.memory_space<hbm>> -> memref<32x128xf32, #tpu.memory_space<hbm>>
      %dma_start3A_636 = arith.constant 0 : i32
      %dma_start3A_637 = tpu.memref_slice %arg4[%mul3A_630, %dma_start3A_636] : memref<819200x128xf32, #tpu.memory_space<hbm>> -> memref<32x128xf32, #tpu.memory_space<hbm>>
      %dma_start3A_638 = arith.constant 32 : i32
      %dma_start3A_639 = arith.constant 0 : i32
      %dma_start3A_640 = tpu.memref_slice %arg9[%dma_start3A_638, %dma_start3A_639] : memref<128x129xf32, #tpu.memory_space<vmem>> -> memref<32x128xf32, #tpu.memory_space<vmem>>
      tpu.enqueue_dma source(%dma_start3A_640 : memref<32x128xf32, #tpu.memory_space<vmem>>) target(%dma_start3A_637 : memref<32x128xf32, #tpu.memory_space<hbm>>) target_semaphore(%arg15 : memref<!tpu.dma_semaphore, #tpu.memory_space<semaphore_mem>>)
      %mul3A_641 = arith.constant 4 : i32
      %mul3A_642 = arith.muli %mul3A_528, %mul3A_641 : i32
      %add3A_643 = arith.constant 2 : i32
      %add3A_644 = arith.addi %mul3A_642, %add3A_643 : i32
      %mul3A_645 = arith.constant 128 : i32
      %mul3A_646 = arith.muli %add3A_644, %mul3A_645 : i32
      %add3A_647 = arith.addi %mul3A_646, %mul3A_4 : i32
      %mul3A_648 = arith.constant 8 : i32
      %mul3A_649 = arith.muli %add3A_647, %mul3A_648 : i32
      %dma_start3A_650 = arith.constant 64 : i32
      %dma_start3A_651 = arith.constant 0 : i32
      %dma_start3A_652 = tpu.memref_slice %arg9[%dma_start3A_650, %dma_start3A_651] : memref<128x129xf32, #tpu.memory_space<vmem>> -> memref<32x128xf32, #tpu.memory_space<vmem>>
      %dma_start3A_653 = arith.constant 0 : i32
      %dma_start3A_654 = tpu.memref_slice %arg4[%mul3A_649, %dma_start3A_653] : memref<819200x128xf32, #tpu.memory_space<hbm>> -> memref<32x128xf32, #tpu.memory_space<hbm>>
      %dma_start3A_655 = arith.constant 0 : i32
      %dma_start3A_656 = tpu.memref_slice %arg4[%mul3A_649, %dma_start3A_655] : memref<819200x128xf32, #tpu.memory_space<hbm>> -> memref<32x128xf32, #tpu.memory_space<hbm>>
      %dma_start3A_657 = arith.constant 64 : i32
      %dma_start3A_658 = arith.constant 0 : i32
      %dma_start3A_659 = tpu.memref_slice %arg9[%dma_start3A_657, %dma_start3A_658] : memref<128x129xf32, #tpu.memory_space<vmem>> -> memref<32x128xf32, #tpu.memory_space<vmem>>
      tpu.enqueue_dma source(%dma_start3A_659 : memref<32x128xf32, #tpu.memory_space<vmem>>) target(%dma_start3A_656 : memref<32x128xf32, #tpu.memory_space<hbm>>) target_semaphore(%arg15 : memref<!tpu.dma_semaphore, #tpu.memory_space<semaphore_mem>>)
      %mul3A_660 = arith.constant 4 : i32
      %mul3A_661 = arith.muli %mul3A_528, %mul3A_660 : i32
      %add3A_662 = arith.constant 3 : i32
      %add3A_663 = arith.addi %mul3A_661, %add3A_662 : i32
      %mul3A_664 = arith.constant 128 : i32
      %mul3A_665 = arith.muli %add3A_663, %mul3A_664 : i32
      %add3A_666 = arith.addi %mul3A_665, %mul3A_4 : i32
      %mul3A_667 = arith.constant 8 : i32
      %mul3A_668 = arith.muli %add3A_666, %mul3A_667 : i32
      %dma_start3A_669 = arith.constant 96 : i32
      %dma_start3A_670 = arith.constant 0 : i32
      %dma_start3A_671 = tpu.memref_slice %arg9[%dma_start3A_669, %dma_start3A_670] : memref<128x129xf32, #tpu.memory_space<vmem>> -> memref<32x128xf32, #tpu.memory_space<vmem>>
      %dma_start3A_672 = arith.constant 0 : i32
      %dma_start3A_673 = tpu.memref_slice %arg4[%mul3A_668, %dma_start3A_672] : memref<819200x128xf32, #tpu.memory_space<hbm>> -> memref<32x128xf32, #tpu.memory_space<hbm>>
      %dma_start3A_674 = arith.constant 0 : i32
      %dma_start3A_675 = tpu.memref_slice %arg4[%mul3A_668, %dma_start3A_674] : memref<819200x128xf32, #tpu.memory_space<hbm>> -> memref<32x128xf32, #tpu.memory_space<hbm>>
      %dma_start3A_676 = arith.constant 96 : i32
      %dma_start3A_677 = arith.constant 0 : i32
      %dma_start3A_678 = tpu.memref_slice %arg9[%dma_start3A_676, %dma_start3A_677] : memref<128x129xf32, #tpu.memory_space<vmem>> -> memref<32x128xf32, #tpu.memory_space<vmem>>
      tpu.enqueue_dma source(%dma_start3A_678 : memref<32x128xf32, #tpu.memory_space<vmem>>) target(%dma_start3A_675 : memref<32x128xf32, #tpu.memory_space<hbm>>) target_semaphore(%arg15 : memref<!tpu.dma_semaphore, #tpu.memory_space<semaphore_mem>>)
      %add3A_679 = arith.constant 1 : i32
      %add3A_680 = arith.addi %mul3A_528, %add3A_679 : i32
      %dma_wait3A_681 = arith.constant 0 : i32
      %dma_wait3A_682 = arith.constant 0 : i32
      %dma_wait3A_683 = tpu.memref_slice %arg3[%dma_wait3A_681, %dma_wait3A_682] : memref<1000000x32xf32, #tpu.memory_space<hbm>> -> memref<1000000x32xf32, #tpu.memory_space<hbm>>
      tpu.wait_indirect_dma semaphore(%arg14 : memref<!tpu.dma_semaphore, #tpu.memory_space<semaphore_mem>>) src(%dma_wait3A_683 : memref<1000000x32xf32, #tpu.memory_space<hbm>>) dst(%arg8 : memref<512x32xf32, #tpu.memory_space<vmem>>)
      %add3A_684 = arith.constant 2 : i32
      %add3A_685 = arith.addi %add3A_680, %add3A_684 : i32
      %mul3A_686 = arith.constant 16384 : i32
      %mul3A_687 = arith.muli %add3A_685, %mul3A_686 : i32
      %add3A_688 = arith.addi %mul3A_687, %mul3A_2 : i32
      %dma_start3A_689 = tpu.memref_slice %arg2[%add3A_688] : memref<3276800xi32, #tpu.memory_space<hbm>> -> memref<512xi32, #tpu.memory_space<hbm>>
      %dma_start3A_690 = tpu.memref_slice %arg2[%add3A_688] : memref<3276800xi32, #tpu.memory_space<hbm>> -> memref<512xi32, #tpu.memory_space<hbm>>
      tpu.enqueue_dma source(%dma_start3A_690 : memref<512xi32, #tpu.memory_space<hbm>>) target(%arg6 : memref<512xi32, #tpu.memory_space<vmem>>) target_semaphore(%arg12 : memref<!tpu.dma_semaphore, #tpu.memory_space<semaphore_mem>>)
      %dma_wait3A_691 = tpu.memref_slice %arg2[%mul3A_2] : memref<3276800xi32, #tpu.memory_space<hbm>> -> memref<512xi32, #tpu.memory_space<hbm>>
      %dma_wait3A_692 = tpu.memref_slice %arg2[%mul3A_2] : memref<3276800xi32, #tpu.memory_space<hbm>> -> memref<512xi32, #tpu.memory_space<hbm>>
      tpu.wait_dma2 semaphore(%arg11 : memref<!tpu.dma_semaphore, #tpu.memory_space<semaphore_mem>>) src(%dma_wait3A_692 : memref<512xi32, #tpu.memory_space<hbm>>) dst(%arg5 : memref<512xi32, #tpu.memory_space<vmem>>)
      %dma_start3A_693 = arith.constant 0 : i32
      %dma_start3A_694 = arith.constant 0 : i32
      %dma_start3A_695 = tpu.memref_slice %arg3[%dma_start3A_693, %dma_start3A_694] : memref<1000000x32xf32, #tpu.memory_space<hbm>> -> memref<1000000x32xf32, #tpu.memory_space<hbm>>
      tpu.enqueue_indirect_dma source(%dma_start3A_695 : memref<1000000x32xf32, #tpu.memory_space<hbm>>) target(%arg7 : memref<512x32xf32, #tpu.memory_space<vmem>>) offsets(%arg5 : memref<512xi32, #tpu.memory_space<vmem>>) semaphore(%arg13 : memref<!tpu.dma_semaphore, #tpu.memory_space<semaphore_mem>>)
      %add3A_696 = arith.constant 0 : i32
      %add3A_697 = arith.addi %add3A_696, %mul3A_4 : i32
      %mul3A_698 = arith.constant 8 : i32
      %mul3A_699 = arith.muli %add3A_697, %mul3A_698 : i32
      %dma_wait3A_700 = arith.constant 0 : i32
      %dma_wait3A_701 = arith.constant 0 : i32
      %dma_wait3A_702 = tpu.memref_slice %arg10[%dma_wait3A_700, %dma_wait3A_701] : memref<128x129xf32, #tpu.memory_space<vmem>> -> memref<32x128xf32, #tpu.memory_space<vmem>>
      %dma_wait3A_703 = arith.constant 0 : i32
      %dma_wait3A_704 = tpu.memref_slice %arg4[%mul3A_699, %dma_wait3A_703] : memref<819200x128xf32, #tpu.memory_space<hbm>> -> memref<32x128xf32, #tpu.memory_space<hbm>>
      %dma_wait3A_705 = arith.constant 0 : i32
      %dma_wait3A_706 = tpu.memref_slice %arg4[%mul3A_699, %dma_wait3A_705] : memref<819200x128xf32, #tpu.memory_space<hbm>> -> memref<32x128xf32, #tpu.memory_space<hbm>>
      %dma_wait3A_707 = arith.constant 0 : i32
      %dma_wait3A_708 = arith.constant 0 : i32
      %dma_wait3A_709 = tpu.memref_slice %arg10[%dma_wait3A_707, %dma_wait3A_708] : memref<128x129xf32, #tpu.memory_space<vmem>> -> memref<32x128xf32, #tpu.memory_space<vmem>>
      tpu.wait_dma2 semaphore(%arg16 : memref<!tpu.dma_semaphore, #tpu.memory_space<semaphore_mem>>) src(%dma_wait3A_709 : memref<32x128xf32, #tpu.memory_space<vmem>>) dst(%dma_wait3A_706 : memref<32x128xf32, #tpu.memory_space<hbm>>)
      %add3A_710 = arith.constant 128 : i32
      %add3A_711 = arith.addi %add3A_710, %mul3A_4 : i32
      %mul3A_712 = arith.constant 8 : i32
      %mul3A_713 = arith.muli %add3A_711, %mul3A_712 : i32
      %dma_wait3A_714 = arith.constant 32 : i32
      %dma_wait3A_715 = arith.constant 0 : i32
      %dma_wait3A_716 = tpu.memref_slice %arg10[%dma_wait3A_714, %dma_wait3A_715] : memref<128x129xf32, #tpu.memory_space<vmem>> -> memref<32x128xf32, #tpu.memory_space<vmem>>
      %dma_wait3A_717 = arith.constant 0 : i32
      %dma_wait3A_718 = tpu.memref_slice %arg4[%mul3A_713, %dma_wait3A_717] : memref<819200x128xf32, #tpu.memory_space<hbm>> -> memref<32x128xf32, #tpu.memory_space<hbm>>
      %dma_wait3A_719 = arith.constant 0 : i32
      %dma_wait3A_720 = tpu.memref_slice %arg4[%mul3A_713, %dma_wait3A_719] : memref<819200x128xf32, #tpu.memory_space<hbm>> -> memref<32x128xf32, #tpu.memory_space<hbm>>
      %dma_wait3A_721 = arith.constant 32 : i32
      %dma_wait3A_722 = arith.constant 0 : i32
      %dma_wait3A_723 = tpu.memref_slice %arg10[%dma_wait3A_721, %dma_wait3A_722] : memref<128x129xf32, #tpu.memory_space<vmem>> -> memref<32x128xf32, #tpu.memory_space<vmem>>
      tpu.wait_dma2 semaphore(%arg16 : memref<!tpu.dma_semaphore, #tpu.memory_space<semaphore_mem>>) src(%dma_wait3A_723 : memref<32x128xf32, #tpu.memory_space<vmem>>) dst(%dma_wait3A_720 : memref<32x128xf32, #tpu.memory_space<hbm>>)
      %add3A_724 = arith.constant 256 : i32
      %add3A_725 = arith.addi %add3A_724, %mul3A_4 : i32
      %mul3A_726 = arith.constant 8 : i32
      %mul3A_727 = arith.muli %add3A_725, %mul3A_726 : i32
      %dma_wait3A_728 = arith.constant 64 : i32
      %dma_wait3A_729 = arith.constant 0 : i32
      %dma_wait3A_730 = tpu.memref_slice %arg10[%dma_wait3A_728, %dma_wait3A_729] : memref<128x129xf32, #tpu.memory_space<vmem>> -> memref<32x128xf32, #tpu.memory_space<vmem>>
      %dma_wait3A_731 = arith.constant 0 : i32
      %dma_wait3A_732 = tpu.memref_slice %arg4[%mul3A_727, %dma_wait3A_731] : memref<819200x128xf32, #tpu.memory_space<hbm>> -> memref<32x128xf32, #tpu.memory_space<hbm>>
      %dma_wait3A_733 = arith.constant 0 : i32
      %dma_wait3A_734 = tpu.memref_slice %arg4[%mul3A_727, %dma_wait3A_733] : memref<819200x128xf32, #tpu.memory_space<hbm>> -> memref<32x128xf32, #tpu.memory_space<hbm>>
      %dma_wait3A_735 = arith.constant 64 : i32
      %dma_wait3A_736 = arith.constant 0 : i32
      %dma_wait3A_737 = tpu.memref_slice %arg10[%dma_wait3A_735, %dma_wait3A_736] : memref<128x129xf32, #tpu.memory_space<vmem>> -> memref<32x128xf32, #tpu.memory_space<vmem>>
      tpu.wait_dma2 semaphore(%arg16 : memref<!tpu.dma_semaphore, #tpu.memory_space<semaphore_mem>>) src(%dma_wait3A_737 : memref<32x128xf32, #tpu.memory_space<vmem>>) dst(%dma_wait3A_734 : memref<32x128xf32, #tpu.memory_space<hbm>>)
      %add3A_738 = arith.constant 384 : i32
      %add3A_739 = arith.addi %add3A_738, %mul3A_4 : i32
      %mul3A_740 = arith.constant 8 : i32
      %mul3A_741 = arith.muli %add3A_739, %mul3A_740 : i32
      %dma_wait3A_742 = arith.constant 96 : i32
      %dma_wait3A_743 = arith.constant 0 : i32
      %dma_wait3A_744 = tpu.memref_slice %arg10[%dma_wait3A_742, %dma_wait3A_743] : memref<128x129xf32, #tpu.memory_space<vmem>> -> memref<32x128xf32, #tpu.memory_space<vmem>>
      %dma_wait3A_745 = arith.constant 0 : i32
      %dma_wait3A_746 = tpu.memref_slice %arg4[%mul3A_741, %dma_wait3A_745] : memref<819200x128xf32, #tpu.memory_space<hbm>> -> memref<32x128xf32, #tpu.memory_space<hbm>>
      %dma_wait3A_747 = arith.constant 0 : i32
      %dma_wait3A_748 = tpu.memref_slice %arg4[%mul3A_741, %dma_wait3A_747] : memref<819200x128xf32, #tpu.memory_space<hbm>> -> memref<32x128xf32, #tpu.memory_space<hbm>>
      %dma_wait3A_749 = arith.constant 96 : i32
      %dma_wait3A_750 = arith.constant 0 : i32
      %dma_wait3A_751 = tpu.memref_slice %arg10[%dma_wait3A_749, %dma_wait3A_750] : memref<128x129xf32, #tpu.memory_space<vmem>> -> memref<32x128xf32, #tpu.memory_space<vmem>>
      tpu.wait_dma2 semaphore(%arg16 : memref<!tpu.dma_semaphore, #tpu.memory_space<semaphore_mem>>) src(%dma_wait3A_751 : memref<32x128xf32, #tpu.memory_space<vmem>>) dst(%dma_wait3A_748 : memref<32x128xf32, #tpu.memory_space<hbm>>)
      %parallel_loop3A_752 = arith.constant 0 : i32
      %parallel_loop3A_753 = arith.constant 512 : i32
      %parallel_loop3A_754 = arith.constant 1 : i32
      scf.for %parallel_loop3A_831 = %parallel_loop3A_752 to %parallel_loop3A_753 step %parallel_loop3A_754  : i32 {
        %parallel_loop3A_832 = arith.constant 7 : i32
        %parallel_loop3A_833 = arith.shrui %parallel_loop3A_831, %parallel_loop3A_832 : i32
        %parallel_loop3A_834 = arith.constant 8 : i32
        %parallel_loop3A_835 = arith.muli %parallel_loop3A_833, %parallel_loop3A_834 : i32
        %parallel_loop3A_836 = arith.constant 127 : i32
        %parallel_loop3A_837 = arith.andi %parallel_loop3A_831, %parallel_loop3A_836 : i32
        %parallel_loop3A_838 = vector.broadcast %parallel_loop3A_835 : i32 to vector<16xi32>
        %parallel_loop3A_839 = arith.addi %parallel_loop3A_838, %add3A_12 : vector<16xi32>
        %parallel_loop3A_840 = vector.broadcast %parallel_loop3A_835 : i32 to vector<16xi32>
        %parallel_loop3A_841 = arith.addi %parallel_loop3A_840, %add3A_15 : vector<16xi32>
        %parallel_loop3A_842 = vector.broadcast %parallel_loop3A_837 : i32 to vector<16xi32>
        %parallel_loop3A_843 = arith.index_cast %parallel_loop3A_831 : i32 to index
        %parallel_loop3A_844 = arith.constant 0 : index
        %parallel_loop3A_845 = tpu.vector_load %arg8[%parallel_loop3A_843, %parallel_loop3A_844] {strides = array<i32>} : memref<512x32xf32, #tpu.memory_space<vmem>>, vector<16xf32>,
        tpu.vector_store_idx %arg10[%parallel_loop3A_839, %parallel_loop3A_842], %parallel_loop3A_845 : memref<128x129xf32, #tpu.memory_space<vmem>>[vector<16xi32>, vector<16xi32>], vector<16xf32>,
        %parallel_loop3A_846 = arith.index_cast %parallel_loop3A_831 : i32 to index
        %parallel_loop3A_847 = arith.constant 16 : index
        %parallel_loop3A_848 = tpu.vector_load %arg8[%parallel_loop3A_846, %parallel_loop3A_847] {strides = array<i32>} : memref<512x32xf32, #tpu.memory_space<vmem>>, vector<16xf32>,
        tpu.vector_store_idx %arg10[%parallel_loop3A_841, %parallel_loop3A_842], %parallel_loop3A_848 : memref<128x129xf32, #tpu.memory_space<vmem>>[vector<16xi32>, vector<16xi32>], vector<16xf32>,
      } {sc.loop_unroll_factor = 8 : i64, sc.parallel_access}
      %mul3A_755 = arith.constant 4 : i32
      %mul3A_756 = arith.muli %add3A_680, %mul3A_755 : i32
      %add3A_757 = arith.constant 0 : i32
      %add3A_758 = arith.addi %mul3A_756, %add3A_757 : i32
      %mul3A_759 = arith.constant 128 : i32
      %mul3A_760 = arith.muli %add3A_758, %mul3A_759 : i32
      %add3A_761 = arith.addi %mul3A_760, %mul3A_4 : i32
      %mul3A_762 = arith.constant 8 : i32
      %mul3A_763 = arith.muli %add3A_761, %mul3A_762 : i32
      %dma_start3A_764 = arith.constant 0 : i32
      %dma_start3A_765 = arith.constant 0 : i32
      %dma_start3A_766 = tpu.memref_slice %arg10[%dma_start3A_764, %dma_start3A_765] : memref<128x129xf32, #tpu.memory_space<vmem>> -> memref<32x128xf32, #tpu.memory_space<vmem>>
      %dma_start3A_767 = arith.constant 0 : i32
      %dma_start3A_768 = tpu.memref_slice %arg4[%mul3A_763, %dma_start3A_767] : memref<819200x128xf32, #tpu.memory_space<hbm>> -> memref<32x128xf32, #tpu.memory_space<hbm>>
      %dma_start3A_769 = arith.constant 0 : i32
      %dma_start3A_770 = tpu.memref_slice %arg4[%mul3A_763, %dma_start3A_769] : memref<819200x128xf32, #tpu.memory_space<hbm>> -> memref<32x128xf32, #tpu.memory_space<hbm>>
      %dma_start3A_771 = arith.constant 0 : i32
      %dma_start3A_772 = arith.constant 0 : i32
      %dma_start3A_773 = tpu.memref_slice %arg10[%dma_start3A_771, %dma_start3A_772] : memref<128x129xf32, #tpu.memory_space<vmem>> -> memref<32x128xf32, #tpu.memory_space<vmem>>
      tpu.enqueue_dma source(%dma_start3A_773 : memref<32x128xf32, #tpu.memory_space<vmem>>) target(%dma_start3A_770 : memref<32x128xf32, #tpu.memory_space<hbm>>) target_semaphore(%arg16 : memref<!tpu.dma_semaphore, #tpu.memory_space<semaphore_mem>>)
      %mul3A_774 = arith.constant 4 : i32
      %mul3A_775 = arith.muli %add3A_680, %mul3A_774 : i32
      %add3A_776 = arith.constant 1 : i32
      %add3A_777 = arith.addi %mul3A_775, %add3A_776 : i32
      %mul3A_778 = arith.constant 128 : i32
      %mul3A_779 = arith.muli %add3A_777, %mul3A_778 : i32
      %add3A_780 = arith.addi %mul3A_779, %mul3A_4 : i32
      %mul3A_781 = arith.constant 8 : i32
      %mul3A_782 = arith.muli %add3A_780, %mul3A_781 : i32
      %dma_start3A_783 = arith.constant 32 : i32
      %dma_start3A_784 = arith.constant 0 : i32
      %dma_start3A_785 = tpu.memref_slice %arg10[%dma_start3A_783, %dma_start3A_784] : memref<128x129xf32, #tpu.memory_space<vmem>> -> memref<32x128xf32, #tpu.memory_space<vmem>>
      %dma_start3A_786 = arith.constant 0 : i32
      %dma_start3A_787 = tpu.memref_slice %arg4[%mul3A_782, %dma_start3A_786] : memref<819200x128xf32, #tpu.memory_space<hbm>> -> memref<32x128xf32, #tpu.memory_space<hbm>>
      %dma_start3A_788 = arith.constant 0 : i32
      %dma_start3A_789 = tpu.memref_slice %arg4[%mul3A_782, %dma_start3A_788] : memref<819200x128xf32, #tpu.memory_space<hbm>> -> memref<32x128xf32, #tpu.memory_space<hbm>>
      %dma_start3A_790 = arith.constant 32 : i32
      %dma_start3A_791 = arith.constant 0 : i32
      %dma_start3A_792 = tpu.memref_slice %arg10[%dma_start3A_790, %dma_start3A_791] : memref<128x129xf32, #tpu.memory_space<vmem>> -> memref<32x128xf32, #tpu.memory_space<vmem>>
      tpu.enqueue_dma source(%dma_start3A_792 : memref<32x128xf32, #tpu.memory_space<vmem>>) target(%dma_start3A_789 : memref<32x128xf32, #tpu.memory_space<hbm>>) target_semaphore(%arg16 : memref<!tpu.dma_semaphore, #tpu.memory_space<semaphore_mem>>)
      %mul3A_793 = arith.constant 4 : i32
      %mul3A_794 = arith.muli %add3A_680, %mul3A_793 : i32
      %add3A_795 = arith.constant 2 : i32
      %add3A_796 = arith.addi %mul3A_794, %add3A_795 : i32
      %mul3A_797 = arith.constant 128 : i32
      %mul3A_798 = arith.muli %add3A_796, %mul3A_797 : i32
      %add3A_799 = arith.addi %mul3A_798, %mul3A_4 : i32
      %mul3A_800 = arith.constant 8 : i32
      %mul3A_801 = arith.muli %add3A_799, %mul3A_800 : i32
      %dma_start3A_802 = arith.constant 64 : i32
      %dma_start3A_803 = arith.constant 0 : i32
      %dma_start3A_804 = tpu.memref_slice %arg10[%dma_start3A_802, %dma_start3A_803] : memref<128x129xf32, #tpu.memory_space<vmem>> -> memref<32x128xf32, #tpu.memory_space<vmem>>
      %dma_start3A_805 = arith.constant 0 : i32
      %dma_start3A_806 = tpu.memref_slice %arg4[%mul3A_801, %dma_start3A_805] : memref<819200x128xf32, #tpu.memory_space<hbm>> -> memref<32x128xf32, #tpu.memory_space<hbm>>
      %dma_start3A_807 = arith.constant 0 : i32
      %dma_start3A_808 = tpu.memref_slice %arg4[%mul3A_801, %dma_start3A_807] : memref<819200x128xf32, #tpu.memory_space<hbm>> -> memref<32x128xf32, #tpu.memory_space<hbm>>
      %dma_start3A_809 = arith.constant 64 : i32
      %dma_start3A_810 = arith.constant 0 : i32
      %dma_start3A_811 = tpu.memref_slice %arg10[%dma_start3A_809, %dma_start3A_810] : memref<128x129xf32, #tpu.memory_space<vmem>> -> memref<32x128xf32, #tpu.memory_space<vmem>>
      tpu.enqueue_dma source(%dma_start3A_811 : memref<32x128xf32, #tpu.memory_space<vmem>>) target(%dma_start3A_808 : memref<32x128xf32, #tpu.memory_space<hbm>>) target_semaphore(%arg16 : memref<!tpu.dma_semaphore, #tpu.memory_space<semaphore_mem>>)
      %mul3A_812 = arith.constant 4 : i32
      %mul3A_813 = arith.muli %add3A_680, %mul3A_812 : i32
      %add3A_814 = arith.constant 3 : i32
      %add3A_815 = arith.addi %mul3A_813, %add3A_814 : i32
      %mul3A_816 = arith.constant 128 : i32
      %mul3A_817 = arith.muli %add3A_815, %mul3A_816 : i32
      %add3A_818 = arith.addi %mul3A_817, %mul3A_4 : i32
      %mul3A_819 = arith.constant 8 : i32
      %mul3A_820 = arith.muli %add3A_818, %mul3A_819 : i32
      %dma_start3A_821 = arith.constant 96 : i32
      %dma_start3A_822 = arith.constant 0 : i32
      %dma_start3A_823 = tpu.memref_slice %arg10[%dma_start3A_821, %dma_start3A_822] : memref<128x129xf32, #tpu.memory_space<vmem>> -> memref<32x128xf32, #tpu.memory_space<vmem>>
      %dma_start3A_824 = arith.constant 0 : i32
      %dma_start3A_825 = tpu.memref_slice %arg4[%mul3A_820, %dma_start3A_824] : memref<819200x128xf32, #tpu.memory_space<hbm>> -> memref<32x128xf32, #tpu.memory_space<hbm>>
      %dma_start3A_826 = arith.constant 0 : i32
      %dma_start3A_827 = tpu.memref_slice %arg4[%mul3A_820, %dma_start3A_826] : memref<819200x128xf32, #tpu.memory_space<hbm>> -> memref<32x128xf32, #tpu.memory_space<hbm>>
      %dma_start3A_828 = arith.constant 96 : i32
      %dma_start3A_829 = arith.constant 0 : i32
      %dma_start3A_830 = tpu.memref_slice %arg10[%dma_start3A_828, %dma_start3A_829] : memref<128x129xf32, #tpu.memory_space<vmem>> -> memref<32x128xf32, #tpu.memory_space<vmem>>
      tpu.enqueue_dma source(%dma_start3A_830 : memref<32x128xf32, #tpu.memory_space<vmem>>) target(%dma_start3A_827 : memref<32x128xf32, #tpu.memory_space<hbm>>) target_semaphore(%arg16 : memref<!tpu.dma_semaphore, #tpu.memory_space<semaphore_mem>>)
    }
    %scan3A_172 = arith.constant 98 : i32
    %dma_wait3A_173 = arith.constant 0 : i32
    %dma_wait3A_174 = arith.constant 0 : i32
    %dma_wait3A_175 = tpu.memref_slice %arg3[%dma_wait3A_173, %dma_wait3A_174] : memref<1000000x32xf32, #tpu.memory_space<hbm>> -> memref<1000000x32xf32, #tpu.memory_space<hbm>>
    tpu.wait_indirect_dma semaphore(%arg13 : memref<!tpu.dma_semaphore, #tpu.memory_space<semaphore_mem>>) src(%dma_wait3A_175 : memref<1000000x32xf32, #tpu.memory_space<hbm>>) dst(%arg7 : memref<512x32xf32, #tpu.memory_space<vmem>>)
    %dma_wait3A_176 = tpu.memref_slice %arg2[%mul3A_2] : memref<3276800xi32, #tpu.memory_space<hbm>> -> memref<512xi32, #tpu.memory_space<hbm>>
    %dma_wait3A_177 = tpu.memref_slice %arg2[%mul3A_2] : memref<3276800xi32, #tpu.memory_space<hbm>> -> memref<512xi32, #tpu.memory_space<hbm>>
    tpu.wait_dma2 semaphore(%arg12 : memref<!tpu.dma_semaphore, #tpu.memory_space<semaphore_mem>>) src(%dma_wait3A_177 : memref<512xi32, #tpu.memory_space<hbm>>) dst(%arg6 : memref<512xi32, #tpu.memory_space<vmem>>)
    %dma_start3A_178 = arith.constant 0 : i32
    %dma_start3A_179 = arith.constant 0 : i32
    %dma_start3A_180 = tpu.memref_slice %arg3[%dma_start3A_178, %dma_start3A_179] : memref<1000000x32xf32, #tpu.memory_space<hbm>> -> memref<1000000x32xf32, #tpu.memory_space<hbm>>
    tpu.enqueue_indirect_dma source(%dma_start3A_180 : memref<1000000x32xf32, #tpu.memory_space<hbm>>) target(%arg8 : memref<512x32xf32, #tpu.memory_space<vmem>>) offsets(%arg6 : memref<512xi32, #tpu.memory_space<vmem>>) semaphore(%arg14 : memref<!tpu.dma_semaphore, #tpu.memory_space<semaphore_mem>>)
    %add3A_181 = arith.constant 0 : i32
    %add3A_182 = arith.addi %add3A_181, %mul3A_4 : i32
    %mul3A_183 = arith.constant 8 : i32
    %mul3A_184 = arith.muli %add3A_182, %mul3A_183 : i32
    %dma_wait3A_185 = arith.constant 0 : i32
    %dma_wait3A_186 = arith.constant 0 : i32
    %dma_wait3A_187 = tpu.memref_slice %arg9[%dma_wait3A_185, %dma_wait3A_186] : memref<128x129xf32, #tpu.memory_space<vmem>> -> memref<32x128xf32, #tpu.memory_space<vmem>>
    %dma_wait3A_188 = arith.constant 0 : i32
    %dma_wait3A_189 = tpu.memref_slice %arg4[%mul3A_184, %dma_wait3A_188] : memref<819200x128xf32, #tpu.memory_space<hbm>> -> memref<32x128xf32, #tpu.memory_space<hbm>>
    %dma_wait3A_190 = arith.constant 0 : i32
    %dma_wait3A_191 = tpu.memref_slice %arg4[%mul3A_184, %dma_wait3A_190] : memref<819200x128xf32, #tpu.memory_space<hbm>> -> memref<32x128xf32, #tpu.memory_space<hbm>>
    %dma_wait3A_192 = arith.constant 0 : i32
    %dma_wait3A_193 = arith.constant 0 : i32
    %dma_wait3A_194 = tpu.memref_slice %arg9[%dma_wait3A_192, %dma_wait3A_193] : memref<128x129xf32, #tpu.memory_space<vmem>> -> memref<32x128xf32, #tpu.memory_space<vmem>>
    tpu.wait_dma2 semaphore(%arg15 : memref<!tpu.dma_semaphore, #tpu.memory_space<semaphore_mem>>) src(%dma_wait3A_194 : memref<32x128xf32, #tpu.memory_space<vmem>>) dst(%dma_wait3A_191 : memref<32x128xf32, #tpu.memory_space<hbm>>)
    %add3A_195 = arith.constant 128 : i32
    %add3A_196 = arith.addi %add3A_195, %mul3A_4 : i32
    %mul3A_197 = arith.constant 8 : i32
    %mul3A_198 = arith.muli %add3A_196, %mul3A_197 : i32
    %dma_wait3A_199 = arith.constant 32 : i32
    %dma_wait3A_200 = arith.constant 0 : i32
    %dma_wait3A_201 = tpu.memref_slice %arg9[%dma_wait3A_199, %dma_wait3A_200] : memref<128x129xf32, #tpu.memory_space<vmem>> -> memref<32x128xf32, #tpu.memory_space<vmem>>
    %dma_wait3A_202 = arith.constant 0 : i32
    %dma_wait3A_203 = tpu.memref_slice %arg4[%mul3A_198, %dma_wait3A_202] : memref<819200x128xf32, #tpu.memory_space<hbm>> -> memref<32x128xf32, #tpu.memory_space<hbm>>
    %dma_wait3A_204 = arith.constant 0 : i32
    %dma_wait3A_205 = tpu.memref_slice %arg4[%mul3A_198, %dma_wait3A_204] : memref<819200x128xf32, #tpu.memory_space<hbm>> -> memref<32x128xf32, #tpu.memory_space<hbm>>
    %dma_wait3A_206 = arith.constant 32 : i32
    %dma_wait3A_207 = arith.constant 0 : i32
    %dma_wait3A_208 = tpu.memref_slice %arg9[%dma_wait3A_206, %dma_wait3A_207] : memref<128x129xf32, #tpu.memory_space<vmem>> -> memref<32x128xf32, #tpu.memory_space<vmem>>
    tpu.wait_dma2 semaphore(%arg15 : memref<!tpu.dma_semaphore, #tpu.memory_space<semaphore_mem>>) src(%dma_wait3A_208 : memref<32x128xf32, #tpu.memory_space<vmem>>) dst(%dma_wait3A_205 : memref<32x128xf32, #tpu.memory_space<hbm>>)
    %add3A_209 = arith.constant 256 : i32
    %add3A_210 = arith.addi %add3A_209, %mul3A_4 : i32
    %mul3A_211 = arith.constant 8 : i32
    %mul3A_212 = arith.muli %add3A_210, %mul3A_211 : i32
    %dma_wait3A_213 = arith.constant 64 : i32
    %dma_wait3A_214 = arith.constant 0 : i32
    %dma_wait3A_215 = tpu.memref_slice %arg9[%dma_wait3A_213, %dma_wait3A_214] : memref<128x129xf32, #tpu.memory_space<vmem>> -> memref<32x128xf32, #tpu.memory_space<vmem>>
    %dma_wait3A_216 = arith.constant 0 : i32
    %dma_wait3A_217 = tpu.memref_slice %arg4[%mul3A_212, %dma_wait3A_216] : memref<819200x128xf32, #tpu.memory_space<hbm>> -> memref<32x128xf32, #tpu.memory_space<hbm>>
    %dma_wait3A_218 = arith.constant 0 : i32
    %dma_wait3A_219 = tpu.memref_slice %arg4[%mul3A_212, %dma_wait3A_218] : memref<819200x128xf32, #tpu.memory_space<hbm>> -> memref<32x128xf32, #tpu.memory_space<hbm>>
    %dma_wait3A_220 = arith.constant 64 : i32
    %dma_wait3A_221 = arith.constant 0 : i32
    %dma_wait3A_222 = tpu.memref_slice %arg9[%dma_wait3A_220, %dma_wait3A_221] : memref<128x129xf32, #tpu.memory_space<vmem>> -> memref<32x128xf32, #tpu.memory_space<vmem>>
    tpu.wait_dma2 semaphore(%arg15 : memref<!tpu.dma_semaphore, #tpu.memory_space<semaphore_mem>>) src(%dma_wait3A_222 : memref<32x128xf32, #tpu.memory_space<vmem>>) dst(%dma_wait3A_219 : memref<32x128xf32, #tpu.memory_space<hbm>>)
    %add3A_223 = arith.constant 384 : i32
    %add3A_224 = arith.addi %add3A_223, %mul3A_4 : i32
    %mul3A_225 = arith.constant 8 : i32
    %mul3A_226 = arith.muli %add3A_224, %mul3A_225 : i32
    %dma_wait3A_227 = arith.constant 96 : i32
    %dma_wait3A_228 = arith.constant 0 : i32
    %dma_wait3A_229 = tpu.memref_slice %arg9[%dma_wait3A_227, %dma_wait3A_228] : memref<128x129xf32, #tpu.memory_space<vmem>> -> memref<32x128xf32, #tpu.memory_space<vmem>>
    %dma_wait3A_230 = arith.constant 0 : i32
    %dma_wait3A_231 = tpu.memref_slice %arg4[%mul3A_226, %dma_wait3A_230] : memref<819200x128xf32, #tpu.memory_space<hbm>> -> memref<32x128xf32, #tpu.memory_space<hbm>>
    %dma_wait3A_232 = arith.constant 0 : i32
    %dma_wait3A_233 = tpu.memref_slice %arg4[%mul3A_226, %dma_wait3A_232] : memref<819200x128xf32, #tpu.memory_space<hbm>> -> memref<32x128xf32, #tpu.memory_space<hbm>>
    %dma_wait3A_234 = arith.constant 96 : i32
    %dma_wait3A_235 = arith.constant 0 : i32
    %dma_wait3A_236 = tpu.memref_slice %arg9[%dma_wait3A_234, %dma_wait3A_235] : memref<128x129xf32, #tpu.memory_space<vmem>> -> memref<32x128xf32, #tpu.memory_space<vmem>>
    tpu.wait_dma2 semaphore(%arg15 : memref<!tpu.dma_semaphore, #tpu.memory_space<semaphore_mem>>) src(%dma_wait3A_236 : memref<32x128xf32, #tpu.memory_space<vmem>>) dst(%dma_wait3A_233 : memref<32x128xf32, #tpu.memory_space<hbm>>)
    %parallel_loop3A_237 = arith.constant 0 : i32
    %parallel_loop3A_238 = arith.constant 512 : i32
    %parallel_loop3A_239 = arith.constant 1 : i32
    scf.for %parallel_loop3A_526 = %parallel_loop3A_237 to %parallel_loop3A_238 step %parallel_loop3A_239  : i32 {
      %parallel_loop3A_527 = arith.constant 7 : i32
      %parallel_loop3A_528 = arith.shrui %parallel_loop3A_526, %parallel_loop3A_527 : i32
      %parallel_loop3A_529 = arith.constant 8 : i32
      %parallel_loop3A_530 = arith.muli %parallel_loop3A_528, %parallel_loop3A_529 : i32
      %parallel_loop3A_531 = arith.constant 127 : i32
      %parallel_loop3A_532 = arith.andi %parallel_loop3A_526, %parallel_loop3A_531 : i32
      %parallel_loop3A_533 = vector.broadcast %parallel_loop3A_530 : i32 to vector<16xi32>
      %parallel_loop3A_534 = arith.addi %parallel_loop3A_533, %add3A_12 : vector<16xi32>
      %parallel_loop3A_535 = vector.broadcast %parallel_loop3A_530 : i32 to vector<16xi32>
      %parallel_loop3A_536 = arith.addi %parallel_loop3A_535, %add3A_15 : vector<16xi32>
      %parallel_loop3A_537 = vector.broadcast %parallel_loop3A_532 : i32 to vector<16xi32>
      %parallel_loop3A_538 = arith.index_cast %parallel_loop3A_526 : i32 to index
      %parallel_loop3A_539 = arith.constant 0 : index
      %parallel_loop3A_540 = tpu.vector_load %arg7[%parallel_loop3A_538, %parallel_loop3A_539] {strides = array<i32>} : memref<512x32xf32, #tpu.memory_space<vmem>>, vector<16xf32>,
      tpu.vector_store_idx %arg9[%parallel_loop3A_534, %parallel_loop3A_537], %parallel_loop3A_540 : memref<128x129xf32, #tpu.memory_space<vmem>>[vector<16xi32>, vector<16xi32>], vector<16xf32>,
      %parallel_loop3A_541 = arith.index_cast %parallel_loop3A_526 : i32 to index
      %parallel_loop3A_542 = arith.constant 16 : index
      %parallel_loop3A_543 = tpu.vector_load %arg7[%parallel_loop3A_541, %parallel_loop3A_542] {strides = array<i32>} : memref<512x32xf32, #tpu.memory_space<vmem>>, vector<16xf32>,
      tpu.vector_store_idx %arg9[%parallel_loop3A_536, %parallel_loop3A_537], %parallel_loop3A_543 : memref<128x129xf32, #tpu.memory_space<vmem>>[vector<16xi32>, vector<16xi32>], vector<16xf32>,
    } {sc.loop_unroll_factor = 8 : i64, sc.parallel_access}
    %add3A_240 = arith.constant 101376 : i32
    %add3A_241 = arith.addi %add3A_240, %mul3A_4 : i32
    %mul3A_242 = arith.constant 8 : i32
    %mul3A_243 = arith.muli %add3A_241, %mul3A_242 : i32
    %dma_start3A_244 = arith.constant 0 : i32
    %dma_start3A_245 = arith.constant 0 : i32
    %dma_start3A_246 = tpu.memref_slice %arg9[%dma_start3A_244, %dma_start3A_245] : memref<128x129xf32, #tpu.memory_space<vmem>> -> memref<32x128xf32, #tpu.memory_space<vmem>>
    %dma_start3A_247 = arith.constant 0 : i32
    %dma_start3A_248 = tpu.memref_slice %arg4[%mul3A_243, %dma_start3A_247] : memref<819200x128xf32, #tpu.memory_space<hbm>> -> memref<32x128xf32, #tpu.memory_space<hbm>>
    %dma_start3A_249 = arith.constant 0 : i32
    %dma_start3A_250 = tpu.memref_slice %arg4[%mul3A_243, %dma_start3A_249] : memref<819200x128xf32, #tpu.memory_space<hbm>> -> memref<32x128xf32, #tpu.memory_space<hbm>>
    %dma_start3A_251 = arith.constant 0 : i32
    %dma_start3A_252 = arith.constant 0 : i32
    %dma_start3A_253 = tpu.memref_slice %arg9[%dma_start3A_251, %dma_start3A_252] : memref<128x129xf32, #tpu.memory_space<vmem>> -> memref<32x128xf32, #tpu.memory_space<vmem>>
    tpu.enqueue_dma source(%dma_start3A_253 : memref<32x128xf32, #tpu.memory_space<vmem>>) target(%dma_start3A_250 : memref<32x128xf32, #tpu.memory_space<hbm>>) target_semaphore(%arg15 : memref<!tpu.dma_semaphore, #tpu.memory_space<semaphore_mem>>)
    %add3A_254 = arith.constant 101504 : i32
    %add3A_255 = arith.addi %add3A_254, %mul3A_4 : i32
    %mul3A_256 = arith.constant 8 : i32
    %mul3A_257 = arith.muli %add3A_255, %mul3A_256 : i32
    %dma_start3A_258 = arith.constant 32 : i32
    %dma_start3A_259 = arith.constant 0 : i32
    %dma_start3A_260 = tpu.memref_slice %arg9[%dma_start3A_258, %dma_start3A_259] : memref<128x129xf32, #tpu.memory_space<vmem>> -> memref<32x128xf32, #tpu.memory_space<vmem>>
    %dma_start3A_261 = arith.constant 0 : i32
    %dma_start3A_262 = tpu.memref_slice %arg4[%mul3A_257, %dma_start3A_261] : memref<819200x128xf32, #tpu.memory_space<hbm>> -> memref<32x128xf32, #tpu.memory_space<hbm>>
    %dma_start3A_263 = arith.constant 0 : i32
    %dma_start3A_264 = tpu.memref_slice %arg4[%mul3A_257, %dma_start3A_263] : memref<819200x128xf32, #tpu.memory_space<hbm>> -> memref<32x128xf32, #tpu.memory_space<hbm>>
    %dma_start3A_265 = arith.constant 32 : i32
    %dma_start3A_266 = arith.constant 0 : i32
    %dma_start3A_267 = tpu.memref_slice %arg9[%dma_start3A_265, %dma_start3A_266] : memref<128x129xf32, #tpu.memory_space<vmem>> -> memref<32x128xf32, #tpu.memory_space<vmem>>
    tpu.enqueue_dma source(%dma_start3A_267 : memref<32x128xf32, #tpu.memory_space<vmem>>) target(%dma_start3A_264 : memref<32x128xf32, #tpu.memory_space<hbm>>) target_semaphore(%arg15 : memref<!tpu.dma_semaphore, #tpu.memory_space<semaphore_mem>>)
    %add3A_268 = arith.constant 101632 : i32
    %add3A_269 = arith.addi %add3A_268, %mul3A_4 : i32
    %mul3A_270 = arith.constant 8 : i32
    %mul3A_271 = arith.muli %add3A_269, %mul3A_270 : i32
    %dma_start3A_272 = arith.constant 64 : i32
    %dma_start3A_273 = arith.constant 0 : i32
    %dma_start3A_274 = tpu.memref_slice %arg9[%dma_start3A_272, %dma_start3A_273] : memref<128x129xf32, #tpu.memory_space<vmem>> -> memref<32x128xf32, #tpu.memory_space<vmem>>
    %dma_start3A_275 = arith.constant 0 : i32
    %dma_start3A_276 = tpu.memref_slice %arg4[%mul3A_271, %dma_start3A_275] : memref<819200x128xf32, #tpu.memory_space<hbm>> -> memref<32x128xf32, #tpu.memory_space<hbm>>
    %dma_start3A_277 = arith.constant 0 : i32
    %dma_start3A_278 = tpu.memref_slice %arg4[%mul3A_271, %dma_start3A_277] : memref<819200x128xf32, #tpu.memory_space<hbm>> -> memref<32x128xf32, #tpu.memory_space<hbm>>
    %dma_start3A_279 = arith.constant 64 : i32
    %dma_start3A_280 = arith.constant 0 : i32
    %dma_start3A_281 = tpu.memref_slice %arg9[%dma_start3A_279, %dma_start3A_280] : memref<128x129xf32, #tpu.memory_space<vmem>> -> memref<32x128xf32, #tpu.memory_space<vmem>>
    tpu.enqueue_dma source(%dma_start3A_281 : memref<32x128xf32, #tpu.memory_space<vmem>>) target(%dma_start3A_278 : memref<32x128xf32, #tpu.memory_space<hbm>>) target_semaphore(%arg15 : memref<!tpu.dma_semaphore, #tpu.memory_space<semaphore_mem>>)
    %add3A_282 = arith.constant 101760 : i32
    %add3A_283 = arith.addi %add3A_282, %mul3A_4 : i32
    %mul3A_284 = arith.constant 8 : i32
    %mul3A_285 = arith.muli %add3A_283, %mul3A_284 : i32
    %dma_start3A_286 = arith.constant 96 : i32
    %dma_start3A_287 = arith.constant 0 : i32
    %dma_start3A_288 = tpu.memref_slice %arg9[%dma_start3A_286, %dma_start3A_287] : memref<128x129xf32, #tpu.memory_space<vmem>> -> memref<32x128xf32, #tpu.memory_space<vmem>>
    %dma_start3A_289 = arith.constant 0 : i32
    %dma_start3A_290 = tpu.memref_slice %arg4[%mul3A_285, %dma_start3A_289] : memref<819200x128xf32, #tpu.memory_space<hbm>> -> memref<32x128xf32, #tpu.memory_space<hbm>>
    %dma_start3A_291 = arith.constant 0 : i32
    %dma_start3A_292 = tpu.memref_slice %arg4[%mul3A_285, %dma_start3A_291] : memref<819200x128xf32, #tpu.memory_space<hbm>> -> memref<32x128xf32, #tpu.memory_space<hbm>>
    %dma_start3A_293 = arith.constant 96 : i32
    %dma_start3A_294 = arith.constant 0 : i32
    %dma_start3A_295 = tpu.memref_slice %arg9[%dma_start3A_293, %dma_start3A_294] : memref<128x129xf32, #tpu.memory_space<vmem>> -> memref<32x128xf32, #tpu.memory_space<vmem>>
    tpu.enqueue_dma source(%dma_start3A_295 : memref<32x128xf32, #tpu.memory_space<vmem>>) target(%dma_start3A_292 : memref<32x128xf32, #tpu.memory_space<hbm>>) target_semaphore(%arg15 : memref<!tpu.dma_semaphore, #tpu.memory_space<semaphore_mem>>)
    %dma_wait3A_296 = arith.constant 0 : i32
    %dma_wait3A_297 = arith.constant 0 : i32
    %dma_wait3A_298 = tpu.memref_slice %arg3[%dma_wait3A_296, %dma_wait3A_297] : memref<1000000x32xf32, #tpu.memory_space<hbm>> -> memref<1000000x32xf32, #tpu.memory_space<hbm>>
    tpu.wait_indirect_dma semaphore(%arg14 : memref<!tpu.dma_semaphore, #tpu.memory_space<semaphore_mem>>) src(%dma_wait3A_298 : memref<1000000x32xf32, #tpu.memory_space<hbm>>) dst(%arg8 : memref<512x32xf32, #tpu.memory_space<vmem>>)
    %add3A_299 = arith.constant 0 : i32
    %add3A_300 = arith.addi %add3A_299, %mul3A_4 : i32
    %mul3A_301 = arith.constant 8 : i32
    %mul3A_302 = arith.muli %add3A_300, %mul3A_301 : i32
    %dma_wait3A_303 = arith.constant 0 : i32
    %dma_wait3A_304 = arith.constant 0 : i32
    %dma_wait3A_305 = tpu.memref_slice %arg10[%dma_wait3A_303, %dma_wait3A_304] : memref<128x129xf32, #tpu.memory_space<vmem>> -> memref<32x128xf32, #tpu.memory_space<vmem>>
    %dma_wait3A_306 = arith.constant 0 : i32
    %dma_wait3A_307 = tpu.memref_slice %arg4[%mul3A_302, %dma_wait3A_306] : memref<819200x128xf32, #tpu.memory_space<hbm>> -> memref<32x128xf32, #tpu.memory_space<hbm>>
    %dma_wait3A_308 = arith.constant 0 : i32
    %dma_wait3A_309 = tpu.memref_slice %arg4[%mul3A_302, %dma_wait3A_308] : memref<819200x128xf32, #tpu.memory_space<hbm>> -> memref<32x128xf32, #tpu.memory_space<hbm>>
    %dma_wait3A_310 = arith.constant 0 : i32
    %dma_wait3A_311 = arith.constant 0 : i32
    %dma_wait3A_312 = tpu.memref_slice %arg10[%dma_wait3A_310, %dma_wait3A_311] : memref<128x129xf32, #tpu.memory_space<vmem>> -> memref<32x128xf32, #tpu.memory_space<vmem>>
    tpu.wait_dma2 semaphore(%arg16 : memref<!tpu.dma_semaphore, #tpu.memory_space<semaphore_mem>>) src(%dma_wait3A_312 : memref<32x128xf32, #tpu.memory_space<vmem>>) dst(%dma_wait3A_309 : memref<32x128xf32, #tpu.memory_space<hbm>>)
    %add3A_313 = arith.constant 128 : i32
    %add3A_314 = arith.addi %add3A_313, %mul3A_4 : i32
    %mul3A_315 = arith.constant 8 : i32
    %mul3A_316 = arith.muli %add3A_314, %mul3A_315 : i32
    %dma_wait3A_317 = arith.constant 32 : i32
    %dma_wait3A_318 = arith.constant 0 : i32
    %dma_wait3A_319 = tpu.memref_slice %arg10[%dma_wait3A_317, %dma_wait3A_318] : memref<128x129xf32, #tpu.memory_space<vmem>> -> memref<32x128xf32, #tpu.memory_space<vmem>>
    %dma_wait3A_320 = arith.constant 0 : i32
    %dma_wait3A_321 = tpu.memref_slice %arg4[%mul3A_316, %dma_wait3A_320] : memref<819200x128xf32, #tpu.memory_space<hbm>> -> memref<32x128xf32, #tpu.memory_space<hbm>>
    %dma_wait3A_322 = arith.constant 0 : i32
    %dma_wait3A_323 = tpu.memref_slice %arg4[%mul3A_316, %dma_wait3A_322] : memref<819200x128xf32, #tpu.memory_space<hbm>> -> memref<32x128xf32, #tpu.memory_space<hbm>>
    %dma_wait3A_324 = arith.constant 32 : i32
    %dma_wait3A_325 = arith.constant 0 : i32
    %dma_wait3A_326 = tpu.memref_slice %arg10[%dma_wait3A_324, %dma_wait3A_325] : memref<128x129xf32, #tpu.memory_space<vmem>> -> memref<32x128xf32, #tpu.memory_space<vmem>>
    tpu.wait_dma2 semaphore(%arg16 : memref<!tpu.dma_semaphore, #tpu.memory_space<semaphore_mem>>) src(%dma_wait3A_326 : memref<32x128xf32, #tpu.memory_space<vmem>>) dst(%dma_wait3A_323 : memref<32x128xf32, #tpu.memory_space<hbm>>)
    %add3A_327 = arith.constant 256 : i32
    %add3A_328 = arith.addi %add3A_327, %mul3A_4 : i32
    %mul3A_329 = arith.constant 8 : i32
    %mul3A_330 = arith.muli %add3A_328, %mul3A_329 : i32
    %dma_wait3A_331 = arith.constant 64 : i32
    %dma_wait3A_332 = arith.constant 0 : i32
    %dma_wait3A_333 = tpu.memref_slice %arg10[%dma_wait3A_331, %dma_wait3A_332] : memref<128x129xf32, #tpu.memory_space<vmem>> -> memref<32x128xf32, #tpu.memory_space<vmem>>
    %dma_wait3A_334 = arith.constant 0 : i32
    %dma_wait3A_335 = tpu.memref_slice %arg4[%mul3A_330, %dma_wait3A_334] : memref<819200x128xf32, #tpu.memory_space<hbm>> -> memref<32x128xf32, #tpu.memory_space<hbm>>
    %dma_wait3A_336 = arith.constant 0 : i32
    %dma_wait3A_337 = tpu.memref_slice %arg4[%mul3A_330, %dma_wait3A_336] : memref<819200x128xf32, #tpu.memory_space<hbm>> -> memref<32x128xf32, #tpu.memory_space<hbm>>
    %dma_wait3A_338 = arith.constant 64 : i32
    %dma_wait3A_339 = arith.constant 0 : i32
    %dma_wait3A_340 = tpu.memref_slice %arg10[%dma_wait3A_338, %dma_wait3A_339] : memref<128x129xf32, #tpu.memory_space<vmem>> -> memref<32x128xf32, #tpu.memory_space<vmem>>
    tpu.wait_dma2 semaphore(%arg16 : memref<!tpu.dma_semaphore, #tpu.memory_space<semaphore_mem>>) src(%dma_wait3A_340 : memref<32x128xf32, #tpu.memory_space<vmem>>) dst(%dma_wait3A_337 : memref<32x128xf32, #tpu.memory_space<hbm>>)
    %add3A_341 = arith.constant 384 : i32
    %add3A_342 = arith.addi %add3A_341, %mul3A_4 : i32
    %mul3A_343 = arith.constant 8 : i32
    %mul3A_344 = arith.muli %add3A_342, %mul3A_343 : i32
    %dma_wait3A_345 = arith.constant 96 : i32
    %dma_wait3A_346 = arith.constant 0 : i32
    %dma_wait3A_347 = tpu.memref_slice %arg10[%dma_wait3A_345, %dma_wait3A_346] : memref<128x129xf32, #tpu.memory_space<vmem>> -> memref<32x128xf32, #tpu.memory_space<vmem>>
    %dma_wait3A_348 = arith.constant 0 : i32
    %dma_wait3A_349 = tpu.memref_slice %arg4[%mul3A_344, %dma_wait3A_348] : memref<819200x128xf32, #tpu.memory_space<hbm>> -> memref<32x128xf32, #tpu.memory_space<hbm>>
    %dma_wait3A_350 = arith.constant 0 : i32
    %dma_wait3A_351 = tpu.memref_slice %arg4[%mul3A_344, %dma_wait3A_350] : memref<819200x128xf32, #tpu.memory_space<hbm>> -> memref<32x128xf32, #tpu.memory_space<hbm>>
    %dma_wait3A_352 = arith.constant 96 : i32
    %dma_wait3A_353 = arith.constant 0 : i32
    %dma_wait3A_354 = tpu.memref_slice %arg10[%dma_wait3A_352, %dma_wait3A_353] : memref<128x129xf32, #tpu.memory_space<vmem>> -> memref<32x128xf32, #tpu.memory_space<vmem>>
    tpu.wait_dma2 semaphore(%arg16 : memref<!tpu.dma_semaphore, #tpu.memory_space<semaphore_mem>>) src(%dma_wait3A_354 : memref<32x128xf32, #tpu.memory_space<vmem>>) dst(%dma_wait3A_351 : memref<32x128xf32, #tpu.memory_space<hbm>>)
    %parallel_loop3A_355 = arith.constant 0 : i32
    %parallel_loop3A_356 = arith.constant 512 : i32
    %parallel_loop3A_357 = arith.constant 1 : i32
    scf.for %parallel_loop3A_526 = %parallel_loop3A_355 to %parallel_loop3A_356 step %parallel_loop3A_357  : i32 {
      %parallel_loop3A_527 = arith.constant 7 : i32
      %parallel_loop3A_528 = arith.shrui %parallel_loop3A_526, %parallel_loop3A_527 : i32
      %parallel_loop3A_529 = arith.constant 8 : i32
      %parallel_loop3A_530 = arith.muli %parallel_loop3A_528, %parallel_loop3A_529 : i32
      %parallel_loop3A_531 = arith.constant 127 : i32
      %parallel_loop3A_532 = arith.andi %parallel_loop3A_526, %parallel_loop3A_531 : i32
      %parallel_loop3A_533 = vector.broadcast %parallel_loop3A_530 : i32 to vector<16xi32>
      %parallel_loop3A_534 = arith.addi %parallel_loop3A_533, %add3A_12 : vector<16xi32>
      %parallel_loop3A_535 = vector.broadcast %parallel_loop3A_530 : i32 to vector<16xi32>
      %parallel_loop3A_536 = arith.addi %parallel_loop3A_535, %add3A_15 : vector<16xi32>
      %parallel_loop3A_537 = vector.broadcast %parallel_loop3A_532 : i32 to vector<16xi32>
      %parallel_loop3A_538 = arith.index_cast %parallel_loop3A_526 : i32 to index
      %parallel_loop3A_539 = arith.constant 0 : index
      %parallel_loop3A_540 = tpu.vector_load %arg8[%parallel_loop3A_538, %parallel_loop3A_539] {strides = array<i32>} : memref<512x32xf32, #tpu.memory_space<vmem>>, vector<16xf32>,
      tpu.vector_store_idx %arg10[%parallel_loop3A_534, %parallel_loop3A_537], %parallel_loop3A_540 : memref<128x129xf32, #tpu.memory_space<vmem>>[vector<16xi32>, vector<16xi32>], vector<16xf32>,
      %parallel_loop3A_541 = arith.index_cast %parallel_loop3A_526 : i32 to index
      %parallel_loop3A_542 = arith.constant 16 : index
      %parallel_loop3A_543 = tpu.vector_load %arg8[%parallel_loop3A_541, %parallel_loop3A_542] {strides = array<i32>} : memref<512x32xf32, #tpu.memory_space<vmem>>, vector<16xf32>,
      tpu.vector_store_idx %arg10[%parallel_loop3A_536, %parallel_loop3A_537], %parallel_loop3A_543 : memref<128x129xf32, #tpu.memory_space<vmem>>[vector<16xi32>, vector<16xi32>], vector<16xf32>,
    } {sc.loop_unroll_factor = 8 : i64, sc.parallel_access}
    %add3A_358 = arith.constant 101888 : i32
    %add3A_359 = arith.addi %add3A_358, %mul3A_4 : i32
    %mul3A_360 = arith.constant 8 : i32
    %mul3A_361 = arith.muli %add3A_359, %mul3A_360 : i32
    %dma_start3A_362 = arith.constant 0 : i32
    %dma_start3A_363 = arith.constant 0 : i32
    %dma_start3A_364 = tpu.memref_slice %arg10[%dma_start3A_362, %dma_start3A_363] : memref<128x129xf32, #tpu.memory_space<vmem>> -> memref<32x128xf32, #tpu.memory_space<vmem>>
    %dma_start3A_365 = arith.constant 0 : i32
    %dma_start3A_366 = tpu.memref_slice %arg4[%mul3A_361, %dma_start3A_365] : memref<819200x128xf32, #tpu.memory_space<hbm>> -> memref<32x128xf32, #tpu.memory_space<hbm>>
    %dma_start3A_367 = arith.constant 0 : i32
    %dma_start3A_368 = tpu.memref_slice %arg4[%mul3A_361, %dma_start3A_367] : memref<819200x128xf32, #tpu.memory_space<hbm>> -> memref<32x128xf32, #tpu.memory_space<hbm>>
    %dma_start3A_369 = arith.constant 0 : i32
    %dma_start3A_370 = arith.constant 0 : i32
    %dma_start3A_371 = tpu.memref_slice %arg10[%dma_start3A_369, %dma_start3A_370] : memref<128x129xf32, #tpu.memory_space<vmem>> -> memref<32x128xf32, #tpu.memory_space<vmem>>
    tpu.enqueue_dma source(%dma_start3A_371 : memref<32x128xf32, #tpu.memory_space<vmem>>) target(%dma_start3A_368 : memref<32x128xf32, #tpu.memory_space<hbm>>) target_semaphore(%arg16 : memref<!tpu.dma_semaphore, #tpu.memory_space<semaphore_mem>>)
    %add3A_372 = arith.constant 102016 : i32
    %add3A_373 = arith.addi %add3A_372, %mul3A_4 : i32
    %mul3A_374 = arith.constant 8 : i32
    %mul3A_375 = arith.muli %add3A_373, %mul3A_374 : i32
    %dma_start3A_376 = arith.constant 32 : i32
    %dma_start3A_377 = arith.constant 0 : i32
    %dma_start3A_378 = tpu.memref_slice %arg10[%dma_start3A_376, %dma_start3A_377] : memref<128x129xf32, #tpu.memory_space<vmem>> -> memref<32x128xf32, #tpu.memory_space<vmem>>
    %dma_start3A_379 = arith.constant 0 : i32
    %dma_start3A_380 = tpu.memref_slice %arg4[%mul3A_375, %dma_start3A_379] : memref<819200x128xf32, #tpu.memory_space<hbm>> -> memref<32x128xf32, #tpu.memory_space<hbm>>
    %dma_start3A_381 = arith.constant 0 : i32
    %dma_start3A_382 = tpu.memref_slice %arg4[%mul3A_375, %dma_start3A_381] : memref<819200x128xf32, #tpu.memory_space<hbm>> -> memref<32x128xf32, #tpu.memory_space<hbm>>
    %dma_start3A_383 = arith.constant 32 : i32
    %dma_start3A_384 = arith.constant 0 : i32
    %dma_start3A_385 = tpu.memref_slice %arg10[%dma_start3A_383, %dma_start3A_384] : memref<128x129xf32, #tpu.memory_space<vmem>> -> memref<32x128xf32, #tpu.memory_space<vmem>>
    tpu.enqueue_dma source(%dma_start3A_385 : memref<32x128xf32, #tpu.memory_space<vmem>>) target(%dma_start3A_382 : memref<32x128xf32, #tpu.memory_space<hbm>>) target_semaphore(%arg16 : memref<!tpu.dma_semaphore, #tpu.memory_space<semaphore_mem>>)
    %add3A_386 = arith.constant 102144 : i32
    %add3A_387 = arith.addi %add3A_386, %mul3A_4 : i32
    %mul3A_388 = arith.constant 8 : i32
    %mul3A_389 = arith.muli %add3A_387, %mul3A_388 : i32
    %dma_start3A_390 = arith.constant 64 : i32
    %dma_start3A_391 = arith.constant 0 : i32
    %dma_start3A_392 = tpu.memref_slice %arg10[%dma_start3A_390, %dma_start3A_391] : memref<128x129xf32, #tpu.memory_space<vmem>> -> memref<32x128xf32, #tpu.memory_space<vmem>>
    %dma_start3A_393 = arith.constant 0 : i32
    %dma_start3A_394 = tpu.memref_slice %arg4[%mul3A_389, %dma_start3A_393] : memref<819200x128xf32, #tpu.memory_space<hbm>> -> memref<32x128xf32, #tpu.memory_space<hbm>>
    %dma_start3A_395 = arith.constant 0 : i32
    %dma_start3A_396 = tpu.memref_slice %arg4[%mul3A_389, %dma_start3A_395] : memref<819200x128xf32, #tpu.memory_space<hbm>> -> memref<32x128xf32, #tpu.memory_space<hbm>>
    %dma_start3A_397 = arith.constant 64 : i32
    %dma_start3A_398 = arith.constant 0 : i32
    %dma_start3A_399 = tpu.memref_slice %arg10[%dma_start3A_397, %dma_start3A_398] : memref<128x129xf32, #tpu.memory_space<vmem>> -> memref<32x128xf32, #tpu.memory_space<vmem>>
    tpu.enqueue_dma source(%dma_start3A_399 : memref<32x128xf32, #tpu.memory_space<vmem>>) target(%dma_start3A_396 : memref<32x128xf32, #tpu.memory_space<hbm>>) target_semaphore(%arg16 : memref<!tpu.dma_semaphore, #tpu.memory_space<semaphore_mem>>)
    %add3A_400 = arith.constant 102272 : i32
    %add3A_401 = arith.addi %add3A_400, %mul3A_4 : i32
    %mul3A_402 = arith.constant 8 : i32
    %mul3A_403 = arith.muli %add3A_401, %mul3A_402 : i32
    %dma_start3A_404 = arith.constant 96 : i32
    %dma_start3A_405 = arith.constant 0 : i32
    %dma_start3A_406 = tpu.memref_slice %arg10[%dma_start3A_404, %dma_start3A_405] : memref<128x129xf32, #tpu.memory_space<vmem>> -> memref<32x128xf32, #tpu.memory_space<vmem>>
    %dma_start3A_407 = arith.constant 0 : i32
    %dma_start3A_408 = tpu.memref_slice %arg4[%mul3A_403, %dma_start3A_407] : memref<819200x128xf32, #tpu.memory_space<hbm>> -> memref<32x128xf32, #tpu.memory_space<hbm>>
    %dma_start3A_409 = arith.constant 0 : i32
    %dma_start3A_410 = tpu.memref_slice %arg4[%mul3A_403, %dma_start3A_409] : memref<819200x128xf32, #tpu.memory_space<hbm>> -> memref<32x128xf32, #tpu.memory_space<hbm>>
    %dma_start3A_411 = arith.constant 96 : i32
    %dma_start3A_412 = arith.constant 0 : i32
    %dma_start3A_413 = tpu.memref_slice %arg10[%dma_start3A_411, %dma_start3A_412] : memref<128x129xf32, #tpu.memory_space<vmem>> -> memref<32x128xf32, #tpu.memory_space<vmem>>
    tpu.enqueue_dma source(%dma_start3A_413 : memref<32x128xf32, #tpu.memory_space<vmem>>) target(%dma_start3A_410 : memref<32x128xf32, #tpu.memory_space<hbm>>) target_semaphore(%arg16 : memref<!tpu.dma_semaphore, #tpu.memory_space<semaphore_mem>>)
    %add3A_414 = arith.constant 0 : i32
    %add3A_415 = arith.addi %add3A_414, %mul3A_4 : i32
    %mul3A_416 = arith.constant 8 : i32
    %mul3A_417 = arith.muli %add3A_415, %mul3A_416 : i32
    %dma_wait3A_418 = arith.constant 0 : i32
    %dma_wait3A_419 = arith.constant 0 : i32
    %dma_wait3A_420 = tpu.memref_slice %arg9[%dma_wait3A_418, %dma_wait3A_419] : memref<128x129xf32, #tpu.memory_space<vmem>> -> memref<32x128xf32, #tpu.memory_space<vmem>>
    %dma_wait3A_421 = arith.constant 0 : i32
    %dma_wait3A_422 = tpu.memref_slice %arg4[%mul3A_417, %dma_wait3A_421] : memref<819200x128xf32, #tpu.memory_space<hbm>> -> memref<32x128xf32, #tpu.memory_space<hbm>>
    %dma_wait3A_423 = arith.constant 0 : i32
    %dma_wait3A_424 = tpu.memref_slice %arg4[%mul3A_417, %dma_wait3A_423] : memref<819200x128xf32, #tpu.memory_space<hbm>> -> memref<32x128xf32, #tpu.memory_space<hbm>>
    %dma_wait3A_425 = arith.constant 0 : i32
    %dma_wait3A_426 = arith.constant 0 : i32
    %dma_wait3A_427 = tpu.memref_slice %arg9[%dma_wait3A_425, %dma_wait3A_426] : memref<128x129xf32, #tpu.memory_space<vmem>> -> memref<32x128xf32, #tpu.memory_space<vmem>>
    tpu.wait_dma2 semaphore(%arg15 : memref<!tpu.dma_semaphore, #tpu.memory_space<semaphore_mem>>) src(%dma_wait3A_427 : memref<32x128xf32, #tpu.memory_space<vmem>>) dst(%dma_wait3A_424 : memref<32x128xf32, #tpu.memory_space<hbm>>)
    %add3A_428 = arith.constant 128 : i32
    %add3A_429 = arith.addi %add3A_428, %mul3A_4 : i32
    %mul3A_430 = arith.constant 8 : i32
    %mul3A_431 = arith.muli %add3A_429, %mul3A_430 : i32
    %dma_wait3A_432 = arith.constant 32 : i32
    %dma_wait3A_433 = arith.constant 0 : i32
    %dma_wait3A_434 = tpu.memref_slice %arg9[%dma_wait3A_432, %dma_wait3A_433] : memref<128x129xf32, #tpu.memory_space<vmem>> -> memref<32x128xf32, #tpu.memory_space<vmem>>
    %dma_wait3A_435 = arith.constant 0 : i32
    %dma_wait3A_436 = tpu.memref_slice %arg4[%mul3A_431, %dma_wait3A_435] : memref<819200x128xf32, #tpu.memory_space<hbm>> -> memref<32x128xf32, #tpu.memory_space<hbm>>
    %dma_wait3A_437 = arith.constant 0 : i32
    %dma_wait3A_438 = tpu.memref_slice %arg4[%mul3A_431, %dma_wait3A_437] : memref<819200x128xf32, #tpu.memory_space<hbm>> -> memref<32x128xf32, #tpu.memory_space<hbm>>
    %dma_wait3A_439 = arith.constant 32 : i32
    %dma_wait3A_440 = arith.constant 0 : i32
    %dma_wait3A_441 = tpu.memref_slice %arg9[%dma_wait3A_439, %dma_wait3A_440] : memref<128x129xf32, #tpu.memory_space<vmem>> -> memref<32x128xf32, #tpu.memory_space<vmem>>
    tpu.wait_dma2 semaphore(%arg15 : memref<!tpu.dma_semaphore, #tpu.memory_space<semaphore_mem>>) src(%dma_wait3A_441 : memref<32x128xf32, #tpu.memory_space<vmem>>) dst(%dma_wait3A_438 : memref<32x128xf32, #tpu.memory_space<hbm>>)
    %add3A_442 = arith.constant 256 : i32
    %add3A_443 = arith.addi %add3A_442, %mul3A_4 : i32
    %mul3A_444 = arith.constant 8 : i32
    %mul3A_445 = arith.muli %add3A_443, %mul3A_444 : i32
    %dma_wait3A_446 = arith.constant 64 : i32
    %dma_wait3A_447 = arith.constant 0 : i32
    %dma_wait3A_448 = tpu.memref_slice %arg9[%dma_wait3A_446, %dma_wait3A_447] : memref<128x129xf32, #tpu.memory_space<vmem>> -> memref<32x128xf32, #tpu.memory_space<vmem>>
    %dma_wait3A_449 = arith.constant 0 : i32
    %dma_wait3A_450 = tpu.memref_slice %arg4[%mul3A_445, %dma_wait3A_449] : memref<819200x128xf32, #tpu.memory_space<hbm>> -> memref<32x128xf32, #tpu.memory_space<hbm>>
    %dma_wait3A_451 = arith.constant 0 : i32
    %dma_wait3A_452 = tpu.memref_slice %arg4[%mul3A_445, %dma_wait3A_451] : memref<819200x128xf32, #tpu.memory_space<hbm>> -> memref<32x128xf32, #tpu.memory_space<hbm>>
    %dma_wait3A_453 = arith.constant 64 : i32
    %dma_wait3A_454 = arith.constant 0 : i32
    %dma_wait3A_455 = tpu.memref_slice %arg9[%dma_wait3A_453, %dma_wait3A_454] : memref<128x129xf32, #tpu.memory_space<vmem>> -> memref<32x128xf32, #tpu.memory_space<vmem>>
    tpu.wait_dma2 semaphore(%arg15 : memref<!tpu.dma_semaphore, #tpu.memory_space<semaphore_mem>>) src(%dma_wait3A_455 : memref<32x128xf32, #tpu.memory_space<vmem>>) dst(%dma_wait3A_452 : memref<32x128xf32, #tpu.memory_space<hbm>>)
    %add3A_456 = arith.constant 384 : i32
    %add3A_457 = arith.addi %add3A_456, %mul3A_4 : i32
    %mul3A_458 = arith.constant 8 : i32
    %mul3A_459 = arith.muli %add3A_457, %mul3A_458 : i32
    %dma_wait3A_460 = arith.constant 96 : i32
    %dma_wait3A_461 = arith.constant 0 : i32
    %dma_wait3A_462 = tpu.memref_slice %arg9[%dma_wait3A_460, %dma_wait3A_461] : memref<128x129xf32, #tpu.memory_space<vmem>> -> memref<32x128xf32, #tpu.memory_space<vmem>>
    %dma_wait3A_463 = arith.constant 0 : i32
    %dma_wait3A_464 = tpu.memref_slice %arg4[%mul3A_459, %dma_wait3A_463] : memref<819200x128xf32, #tpu.memory_space<hbm>> -> memref<32x128xf32, #tpu.memory_space<hbm>>
    %dma_wait3A_465 = arith.constant 0 : i32
    %dma_wait3A_466 = tpu.memref_slice %arg4[%mul3A_459, %dma_wait3A_465] : memref<819200x128xf32, #tpu.memory_space<hbm>> -> memref<32x128xf32, #tpu.memory_space<hbm>>
    %dma_wait3A_467 = arith.constant 96 : i32
    %dma_wait3A_468 = arith.constant 0 : i32
    %dma_wait3A_469 = tpu.memref_slice %arg9[%dma_wait3A_467, %dma_wait3A_468] : memref<128x129xf32, #tpu.memory_space<vmem>> -> memref<32x128xf32, #tpu.memory_space<vmem>>
    tpu.wait_dma2 semaphore(%arg15 : memref<!tpu.dma_semaphore, #tpu.memory_space<semaphore_mem>>) src(%dma_wait3A_469 : memref<32x128xf32, #tpu.memory_space<vmem>>) dst(%dma_wait3A_466 : memref<32x128xf32, #tpu.memory_space<hbm>>)
    %add3A_470 = arith.constant 0 : i32
    %add3A_471 = arith.addi %add3A_470, %mul3A_4 : i32
    %mul3A_472 = arith.constant 8 : i32
    %mul3A_473 = arith.muli %add3A_471, %mul3A_472 : i32
    %dma_wait3A_474 = arith.constant 0 : i32
    %dma_wait3A_475 = arith.constant 0 : i32
    %dma_wait3A_476 = tpu.memref_slice %arg10[%dma_wait3A_474, %dma_wait3A_475] : memref<128x129xf32, #tpu.memory_space<vmem>> -> memref<32x128xf32, #tpu.memory_space<vmem>>
    %dma_wait3A_477 = arith.constant 0 : i32
    %dma_wait3A_478 = tpu.memref_slice %arg4[%mul3A_473, %dma_wait3A_477] : memref<819200x128xf32, #tpu.memory_space<hbm>> -> memref<32x128xf32, #tpu.memory_space<hbm>>
    %dma_wait3A_479 = arith.constant 0 : i32
    %dma_wait3A_480 = tpu.memref_slice %arg4[%mul3A_473, %dma_wait3A_479] : memref<819200x128xf32, #tpu.memory_space<hbm>> -> memref<32x128xf32, #tpu.memory_space<hbm>>
    %dma_wait3A_481 = arith.constant 0 : i32
    %dma_wait3A_482 = arith.constant 0 : i32
    %dma_wait3A_483 = tpu.memref_slice %arg10[%dma_wait3A_481, %dma_wait3A_482] : memref<128x129xf32, #tpu.memory_space<vmem>> -> memref<32x128xf32, #tpu.memory_space<vmem>>
    tpu.wait_dma2 semaphore(%arg16 : memref<!tpu.dma_semaphore, #tpu.memory_space<semaphore_mem>>) src(%dma_wait3A_483 : memref<32x128xf32, #tpu.memory_space<vmem>>) dst(%dma_wait3A_480 : memref<32x128xf32, #tpu.memory_space<hbm>>)
    %add3A_484 = arith.constant 128 : i32
    %add3A_485 = arith.addi %add3A_484, %mul3A_4 : i32
    %mul3A_486 = arith.constant 8 : i32
    %mul3A_487 = arith.muli %add3A_485, %mul3A_486 : i32
    %dma_wait3A_488 = arith.constant 32 : i32
    %dma_wait3A_489 = arith.constant 0 : i32
    %dma_wait3A_490 = tpu.memref_slice %arg10[%dma_wait3A_488, %dma_wait3A_489] : memref<128x129xf32, #tpu.memory_space<vmem>> -> memref<32x128xf32, #tpu.memory_space<vmem>>
    %dma_wait3A_491 = arith.constant 0 : i32
    %dma_wait3A_492 = tpu.memref_slice %arg4[%mul3A_487, %dma_wait3A_491] : memref<819200x128xf32, #tpu.memory_space<hbm>> -> memref<32x128xf32, #tpu.memory_space<hbm>>
    %dma_wait3A_493 = arith.constant 0 : i32
    %dma_wait3A_494 = tpu.memref_slice %arg4[%mul3A_487, %dma_wait3A_493] : memref<819200x128xf32, #tpu.memory_space<hbm>> -> memref<32x128xf32, #tpu.memory_space<hbm>>
    %dma_wait3A_495 = arith.constant 32 : i32
    %dma_wait3A_496 = arith.constant 0 : i32
    %dma_wait3A_497 = tpu.memref_slice %arg10[%dma_wait3A_495, %dma_wait3A_496] : memref<128x129xf32, #tpu.memory_space<vmem>> -> memref<32x128xf32, #tpu.memory_space<vmem>>
    tpu.wait_dma2 semaphore(%arg16 : memref<!tpu.dma_semaphore, #tpu.memory_space<semaphore_mem>>) src(%dma_wait3A_497 : memref<32x128xf32, #tpu.memory_space<vmem>>) dst(%dma_wait3A_494 : memref<32x128xf32, #tpu.memory_space<hbm>>)
    %add3A_498 = arith.constant 256 : i32
    %add3A_499 = arith.addi %add3A_498, %mul3A_4 : i32
    %mul3A_500 = arith.constant 8 : i32
    %mul3A_501 = arith.muli %add3A_499, %mul3A_500 : i32
    %dma_wait3A_502 = arith.constant 64 : i32
    %dma_wait3A_503 = arith.constant 0 : i32
    %dma_wait3A_504 = tpu.memref_slice %arg10[%dma_wait3A_502, %dma_wait3A_503] : memref<128x129xf32, #tpu.memory_space<vmem>> -> memref<32x128xf32, #tpu.memory_space<vmem>>
    %dma_wait3A_505 = arith.constant 0 : i32
    %dma_wait3A_506 = tpu.memref_slice %arg4[%mul3A_501, %dma_wait3A_505] : memref<819200x128xf32, #tpu.memory_space<hbm>> -> memref<32x128xf32, #tpu.memory_space<hbm>>
    %dma_wait3A_507 = arith.constant 0 : i32
    %dma_wait3A_508 = tpu.memref_slice %arg4[%mul3A_501, %dma_wait3A_507] : memref<819200x128xf32, #tpu.memory_space<hbm>> -> memref<32x128xf32, #tpu.memory_space<hbm>>
    %dma_wait3A_509 = arith.constant 64 : i32
    %dma_wait3A_510 = arith.constant 0 : i32
    %dma_wait3A_511 = tpu.memref_slice %arg10[%dma_wait3A_509, %dma_wait3A_510] : memref<128x129xf32, #tpu.memory_space<vmem>> -> memref<32x128xf32, #tpu.memory_space<vmem>>
    tpu.wait_dma2 semaphore(%arg16 : memref<!tpu.dma_semaphore, #tpu.memory_space<semaphore_mem>>) src(%dma_wait3A_511 : memref<32x128xf32, #tpu.memory_space<vmem>>) dst(%dma_wait3A_508 : memref<32x128xf32, #tpu.memory_space<hbm>>)
    %add3A_512 = arith.constant 384 : i32
    %add3A_513 = arith.addi %add3A_512, %mul3A_4 : i32
    %mul3A_514 = arith.constant 8 : i32
    %mul3A_515 = arith.muli %add3A_513, %mul3A_514 : i32
    %dma_wait3A_516 = arith.constant 96 : i32
    %dma_wait3A_517 = arith.constant 0 : i32
    %dma_wait3A_518 = tpu.memref_slice %arg10[%dma_wait3A_516, %dma_wait3A_517] : memref<128x129xf32, #tpu.memory_space<vmem>> -> memref<32x128xf32, #tpu.memory_space<vmem>>
    %dma_wait3A_519 = arith.constant 0 : i32
    %dma_wait3A_520 = tpu.memref_slice %arg4[%mul3A_515, %dma_wait3A_519] : memref<819200x128xf32, #tpu.memory_space<hbm>> -> memref<32x128xf32, #tpu.memory_space<hbm>>
    %dma_wait3A_521 = arith.constant 0 : i32
    %dma_wait3A_522 = tpu.memref_slice %arg4[%mul3A_515, %dma_wait3A_521] : memref<819200x128xf32, #tpu.memory_space<hbm>> -> memref<32x128xf32, #tpu.memory_space<hbm>>
    %dma_wait3A_523 = arith.constant 96 : i32
    %dma_wait3A_524 = arith.constant 0 : i32
    %dma_wait3A_525 = tpu.memref_slice %arg10[%dma_wait3A_523, %dma_wait3A_524] : memref<128x129xf32, #tpu.memory_space<vmem>> -> memref<32x128xf32, #tpu.memory_space<vmem>>
    tpu.wait_dma2 semaphore(%arg16 : memref<!tpu.dma_semaphore, #tpu.memory_space<semaphore_mem>>) src(%dma_wait3A_525 : memref<32x128xf32, #tpu.memory_space<vmem>>) dst(%dma_wait3A_522 : memref<32x128xf32, #tpu.memory_space<hbm>>)
    return
  }
}

</mosaic_0001>

<sc_bundles>
// kernel: kernel.3.cloned.1.call-start
scs
__scs_entry_jumppad:
0x0: {  	(pc) =	sbr.rel $0x88, $3  }
0x1: {  	(tag) =	ssettag $0x0;
	lr =	simm.s32 $0x1  }
0x2: {  	[smem:$0x3F9F] =	sst lr;
	_ =	strace $0xD0000000  }
0x3: {  	_ = 	snop  }
0x4: {  	_ = 	snop  }
0x5: {  	_ = 	snop  }
0x6: {  	_ = 	snop  }
0x7: {  	_ = 	snop  }
__scs_overlays_trampoline_lowered:
0x8: {  	[smem:$0x3FAE] =	sst s0  }
0x9: {  	[smem:$0x3FAF] =	sst s1  }
0xa: {  	[smem:$0x3FB0] =	sst s2  }
0xb: {  	[smem:$0x3FB1] =	sst s3  }
0xc: {  	[smem:$0x3FB2] =	sst s4  }
0xd: {  	[smem:$0x3FB3] =	sst s5  }
0xe: {  	[smem:$0x3FB4] =	sst s6  }
0xf: {  	[smem:$0x3FB5] =	sst s7  }
0x10: {  	[smem:$0x3FB6] =	sst s8  }
0x11: {  	[smem:$0x3FB7] =	sst s9;
	s0 =	simm.s32 @!p0 $0x0  }
0x12: {  	s1 =	sld [smem:$0x3F9D];
	s0 =	simm.s32 @p0 $0x1  }
0x13: {  	[smem:$0x3FB8] =	sst s0;
	s0 =	simm.s32 @!p1 $0x0  }
0x14: {  	s2 =	sld [smem:$0x3F9C];
	s0 =	simm.s32 @p1 $0x1  }
0x15: {  	[smem:$0x3FB9] =	sst s0;
	s0 =	simm.s32 @!p2 $0x0  }
0x16: {  	s3 =	sld [smem:$0x3FDB];
	s0 =	simm.s32 @p2 $0x1  }
0x17: {  	s4 =	simm.s32 $0x1BF5;
	[smem:$0x3FBB] =	sst s0  }
0x18: {  	s0 =	sld [smem:$0x3F9E];
	_ =	swait.ge [sflag:s4], $0x0  }
0x19: {  	s7 =	sld [smem:$0x3F9F]  }
0x1a: {  	s8 =	sadd.s32 $0xFFFFE003, lr  }
0x1b: {  	s9 =	sadd.s32 $0xFFFFFEF7, lr;
	s5 =	simm.s32 $0xFFFFFFFF;
	p2 =	slt.u32 s8, $0xFFFFF086  }
0x1c: {  	p1 =	slt.u32 s9, $0xF7A;
	s5 =	simm.s32 @!p2 $0x0  }
0x1d: {  	s5 =	simm.s32 @p1 $0x1;
	p0 =	seq.s32 s7, s2  }
0x1e: {  	s7 =	smul.u32 @!p0 $0xF7A, s2;
	p2 =	seq.s32 @!p0 s5, $0x0  }
0x1f: {  	s9 =	smul.u32 $0xF7A, s1;
	s8 =	simm.s32 @!p0 $0x1BF5;
	p2 =	por !p2, p0  }
0x20: {  	[sflag:s8] =	ssyncset.s32 @!p0 $0xFFFFF086;
	s6 =	sadd.s32 @!p0 s3, s7;
	s7 =	simm.s32 @!p0 $0x108  }
0x21: {  	s3 =	sadd.s32 s3, s9;
	s6 =	sadd.s32 @!p0 $0x88, s6;
	s7 =	simm.s32 @p2 $0x1082  }
0x22: {  	[simem:s7], [sflag:s8] =	dma.local @!p0 [hbm:s6], $0xF7A  }
0x23: {  	s9 =	sor.u32 $0xD0000000, s2;
	s6 =	simm.s32 $0x108;
	_ =	swait.ge @!p0 [sflag:s8], $0x0  }
0x24: {  	s3 =	sadd.s32 $0x88, s3;
	s6 =	simm.s32 @!p1 $0x1082;
	[sflag:s4] =	ssyncset.s32 $0xFFFFF086  }
0x25: {  	[simem:s6], [sflag:s4] =	dma.local [hbm:s3], $0xF7A  }
0x26: {  	[smem:$0x3F9F] =	sst s1;
	(tag) =	ssettag s2;
	_ =	strace s9  }
0x27: {  	s1 =	sld [smem:$0x3FAF]  }
0x28: {  	s2 =	sld [smem:$0x3FB0]  }
0x29: {  	s4 =	sld [smem:$0x3FB2]  }
0x2a: {  	p0 =	seq.s32 s5, $0x0;
	s5 =	sld [smem:$0x3FB3]  }
0x2b: {  	s6 =	sld [smem:$0x3FB4]  }
0x2c: {  	s7 =	sld [smem:$0x3FB5]  }
0x2d: {  	s3 =	simm.s32 $0x108;
	s8 =	sld [smem:$0x3FB6]  }
0x2e: {  	s3 =	simm.s32 @!p0 $0x1082;
	s9 =	sld [smem:$0x3FB7]  }
0x2f: {  	lr =	sadd.s32 s0, s3;
	s0 =	sld [smem:$0x3FAE]  }
0x30: {  	s3 =	sld [smem:$0x3FB1]  }
0x31: {  	[smem:$0x3FBA] =	sst s10  }
0x32: {  	s10 =	sld [smem:$0x3FB8];
	_ =	sdelay $0x3  }
0x33: {  	p0 =	seq.s32 s10, $0x1;
	s10 =	sld [smem:$0x3FBA];
	_ =	sdelay $0x3  }
0x34: {  	[smem:$0x3FBA] =	sst s10  }
0x35: {  	s10 =	sld [smem:$0x3FB9];
	_ =	sdelay $0x3  }
0x36: {  	p1 =	seq.s32 s10, $0x1;
	s10 =	sld [smem:$0x3FBA];
	_ =	sdelay $0x3  }
0x37: {  	[smem:$0x3FBA] =	sst s10  }
0x38: {  	s10 =	sld [smem:$0x3FBB]  }
0x39: {  	_ = 	snop;
	(pc) =	sbr.ind lr, $3  }
0x3a: {  	_ = 	snop  }
0x3b: {  	_ = 	snop  }
0x3c: {  	p2 =	seq.s32 s10, $0x1;
	s10 =	sld [smem:$0x3FBA]  }
0x3d: {  	_ =	shalt  }
0x3e: {  	_ =	shalt  }
0x3f: {  	_ =	shalt  }
0x40: {  	_ =	shalt  }
0x41: {  	_ =	shalt  }
0x42: {  	_ =	shalt  }
0x43: {  	_ =	shalt  }
0x44: {  	_ =	shalt  }
0x45: {  	_ =	shalt  }
0x46: {  	_ =	shalt  }
0x47: {  	_ =	shalt  }
0x48: {  	_ =	shalt  }
0x49: {  	_ =	shalt  }
0x4a: {  	_ =	shalt  }
0x4b: {  	_ =	shalt  }
0x4c: {  	_ =	shalt  }
0x4d: {  	_ =	shalt  }
0x4e: {  	_ =	shalt  }
0x4f: {  	_ =	shalt  }
0x50: {  	_ =	shalt  }
0x51: {  	_ =	shalt  }
0x52: {  	_ =	shalt  }
0x53: {  	_ =	shalt  }
0x54: {  	_ =	shalt  }
0x55: {  	_ =	shalt  }
0x56: {  	_ =	shalt  }
0x57: {  	_ =	shalt  }
0x58: {  	_ =	shalt  }
0x59: {  	_ =	shalt  }
0x5a: {  	_ =	shalt  }
0x5b: {  	_ =	shalt  }
0x5c: {  	_ =	shalt  }
0x5d: {  	_ =	shalt  }
0x5e: {  	_ =	shalt  }
0x5f: {  	_ =	shalt  }
0x60: {  	_ =	shalt  }
0x61: {  	_ =	shalt  }
0x62: {  	_ =	shalt  }
0x63: {  	_ =	shalt  }
0x64: {  	_ =	shalt  }
0x65: {  	_ =	shalt  }
0x66: {  	_ =	shalt  }
0x67: {  	_ =	shalt  }
0x68: {  	_ =	shalt  }
0x69: {  	_ =	shalt  }
0x6a: {  	_ =	shalt  }
0x6b: {  	_ =	shalt  }
0x6c: {  	_ =	shalt  }
0x6d: {  	_ =	shalt  }
0x6e: {  	_ =	shalt  }
0x6f: {  	_ =	shalt  }
0x70: {  	_ =	shalt  }
0x71: {  	_ =	shalt  }
0x72: {  	_ =	shalt  }
0x73: {  	_ =	shalt  }
0x74: {  	_ =	shalt  }
0x75: {  	_ =	shalt  }
0x76: {  	_ =	shalt  }
0x77: {  	_ =	shalt  }
0x78: {  	_ =	shalt  }
0x79: {  	_ =	shalt  }
0x7a: {  	_ =	shalt  }
0x7b: {  	_ =	shalt  }
0x7c: {  	_ =	shalt  }
0x7d: {  	_ =	shalt  }
0x7e: {  	_ =	shalt  }
0x7f: {  	_ =	shalt  }
0x80: {  	_ =	shalt  }
0x81: {  	_ =	shalt  }
0x82: {  	_ =	shalt  }
0x83: {  	_ =	shalt  }
0x84: {  	_ =	shalt  }
0x85: {  	_ =	shalt  }
0x86: {  	_ =	shalt  }
0x87: {  	_ =	shalt  }
.Lfunc_end0:
.L_simem_size_0:
called_computation_lowered:
.L_overlay_start_0:
0x88: {  	s2 =	sld [smem:$0x3FD9]  }
0x89: {  	s3 =	sld [smem:$0x3FFE];
	_ =	sdelay $0x1  }
0x8a: {  	s1 =	srdreg.scid  }
0x8b: {  	s0 =	sand.u32 $0x1, s1  }
0x8c: {  	s17 =	sshll.u32 s0, $0xA;
	s2 =	sadd.s32 s3, s2  }
0x8d: {  	s2 =	sadd.s32 s2, s17  }
0x8e: {  	[smem:$0x3FC6] =	sst s2  }
0x8f: {  	_ = 	snop  }
0x90: {  	s2 =	sld [smem:$0x3FD0];
	(tm) =	ssettm $0x1  }
0x91: {  	s18 =	sld [smem:$0x3FFB];
	_ =	sdelay $0x3  }
0x92: {  	_ =	strace s18  }
0x93: {  	s3 =	sld [smem:$0x3FFC];
	_ =	sdelay $0x3  }
0x94: {  	_ =	strace s3  }
0x95: {  	s3 =	sld [smem:$0x3FFD];
	_ =	sdelay $0x3  }
0x96: {  	_ =	strace s3  }
0x97: {  	_ =	strace $0x8FFFFFFF  }
0x98: {  	s19 =	sld [smem:$0x3FDB];
	_ =	sdelay $0x1  }
0x99: {  	s4 =	simm.s32 $_scs_section_size  }
0x9a: {  	s5 =	simm.s32 $_size__tile_overlayer_lowered;
	s6 =	simm.s32 $_tile_overlayer_lowered  }
0x9b: {  	s22 =	simm.s32 $0x1BFF;
	s21 =	sshll.u32 s6, $0x1;
	s3 =	sadd.s32 s4, s19  }
0x9c: {  	s7 =	simm.s32 $0x0;
	s20 =	sshll.u32 s5, $0x1;
	s5 =	sadd.s32 s21, s3  }
0x9d: {  	[timem:s7], [sflag:s22] =	dma.local [hbm:s5], s20  }
0x9e: {  	_ =	swait.ge [sflag:s22], s20  }
0x9f: {  	s4 =	ssub.s32 $0x0, s20;
	[sflag:s22] =	ssyncset.done $0x0  }
0xa0: {  	[sflag:s22] =	ssyncadd.s32 s4;
	_ =	sdelay $0x1  }
0xa1: {  	s23 =	simm.s32 $0x1B8B  }
0xa2: {  	_ =	swait.ge [sflag:s23], $0x1  }
0xa3: {  	[sflag:s23] =	ssyncset.done $0x0  }
0xa4: {  	s25 =	simm.s32 $0x1B8E;
	s24 =	sld [smem:$0x3FFE];
	[sflag:s23] =	ssyncadd.s32 $0xFFFFFFFF  }
0xa5: {  	s26 =	simm.s32 $execute0_lowered;
	[smem:$0x3FD2] =	sst s25  }
0xa6: {  	s5 =	sshll.u32 s26, $0x1;
	_ =	strace $0x80000046;
	[dreg:$0x1] =	wrdreg $0xFFFFFFFF  }
0xa7: {  	s28 =	simm.s32 $_size_execute0_lowered;
	s3 =	sadd.s32 s3, s5;
	[dreg:$0x0] =	wrdreg $0x0  }
0xa8: {  	s5 =	sshll.u32 s28, $0x1;
	[dreg:$0x2] =	wrdreg s3  }
0xa9: {  	[dreg:$0x3] =	wrdreg s5  }
0xaa: {  	[dreg:$0x4] =	wrdreg $0xC0  }
0xab: {  	_ =	task [dreg:s7], $0x5FFFF  }
0xac: {  	[dreg:$0x1] =	wrdreg $0xFFFFFFFF  }
0xad: {  	[dreg:$0x0] =	wrdreg $0x60  }
0xae: {  	[dreg:$0x2] =	wrdreg s24  }
0xaf: {  	[dreg:$0x3] =	wrdreg s2  }
0xb0: {  	[dreg:$0x4] =	wrdreg $0x9  }
0xb1: {  	_ =	task.clear_ibuf [dreg:s7], $0x5FFFF;
	_ =	strace $0x90000046  }
0xb2: {  	s29 =	simm.s32 $0x9;
	_ =	strace $0x80000048  }
0xb3: {  	_ =	swait.ge [sflag:s29], $0x1  }
0xb4: {  	[sflag:s29] =	ssyncadd.s32 $0xFFFFFFFF  }
0xb5: {  	_ =	strace $0x90000048  }
0xb6: {  	_ =	sfence  }
0xb7: {  	s30 =	sld [smem:$0x0];
	_ =	sdelay $0x2  }
0xb8: {  	s31 =	sshll.u32 s1, $0xD;
	s1 =	sshrl.u32 s1, $0x2  }
0xb9: {  	s3 =	sand.u32 $0x4000, s31;
	s1 =	sadd.s32 s1, s30  }
0xba: {  	s0 =	sor.u32 s3, s0;
	s1 =	sshll.u32 s1, $0x11  }
0xbb: {  	s0 =	sor.u32 s1, s0  }
0xbc: {  	s0 =	sadd.s32 $0x8F2B, s0  }
0xbd: {  	[sflag:s0] =	ssyncadd.remote.s32 $0x1  }
0xbe: {  	_ =	sfence.sel $0xFFFF  }
0xbf: {  	[dreg:$0x0] =	wrdreg $0xFFFFFFFF;
	(pc) =	sbr.abs _section_cstart, $3  }
0xc0: {  	[dreg:$0x1] =	wrdreg $0xFFFFFFFF  }
0xc1: {  	_ =	task.clear_ibuf [dreg:s7], $0x2FFFF;
	_ =	strace $0x9FFFFFFF  }
0xc2: {  	(tm) =	ssettm $0x7FFFFFFF  }
0xc3: {  	_ =	shalt  }
tec
execute0_lowered:
.L_overlay_start_1:
0x0: {  	(tag) =	ssettag $0x1  }
0x1: {  	s0 =	rddreg [dreg:$0x0]  }
0x2: {  	s4 =	rddreg [dreg:$0x1];
	s3 =	simm.s32 $0x0  }
0x3: {  	[smem:$0x7FF] =	sst s3;
	s5 =	sadd.s32 $0x600, s0;
	s0 =	sadd.s32 $0xF42A00, s0  }
0x4: {  	_ =	strace $0x80000047;
	[dreg:$0x4] =	wrdreg s0  }
0x5: {  	s20 =	sadd.s32 $0x4000, s4;
	[dreg:$0x3] =	wrdreg s5  }
0x6: {  	s1 =	srdreg.scid;
	s21 =	sadd.s32 $0x8000, s4;
	[dreg:$0x9] =	wrdreg s20  }
0x7: {  	s2 =	stileid.u32;
	s22 =	sadd.s32 $0xC000, s4;
	[dreg:$0xa] =	wrdreg s21  }
0x8: {  	s15 =	simm.s32 $0x8400;
	s23 =	sadd.s32 $0x10000, s4;
	[dreg:$0xb] =	wrdreg s22  }
0x9: {  	v0 =	vimm.s32 $0x14B8;
	s1 =	sand.u32 $0x1, s1;
	s24 =	sadd.s32 $0x14000, s4;
	[dreg:$0xd] =	wrdreg s23  }
0xa: {  	vm0 =	vcmask $0x300;
	vm1 =	vcmask $0x704;
	v1 =	vimm.s32 $0x36B8;
	s2 =	sshll.u32 s2, $0x1;
	s25 =	sadd.s32 $0x18000, s4;
	[dreg:$0xe] =	wrdreg s24  }
0xb: {  	vm2 =	vcmask $0xB08;
	v0 =	vsel vm0, $0x0, v0;
	v1 =	vsel vm0, $0x2200, v1;
	s26 =	sadd.s32 $0x1C000, s4;
	s6 =	ssub.s32 $0x2, s1;
	[dreg:$0xf] =	wrdreg s25  }
0xc: {  	vm3 =	vcmask $0xF0C;
	s1 =	sor.u32 s1, s2;
	v0 =	vsel vm1, $0x88, v0;
	v1 =	vsel vm1, $0x2288, v1;
	[dreg:$0x10] =	wrdreg s26;
	s16 =	sshrl.u32 s6, $0x1  }
0xd: {  	vm15 =	vcmask $0x1310;
	s7 =	sshll.u32 s1, $0x6;
	s1 =	sshll.u32 s1, $0x9;
	v0 =	vsel vm2, $0x110, v0;
	v1 =	vsel vm2, $0x2310, v1;
	s17 =	ssub.s32 s6, s16  }
0xe: {  	vm6 =	vcmask $0x1714;
	s18 =	sadd.s32 s5, s7;
	s10 =	sadd.s32 s4, s1;
	v0 =	vsel vm3, $0x198, v0;
	s13 =	sadd.s32 s1, s20;
	v1 =	vsel vm3, $0x2398, v1  }
0xf: {  	vm7 =	vcmask $0x1B18;
	s14 =	sadd.s32 s1, s21;
	s16 =	sadd.s32 s1, s22;
	s22 =	sadd.s32 s1, s24;
	v0 =	vsel vm15, $0x220, v0;
	v1 =	vsel vm15, $0x2420, v1  }
0x10: {  	vm8 =	vcmask $0x1F1C;
	s28 =	sor.u32 $0x8000, s1;
	[dreg:$0x6] =	wrdreg s1;
	s29 =	sor.u32 $0xC000, s1;
	v0 =	vsel vm6, $0x2A8, v0;
	v1 =	vsel vm6, $0x24A8, v1  }
0x11: {  	vm9 =	vcmask $0x2320;
	s7 =	simm.s32 $0xC800;
	s20 =	simm.s32 $0x5;
	s21 =	simm.s32 $0x6;
	v0 =	vsel vm7, $0x330, v0;
	v1 =	vsel vm7, $0x2530, v1  }
0x12: {  	vm10 =	vcmask $0x2724;
	s4 =	simm.s32 $0x0;
	s5 =	sadd.s32 $0x800, s18;
	[dreg:$0x5] =	wrdreg s18;
	v0 =	vsel vm8, $0x3B8, v0;
	v1 =	vsel vm8, $0x25B8, v1  }
0x13: {  	vm11 =	vcmask $0x2B28;
	s19 =	sadd.s32 $0x1000, s18;
	s2 =	sadd.s32 $0x1800, s18;
	[dreg:$0x13] =	wrdreg s28;
	v0 =	vsel vm9, $0x1100, v0;
	v1 =	vsel vm9, $0x3300, v1  }
0x14: {  	vm12 =	vcmask $0x2F2C;
	s0 =	smax.u32 s17, $0x1;
	[dreg:$0x14] =	wrdreg s29;
	s30 =	sadd.s32 $0xC60000, s10;
	v0 =	vsel vm10, $0x1188, v0;
	v1 =	vsel vm10, $0x3388, v1  }
0x15: {  	vm13 =	vcmask $0x3330;
	s31 =	sadd.s32 $0xC64000, s10;
	s8 =	sadd.s32 $0xC70000, s10;
	[dreg:$0x7] =	wrdreg s5;
	v0 =	vsel vm11, $0x1210, v0;
	v1 =	vsel vm11, $0x3410, v1  }
0x16: {  	vm14 =	vcmask $0x3734;
	s9 =	sadd.s32 $0xC74000, s10;
	s17 =	sadd.s32 $0xC78000, s10;
	[dreg:$0x8] =	wrdreg s19;
	v0 =	vsel vm12, $0x1298, v0;
	v1 =	vsel vm12, $0x3498, v1  }
0x17: {  	v2 =	vimm.s32 $0x0;
	[dreg:$0xc] =	wrdreg s2;
	s19 =	sadd.s32 s1, s23;
	s23 =	sadd.s32 s1, s25;
	v0 =	vsel vm13, $0x1320, v0;
	v1 =	vsel vm13, $0x3520, v1  }
0x18: {  	vm15 =	vcmask $0x3B38;
	[dreg:$0x11] =	wrdreg s0;
	s5 =	sadd.s32 s1, s26;
	s0 =	sadd.s32 $0xC68000, s10;
	v0 =	vsel vm14, $0x13A8, v0;
	v3 =	vsel vm14, $0x35A8, v1  }
0x19: {  	s1 =	sadd.s32 $0xC6C000, s10;
	s25 =	sadd.s32 $0xC7C000, s10;
	[dreg:$0x12] =	wrdreg s5;
	v1 =	vsel vm0, $0x3, v2;
	v0 =	vsel vm15, $0x1430, v0;
	v2 =	vsel vm15, $0x3630, v3  }
.LBB2_1:
0x1a: {  	[dreg:$0x15] =	wrdreg s4  }
0x1b: {  	s2 =	rddreg [dreg:$0x5]  }
0x1c: {  	[tilespmem:s3], [sflag:$0x1] =	stream.linear.gather [hbm4b:s2+s3], $0x200, $0x38;
	[tilespmem:$0x10C00] =	vst v63  }
0x1d: {  	s4 =	rddreg [dreg:$0x7];
	s18 =	simm.s32 $0x200;
	s6 =	simm.s32 $0x1  }
0x1e: {  	[tilespmem:s18], [sflag:$0x2] =	stream.linear.gather [hbm4b:s4+s3], $0x200, $0x38;
	[tilespmem:$0x10C00] =	vst v63  }
0x1f: {  	s11 =	simm.s32 $0x400;
	s12 =	simm.s32 $0x3;
	_ =	swait.ge [sflag:s6], $0x200  }
0x20: {  	s29 =	simm.s32 $0x2;
	s26 =	simm.s32 $0x3;
	[sflag:s6] =	ssyncset.done $0x0  }
0x21: {  	s28 =	simm.s32 $0x1;
	s4 =	rddreg [dreg:$0x4];
	[sflag:s6] =	ssyncadd.s32 $0xFFFFFE00  }
0x22: {  	[tilespmem:s11], [sflag:$0x3] =	stream.indirect.gather [hbm4b:s4+s18], $0x20, s3, s18, $0xb8;
	[tilespmem:$0x10C00] =	vst v63  }
0x23: {  	s2 =	sand.u32 $0x78, s26;
	s6 =	simm.s32 $0x0;
	_ =	swait.ge [sflag:s12], $0x4000  }
0x24: {  	s26 =	simm.s32 $0x2;
	s6 =	sand.u32 $0x18, s6;
	[sflag:s12] =	ssyncset.done $0x0  }
0x25: {  	v4 =	vmov s6;
	s24 =	rddreg [dreg:$0x8];
	[sflag:s12] =	ssyncadd.s32 $0xFFFFC000;
	s12 =	simm.s32 $0x7  }
0x26: {  	v4 =	vmul.u32 $0x88, v4;
	[tilespmem:s3], [sflag:$0x1] =	stream.linear.gather [hbm4b:s24+s3], $0x200, $0x38;
	[tilespmem:$0x10C00] =	vst v63  }
0x27: {  	v5 =	vmov s2;
	s24 =	simm.s32 $0x0;
	s6 =	sand.u32 $0x78, s12;
	_ =	swait.ge [sflag:s29], $0x200  }
0x28: {  	v5 =	vshrl.u32 v5, $0x3;
	s12 =	simm.s32 $0x4400;
	v9 =	vbroadcast v4, $0x0;
	s11 =	sand.u32 $0x78, s24;
	v6 =	vmov s6;
	[sflag:s29] =	ssyncset.done $0x0  }
0x29: {  	v5 =	vshll.u32 v5, v1;
	v3 =	vmov s11;
	s11 =	sand.u32 $0x78, s28;
	v6 =	vshrl.u32 v6, $0x3;
	[sflag:s29] =	ssyncadd.s32 $0xFFFFFE00;
	s29 =	sand.u32 $0x78, s26  }
0x2a: {  	v13 =	vadd.s32 v0, v9;
	v3 =	vshrl.u32 v3, $0x3;
	v7 =	vmov s11;
	[tilespmem:s12], [sflag:$0x4] =	stream.indirect.gather [hbm4b:s4+s18], $0x20, s18, s18, $0xb8;
	[tilespmem:$0x10C00] =	vst v63  }
0x2b: {  	v4 =	vshll.u32 v6, v1;
	s26 =	simm.s32 $0x4;
	v8 =	vmov s29;
	s18 =	simm.s32 $0x5;
	v7 =	vshrl.u32 v7, $0x3  }
0x2c: {  	v4 =	vbroadcast v4, $0x0;
	v3 =	vshll.u32 v3, v1;
	s6 =	sand.u32 $0x78, s26;
	s2 =	sand.u32 $0x78, s18;
	v6 =	vshrl.u32 v8, $0x3  }
0x2d: {  	v10 =	vbroadcast v3, $0x0;
	v11 =	vmov s6;
	v8 =	vmov s2  }
0x2e: {  	s26 =	simm.s32 $0x480;
	v3 =	vshll.u32 v6, v1;
	v6 =	vshll.u32 v7, v1;
	v7 =	vbroadcast v5, $0x0  }
0x2f: {  	v14 =	vld [tilespmem:s26+$0xFFFFFF80];
	v20 =	vadd.s32 v4, v13;
	v12 =	vadd.s32 v10, v13;
	v6 =	vbroadcast v6, $0x0  }
0x30: {  	s29 =	simm.s32 $0x6;
	v21 =	vld [tilespmem:s26+$0xFFFFFFA0];
	v22 =	vbroadcast v3, $0x0;
	v16 =	vshrl.u32 v8, $0x3;
	v15 =	vadd.s32 v7, v13  }
0x31: {  	s2 =	sand.u32 $0x78, s29;
	v8 =	vadd.s32 v2, v9;
	v9 =	vld [tilespmem:s26+$0xFFFFFFE0];
	v15 =	vor.u32 $0x3, v15;
	v18 =	vadd.s32 v6, v13  }
0x32: {  	v24 =	vld [tilespmem:s26+$0xFFFFFFC0];
	v5 =	vmov s2;
	v19 =	vadd.s32 v22, v13;
	v18 =	vor.u32 $0x1, v18  }
0x33: {  	v3 =	vld [tilespmem:s26+$0x0];
	v20 =	vor.u32 $0x7, v20;
	v17 =	vshrl.u32 v5, $0x3;
	v19 =	vor.u32 $0x2, v19  }
0x34: {  	v5 =	vld [tilespmem:s26+$0x20];
	v25 =	vshll.u32 v16, v1;
	v7 =	vadd.s32 v7, v8;
	v17 =	vshll.u32 v17, v1  }
0x35: {  	v23 =	vadd.s32 v6, v8;
	v6 =	vshrl.u32 v11, $0x3;
	v11 =	vld [tilespmem:s26+$0x60];
	[tilespmem:v12+s15+$0x0] =	vst.idx.msk $0xffff, v14;
	v14 =	vbroadcast v17, $0x0  }
0x36: {  	v12 =	vshll.u32 v6, v1;
	v17 =	vadd.s32 v10, v8;
	v6 =	vor.u32 $0x3, v7;
	v16 =	vld [tilespmem:s26+$0xFFFFFF90];
	[tilespmem:v15+s15+$0x0] =	vst.idx.msk $0xffff, v9  }
0x37: {  	v63 =	vbroadcast v12, $0x0;
	v9 =	vbroadcast v25, $0x0;
	v10 =	vadd.s32 v14, v13;
	v7 =	vld [tilespmem:s26+$0xFFFFFFF0];
	[tilespmem:v18+s15+$0x0] =	vst.idx.msk $0xffff, v21  }
0x38: {  	v12 =	vor.u32 $0x1, v23;
	v23 =	vadd.s32 v22, v8;
	v18 =	vld [tilespmem:s26+$0x40];
	v21 =	vor.u32 $0x6, v10;
	[tilespmem:v19+s15+$0x0] =	vst.idx.msk $0xffff, v24  }
0x39: {  	v22 =	vadd.s32 v63, v8;
	v26 =	vadd.s32 v9, v13;
	v10 =	vld [tilespmem:s26+$0xFFFFFFB0];
	v13 =	vadd.s32 v63, v13  }
0x3a: {  	s28 =	simm.s32 $0x580;
	v15 =	vadd.s32 v9, v8;
	v9 =	vld [tilespmem:s26+$0xFFFFFFD0];
	v19 =	vor.u32 $0x5, v26;
	v13 =	vor.u32 $0x4, v13  }
.LBB2_2:
0x3b: {  	s2 =	sadd.s32 $0xA, s24  }
0x3c: {  	s6 =	sadd.s32 $0xB, s24;
	[tilespmem:v17+s15+$0x0] =	vst.idx.msk $0xffff, v16;
	v16 =	vor.u32 $0x2, v23;
	v14 =	vadd.s32 v14, v8;
	v4 =	vadd.s32 v4, v8;
	s11 =	smov.u32 s24;
	s24 =	sadd.s32 $0x8, s24  }
0x3d: {  	s12 =	sshrl.u32 s24, $0x4;
	s29 =	sand.u32 $0x78, s24;
	s18 =	sadd.s32 $0x9, s11;
	[tilespmem:v20+s15+$0x0] =	vst.idx.msk $0xffff, v11;
	v8 =	vor.u32 $0x7, v4  }
0x3e: {  	s6 =	sand.u32 $0x78, s6;
	v11 =	vor.u32 $0x5, v15;
	v14 =	vor.u32 $0x6, v14;
	s12 =	sand.u32 $0x18, s12;
	v4 =	vmov s29;
	s29 =	sadd.s32 $0xF, s11;
	[tilespmem:v21+s15+$0x0] =	vst.idx.msk $0xffff, v18;
	v15 =	vld [tilespmem:s26+$0x70]  }
0x3f: {  	s2 =	sand.u32 $0x78, s2;
	v20 =	vor.u32 $0x4, v22;
	v18 =	vmov s6;
	v17 =	vmov s12;
	s12 =	sand.u32 $0x78, s18;
	s6 =	sand.u32 $0x78, s29;
	[tilespmem:v19+s15+$0x0] =	vst.idx.msk $0xffff, v5;
	v5 =	vld [tilespmem:s26+$0x50]  }
0x40: {  	v19 =	vshrl.u32 v4, $0x3;
	s18 =	sadd.s32 $0xC, s11;
	s29 =	sadd.s32 $0xD, s11;
	s11 =	sadd.s32 $0xE, s11;
	v4 =	vmul.u32 $0x88, v17;
	v17 =	vmov s6;
	[tilespmem:v12+s15+$0x0] =	vst.idx.msk $0xffff, v10;
	v10 =	vld [tilespmem:s26+$0x30]  }
0x41: {  	p0 =	slt.u32 s24, $0x1F8;
	v21 =	vmov s2;
	v12 =	vmov s12;
	s2 =	sand.u32 $0x78, s18;
	v17 =	vshrl.u32 v17, $0x3;
	[tilespmem:v13+s15+$0x0] =	vst.idx.msk $0xffff, v3  }
0x42: {  	s6 =	sand.u32 $0x78, s29;
	v3 =	vshrl.u32 v12, $0x3;
	v13 =	vbroadcast v4, $0x0;
	v4 =	vshll.u32 v17, v1;
	[tilespmem:v6+s15+$0x0] =	vst.idx.msk $0xffff, v7;
	v6 =	vld [tilespmem:s26+$0x10];
	s26 =	smov.u32 s28  }
0x43: {  	v12 =	vshrl.u32 v18, $0x3;
	v7 =	vshrl.u32 v21, $0x3;
	v4 =	vbroadcast v4, $0x0;
	[tilespmem:v8+s15+$0x0] =	vst.idx.msk $0xffff, v15  }
0x44: {  	v8 =	vshll.u32 v19, v1;
	v15 =	vmov s6;
	v22 =	vadd.s32 v0, v13;
	[tilespmem:v14+s15+$0x0] =	vst.idx.msk $0xffff, v5  }
0x45: {  	v17 =	vbroadcast v8, $0x0;
	v5 =	vshll.u32 v7, v1;
	v7 =	vshll.u32 v12, v1;
	[tilespmem:v11+s15+$0x0] =	vst.idx.msk $0xffff, v10  }
0x46: {  	v8 =	vshll.u32 v3, v1;
	v7 =	vbroadcast v7, $0x0;
	v10 =	vmov s2;
	s2 =	sand.u32 $0x78, s11;
	[tilespmem:v16+s15+$0x0] =	vst.idx.msk $0xffff, v9  }
0x47: {  	v23 =	vbroadcast v5, $0x0;
	v9 =	vadd.s32 v17, v22;
	v5 =	vmov s2;
	v3 =	vld [tilespmem:s28+$0x0];
	[tilespmem:v20+s15+$0x0] =	vst.idx.msk $0xffff, v6  }
0x48: {  	v14 =	vshrl.u32 v15, $0x3;
	v11 =	vbroadcast v8, $0x0;
	v12 =	vadd.s32 v7, v22;
	v6 =	vld [tilespmem:s28+$0xFFFFFF80]  }
0x49: {  	v8 =	vadd.s32 v2, v13;
	v15 =	vshrl.u32 v5, $0x3;
	v12 =	vor.u32 $0x3, v12;
	v13 =	vld [tilespmem:s28+$0xFFFFFFE0]  }
0x4a: {  	v19 =	vadd.s32 v4, v22;
	v16 =	vadd.s32 v11, v22;
	v18 =	vadd.s32 v23, v22;
	v5 =	vld [tilespmem:s28+$0x20]  }
0x4b: {  	v24 =	vor.u32 $0x1, v16;
	v25 =	vor.u32 $0x2, v18;
	v15 =	vshll.u32 v15, v1;
	v21 =	vld [tilespmem:s28+$0xFFFFFFA0]  }
0x4c: {  	v10 =	vshrl.u32 v10, $0x3;
	v26 =	vadd.s32 v11, v8;
	v18 =	vshll.u32 v14, v1;
	v27 =	vld [tilespmem:s28+$0xFFFFFFC0]  }
0x4d: {  	v14 =	vbroadcast v15, $0x0;
	[tilespmem:v9+s15+$0x0] =	vst.idx.msk $0xffff, v6;
	v6 =	vadd.s32 v7, v8;
	v9 =	vshll.u32 v10, v1;
	v11 =	vld [tilespmem:s28+$0x60]  }
.Ltmp0:
0x4e: {  	v17 =	vadd.s32 v17, v8;
	v10 =	vbroadcast v18, $0x0;
	v16 =	vld [tilespmem:s28+$0xFFFFFF90];
	[tilespmem:v12+s15+$0x0] =	vst.idx.msk $0xffff, v13;
	v6 =	vor.u32 $0x3, v6;
	(pc) =	sbr.rel @p0 .LBB2_2-.Ltmp0, $4  }
0x4f: {  	v20 =	vor.u32 $0x7, v19;
	v28 =	vbroadcast v9, $0x0;
	v9 =	vadd.s32 v14, v22;
	v7 =	vld [tilespmem:s28+$0xFFFFFFF0]  }
0x50: {  	v13 =	vadd.s32 v10, v22;
	v15 =	vadd.s32 v10, v8;
	[tilespmem:v24+s15+$0x0] =	vst.idx.msk $0xffff, v21;
	v18 =	vld [tilespmem:s28+$0x40];
	v21 =	vor.u32 $0x6, v9  }
0x51: {  	v12 =	vor.u32 $0x1, v26;
	v22 =	vadd.s32 v28, v22;
	v19 =	vor.u32 $0x5, v13;
	v10 =	vld [tilespmem:s28+$0xFFFFFFB0];
	[tilespmem:v25+s15+$0x0] =	vst.idx.msk $0xffff, v27  }
0x52: {  	v23 =	vadd.s32 v23, v8;
	v13 =	vor.u32 $0x4, v22;
	v22 =	vadd.s32 v28, v8;
	s28 =	sadd.s32 $0x100, s28;
	v9 =	vld [tilespmem:s26+$0xFFFFFFD0]  }
0x53: {  	_ =	sdelay $0x3  }
0x54: {  	[tilespmem:v17+s15+$0x0] =	vst.idx.msk $0xffff, v16  }
0x55: {  	[tilespmem:v20+s15+$0x0] =	vst.idx.msk $0xffff, v11  }
0x56: {  	v4 =	vadd.s32 v4, v8;
	[tilespmem:v19+s15+$0x0] =	vst.idx.msk $0xffff, v5;
	v62 =	vor.u32 $0x2, v23  }
0x57: {  	[tilespmem:v13+s15+$0x0] =	vst.idx.msk $0xffff, v3;
	v4 =	vor.u32 $0x7, v4;
	v11 =	vld [tilespmem:s26+$0x70]  }
0x58: {  	v60 =	vor.u32 $0x5, v15;
	v61 =	vld [tilespmem:s26+$0x30];
	[tilespmem:v6+s15+$0x0] =	vst.idx.msk $0xffff, v7  }
0x59: {  	v58 =	vadd.s32 v14, v8;
	v3 =	vor.u32 $0x4, v22;
	v63 =	vld [tilespmem:s26+$0x10];
	[tilespmem:v21+s15+$0x0] =	vst.idx.msk $0xffff, v18  }
0x5a: {  	v8 =	vor.u32 $0x6, v58;
	v59 =	vld [tilespmem:s26+$0x50];
	[tilespmem:v12+s15+$0x0] =	vst.idx.msk $0xffff, v10  }
0x5b: {  	[tilespmem:v62+s15+$0x0] =	vst.idx.msk $0xffff, v9  }
0x5c: {  	[tilespmem:v4+s15+$0x0] =	vst.idx.msk $0xffff, v11  }
0x5d: {  	[tilespmem:v60+s15+$0x0] =	vst.idx.msk $0xffff, v61  }
0x5e: {  	s6 =	simm.s32 $0x8400;
	[tilespmem:v3+s15+$0x0] =	vst.idx.msk $0xffff, v63  }
0x5f: {  	s24 =	simm.s32 $0x10;
	s11 =	sadd.s32 $0x0, s10;
	s2 =	simm.s32 $0x8488;
	[tilespmem:v8+s15+$0x0] =	vst.idx.msk $0xffff, v59  }
.LBB2_4:
0x60: {  	[hbm4b:s11+s3] =	stream.linear.scatter [tilespmem:s6], [sflag:$0x5], $0x80, $0x38;
	[tilespmem:$0x10C00] =	vst v63  }
0x61: {  	s11 =	smov.u32 s24;
	s6 =	smov.u32 s2;
	p0 =	sne.s32 s24, $0x1F0  }
.Ltmp1:
0x62: {  	s24 =	sadd.s32 $0x10, s24;
	(pc) =	sbr.rel @p0 .LBB2_4-.Ltmp1, $2  }
0x63: {  	_ =	sdelay $0x2  }
0x64: {  	s2 =	sadd.s32 $0x88, s2;
	s11 =	sadd.s32 s11, s10  }
0x65: {  	[hbm4b:s11+s3] =	stream.linear.scatter [tilespmem:s6], [sflag:$0x5], $0x80, $0x38;
	[tilespmem:$0x10C00] =	vst v63  }
0x66: {  	s6 =	simm.s32 $0x9500  }
0x67: {  	s24 =	simm.s32 $0x10;
	s11 =	sadd.s32 $0x0, s13;
	s2 =	simm.s32 $0x9588  }
.LBB2_6:
0x68: {  	[hbm4b:s11+s3] =	stream.linear.scatter [tilespmem:s6], [sflag:$0x5], $0x80, $0x38;
	[tilespmem:$0x10C00] =	vst v63  }
0x69: {  	s11 =	smov.u32 s24;
	s6 =	smov.u32 s2;
	p0 =	sne.s32 s24, $0x1F0  }
.Ltmp2:
0x6a: {  	s24 =	sadd.s32 $0x10, s24;
	(pc) =	sbr.rel @p0 .LBB2_6-.Ltmp2, $2  }
0x6b: {  	_ =	sdelay $0x2  }
0x6c: {  	s2 =	sadd.s32 $0x88, s2;
	s11 =	sadd.s32 s11, s13  }
0x6d: {  	[hbm4b:s11+s3] =	stream.linear.scatter [tilespmem:s6], [sflag:$0x5], $0x80, $0x38;
	[tilespmem:$0x10C00] =	vst v63  }
0x6e: {  	s6 =	simm.s32 $0xA600  }
0x6f: {  	s24 =	simm.s32 $0x10;
	s11 =	sadd.s32 $0x0, s14;
	s2 =	simm.s32 $0xA688  }
.LBB2_8:
0x70: {  	[hbm4b:s11+s3] =	stream.linear.scatter [tilespmem:s6], [sflag:$0x5], $0x80, $0x38;
	[tilespmem:$0x10C00] =	vst v63  }
0x71: {  	s11 =	smov.u32 s24;
	s6 =	smov.u32 s2;
	p0 =	sne.s32 s24, $0x1F0  }
.Ltmp3:
0x72: {  	s24 =	sadd.s32 $0x10, s24;
	(pc) =	sbr.rel @p0 .LBB2_8-.Ltmp3, $2  }
0x73: {  	_ =	sdelay $0x2  }
0x74: {  	s2 =	sadd.s32 $0x88, s2;
	s11 =	sadd.s32 s11, s14  }
0x75: {  	[hbm4b:s11+s3] =	stream.linear.scatter [tilespmem:s6], [sflag:$0x5], $0x80, $0x38;
	[tilespmem:$0x10C00] =	vst v63  }
0x76: {  	s6 =	simm.s32 $0xB700  }
0x77: {  	s24 =	simm.s32 $0x10;
	s11 =	sadd.s32 $0x0, s16;
	s2 =	simm.s32 $0xB788  }
.LBB2_10:
0x78: {  	[hbm4b:s11+s3] =	stream.linear.scatter [tilespmem:s6], [sflag:$0x5], $0x80, $0x38;
	[tilespmem:$0x10C00] =	vst v63  }
0x79: {  	s11 =	smov.u32 s24;
	s6 =	smov.u32 s2;
	p0 =	sne.s32 s24, $0x1F0  }
.Ltmp4:
0x7a: {  	s24 =	sadd.s32 $0x10, s24;
	(pc) =	sbr.rel @p0 .LBB2_10-.Ltmp4, $2  }
0x7b: {  	_ =	sdelay $0x2  }
0x7c: {  	s2 =	sadd.s32 $0x88, s2;
	s11 =	sadd.s32 s11, s16  }
0x7d: {  	[hbm4b:s11+s3] =	stream.linear.scatter [tilespmem:s6], [sflag:$0x5], $0x80, $0x38;
	[tilespmem:$0x10C00] =	vst v63  }
0x7e: {  	s2 =	simm.s32 $0x4;
	s4 =	simm.s32 $0x200;
	s24 =	simm.s32 $0x0  }
0x7f: {  	s18 =	simm.s32 $0x3;
	s26 =	simm.s32 $0x0;
	_ =	swait.ge [sflag:s2], $0x4000  }
0x80: {  	s29 =	sand.u32 $0x78, s24;
	s6 =	sand.u32 $0x18, s26;
	s26 =	simm.s32 $0x1  }
0x81: {  	[sflag:s2] =	ssyncset.done $0x0;
	s12 =	rddreg [dreg:$0xc];
	s11 =	sand.u32 $0x78, s26  }
0x82: {  	v3 =	vmov s29;
	[sflag:s2] =	ssyncadd.s32 $0xFFFFC000;
	s2 =	sand.u32 $0x78, s18;
	s18 =	simm.s32 $0x2  }
0x83: {  	v4 =	vmov s6;
	v3 =	vshrl.u32 v3, $0x3;
	[tilespmem:s4], [sflag:$0x2] =	stream.linear.gather [hbm4b:s12+s3], $0x200, $0x38;
	[tilespmem:$0x10C00] =	vst v63  }
0x84: {  	s28 =	simm.s32 $0x1;
	v4 =	vmul.u32 $0x88, v4;
	v7 =	vmov s11;
	s12 =	simm.s32 $0x7;
	v5 =	vmov s2;
	s18 =	sand.u32 $0x78, s18  }
0x85: {  	v7 =	vshrl.u32 v7, $0x3;
	v3 =	vshll.u32 v3, v1;
	_ =	swait.ge [sflag:s28], $0x200;
	s6 =	sand.u32 $0x78, s12;
	v8 =	vmov s18  }
0x86: {  	s29 =	simm.s32 $0x400;
	s18 =	simm.s32 $0x5;
	v9 =	vbroadcast v4, $0x0;
	v5 =	vshrl.u32 v5, $0x3;
	[sflag:s28] =	ssyncset.done $0x0;
	v6 =	vmov s6  }
0x87: {  	v10 =	vbroadcast v3, $0x0;
	s26 =	rddreg [dreg:$0x4];
	s2 =	sand.u32 $0x78, s18;
	v5 =	vshll.u32 v5, v1;
	[sflag:s28] =	ssyncadd.s32 $0xFFFFFE00;
	v6 =	vshrl.u32 v6, $0x3  }
0x88: {  	v13 =	vadd.s32 v0, v9;
	[tilespmem:s29], [sflag:$0x3] =	stream.indirect.gather [hbm4b:s26+s4], $0x20, s3, s4, $0xb8;
	v4 =	vshll.u32 v6, v1;
	v6 =	vshrl.u32 v8, $0x3;
	[tilespmem:$0x10C00] =	vst v63  }
0x89: {  	s26 =	simm.s32 $0x4;
	v8 =	vmov s2;
	v12 =	vadd.s32 v10, v13;
	v4 =	vbroadcast v4, $0x0  }
0x8a: {  	s6 =	sand.u32 $0x78, s26;
	v3 =	vshll.u32 v6, v1;
	s26 =	simm.s32 $0x4480;
	v6 =	vshll.u32 v7, v1;
	v7 =	vbroadcast v5, $0x0  }
0x8b: {  	s29 =	simm.s32 $0x6;
	v16 =	vshrl.u32 v8, $0x3;
	v22 =	vbroadcast v3, $0x0;
	v3 =	vld [tilespmem:s26+$0x0];
	v6 =	vbroadcast v6, $0x0  }
0x8c: {  	s2 =	sand.u32 $0x78, s29;
	v8 =	vadd.s32 v2, v9;
	v11 =	vmov s6;
	v14 =	vld [tilespmem:s26+$0xFFFFFF80];
	v15 =	vadd.s32 v7, v13  }
0x8d: {  	v5 =	vmov s2;
	v9 =	vld [tilespmem:s26+$0xFFFFFFE0];
	v15 =	vor.u32 $0x3, v15;
	v18 =	vadd.s32 v6, v13  }
0x8e: {  	v21 =	vld [tilespmem:s26+$0xFFFFFFA0];
	v25 =	vshll.u32 v16, v1;
	v19 =	vadd.s32 v22, v13;
	v18 =	vor.u32 $0x1, v18  }
0x8f: {  	v24 =	vld [tilespmem:s26+$0xFFFFFFC0];
	v17 =	vshrl.u32 v5, $0x3;
	v20 =	vadd.s32 v4, v13;
	v19 =	vor.u32 $0x2, v19  }
0x90: {  	v5 =	vld [tilespmem:s26+$0x20];
	v7 =	vadd.s32 v7, v8;
	v17 =	vshll.u32 v17, v1;
	v23 =	vadd.s32 v6, v8  }
0x91: {  	v6 =	vshrl.u32 v11, $0x3;
	v11 =	vld [tilespmem:s26+$0x60];
	v20 =	vor.u32 $0x7, v20;
	[tilespmem:v12+s7+$0x0] =	vst.idx.msk $0xffff, v14;
	v14 =	vbroadcast v17, $0x0  }
0x92: {  	v12 =	vshll.u32 v6, v1;
	v17 =	vadd.s32 v10, v8;
	v6 =	vor.u32 $0x3, v7;
	v16 =	vld [tilespmem:s26+$0xFFFFFF90];
	[tilespmem:v15+s7+$0x0] =	vst.idx.msk $0xffff, v9  }
0x93: {  	v63 =	vbroadcast v12, $0x0;
	v9 =	vbroadcast v25, $0x0;
	v10 =	vadd.s32 v14, v13;
	v7 =	vld [tilespmem:s26+$0xFFFFFFF0];
	[tilespmem:v18+s7+$0x0] =	vst.idx.msk $0xffff, v21  }
0x94: {  	v12 =	vor.u32 $0x1, v23;
	v23 =	vadd.s32 v22, v8;
	v18 =	vld [tilespmem:s26+$0x40];
	v21 =	vor.u32 $0x6, v10;
	[tilespmem:v19+s7+$0x0] =	vst.idx.msk $0xffff, v24  }
0x95: {  	v22 =	vadd.s32 v63, v8;
	v26 =	vadd.s32 v9, v13;
	v10 =	vld [tilespmem:s26+$0xFFFFFFB0];
	v13 =	vadd.s32 v63, v13  }
0x96: {  	s28 =	simm.s32 $0x4580;
	v15 =	vadd.s32 v9, v8;
	v9 =	vld [tilespmem:s26+$0xFFFFFFD0];
	v19 =	vor.u32 $0x5, v26;
	v13 =	vor.u32 $0x4, v13  }
.LBB2_12:
0x97: {  	s2 =	sadd.s32 $0xA, s24  }
0x98: {  	s6 =	sadd.s32 $0xB, s24;
	[tilespmem:v17+s7+$0x0] =	vst.idx.msk $0xffff, v16;
	v16 =	vor.u32 $0x2, v23;
	v14 =	vadd.s32 v14, v8;
	v4 =	vadd.s32 v4, v8;
	s11 =	smov.u32 s24;
	s24 =	sadd.s32 $0x8, s24  }
0x99: {  	s12 =	sshrl.u32 s24, $0x4;
	s18 =	sand.u32 $0x78, s24;
	s29 =	sadd.s32 $0x9, s11;
	[tilespmem:v20+s7+$0x0] =	vst.idx.msk $0xffff, v11;
	v8 =	vor.u32 $0x7, v4  }
0x9a: {  	s6 =	sand.u32 $0x78, s6;
	v11 =	vor.u32 $0x5, v15;
	v14 =	vor.u32 $0x6, v14;
	s12 =	sand.u32 $0x18, s12;
	v4 =	vmov s18;
	s18 =	sadd.s32 $0xF, s11;
	[tilespmem:v21+s7+$0x0] =	vst.idx.msk $0xffff, v18;
	v15 =	vld [tilespmem:s26+$0x70]  }
0x9b: {  	s2 =	sand.u32 $0x78, s2;
	v20 =	vor.u32 $0x4, v22;
	v18 =	vmov s6;
	v17 =	vmov s12;
	s12 =	sand.u32 $0x78, s29;
	s6 =	sand.u32 $0x78, s18;
	[tilespmem:v19+s7+$0x0] =	vst.idx.msk $0xffff, v5;
	v5 =	vld [tilespmem:s26+$0x50]  }
0x9c: {  	v19 =	vshrl.u32 v4, $0x3;
	s18 =	sadd.s32 $0xC, s11;
	s29 =	sadd.s32 $0xD, s11;
	s11 =	sadd.s32 $0xE, s11;
	v4 =	vmul.u32 $0x88, v17;
	v17 =	vmov s6;
	[tilespmem:v12+s7+$0x0] =	vst.idx.msk $0xffff, v10;
	v10 =	vld [tilespmem:s26+$0x30]  }
0x9d: {  	p0 =	slt.u32 s24, $0x1F8;
	v21 =	vmov s2;
	v12 =	vmov s12;
	s2 =	sand.u32 $0x78, s18;
	v17 =	vshrl.u32 v17, $0x3;
	[tilespmem:v13+s7+$0x0] =	vst.idx.msk $0xffff, v3  }
0x9e: {  	s6 =	sand.u32 $0x78, s29;
	v3 =	vshrl.u32 v12, $0x3;
	v13 =	vbroadcast v4, $0x0;
	v4 =	vshll.u32 v17, v1;
	[tilespmem:v6+s7+$0x0] =	vst.idx.msk $0xffff, v7;
	v6 =	vld [tilespmem:s26+$0x10];
	s26 =	smov.u32 s28  }
0x9f: {  	v12 =	vshrl.u32 v18, $0x3;
	v7 =	vshrl.u32 v21, $0x3;
	v4 =	vbroadcast v4, $0x0;
	[tilespmem:v8+s7+$0x0] =	vst.idx.msk $0xffff, v15  }
0xa0: {  	v8 =	vshll.u32 v19, v1;
	v15 =	vmov s6;
	v22 =	vadd.s32 v0, v13;
	[tilespmem:v14+s7+$0x0] =	vst.idx.msk $0xffff, v5  }
0xa1: {  	v17 =	vbroadcast v8, $0x0;
	v5 =	vshll.u32 v7, v1;
	v7 =	vshll.u32 v12, v1;
	[tilespmem:v11+s7+$0x0] =	vst.idx.msk $0xffff, v10  }
0xa2: {  	v8 =	vshll.u32 v3, v1;
	v7 =	vbroadcast v7, $0x0;
	v10 =	vmov s2;
	s2 =	sand.u32 $0x78, s11;
	[tilespmem:v16+s7+$0x0] =	vst.idx.msk $0xffff, v9  }
0xa3: {  	v23 =	vbroadcast v5, $0x0;
	v9 =	vadd.s32 v17, v22;
	v5 =	vmov s2;
	v3 =	vld [tilespmem:s28+$0x0];
	[tilespmem:v20+s7+$0x0] =	vst.idx.msk $0xffff, v6  }
0xa4: {  	v14 =	vshrl.u32 v15, $0x3;
	v11 =	vbroadcast v8, $0x0;
	v12 =	vadd.s32 v7, v22;
	v6 =	vld [tilespmem:s28+$0xFFFFFF80]  }
0xa5: {  	v8 =	vadd.s32 v2, v13;
	v15 =	vshrl.u32 v5, $0x3;
	v12 =	vor.u32 $0x3, v12;
	v13 =	vld [tilespmem:s28+$0xFFFFFFE0]  }
0xa6: {  	v19 =	vadd.s32 v4, v22;
	v16 =	vadd.s32 v11, v22;
	v18 =	vadd.s32 v23, v22;
	v5 =	vld [tilespmem:s28+$0x20]  }
0xa7: {  	v24 =	vor.u32 $0x1, v16;
	v25 =	vor.u32 $0x2, v18;
	v15 =	vshll.u32 v15, v1;
	v21 =	vld [tilespmem:s28+$0xFFFFFFA0]  }
0xa8: {  	v10 =	vshrl.u32 v10, $0x3;
	v26 =	vadd.s32 v11, v8;
	v18 =	vshll.u32 v14, v1;
	v27 =	vld [tilespmem:s28+$0xFFFFFFC0]  }
0xa9: {  	v14 =	vbroadcast v15, $0x0;
	[tilespmem:v9+s7+$0x0] =	vst.idx.msk $0xffff, v6;
	v6 =	vadd.s32 v7, v8;
	v9 =	vshll.u32 v10, v1;
	v11 =	vld [tilespmem:s28+$0x60]  }
.Ltmp5:
0xaa: {  	v17 =	vadd.s32 v17, v8;
	v10 =	vbroadcast v18, $0x0;
	v16 =	vld [tilespmem:s28+$0xFFFFFF90];
	[tilespmem:v12+s7+$0x0] =	vst.idx.msk $0xffff, v13;
	v6 =	vor.u32 $0x3, v6;
	(pc) =	sbr.rel @p0 .LBB2_12-.Ltmp5, $4  }
0xab: {  	v20 =	vor.u32 $0x7, v19;
	v28 =	vbroadcast v9, $0x0;
	v9 =	vadd.s32 v14, v22;
	v7 =	vld [tilespmem:s28+$0xFFFFFFF0]  }
0xac: {  	v13 =	vadd.s32 v10, v22;
	v15 =	vadd.s32 v10, v8;
	[tilespmem:v24+s7+$0x0] =	vst.idx.msk $0xffff, v21;
	v18 =	vld [tilespmem:s28+$0x40];
	v21 =	vor.u32 $0x6, v9  }
0xad: {  	v12 =	vor.u32 $0x1, v26;
	v22 =	vadd.s32 v28, v22;
	v19 =	vor.u32 $0x5, v13;
	v10 =	vld [tilespmem:s28+$0xFFFFFFB0];
	[tilespmem:v25+s7+$0x0] =	vst.idx.msk $0xffff, v27  }
0xae: {  	v23 =	vadd.s32 v23, v8;
	v13 =	vor.u32 $0x4, v22;
	v22 =	vadd.s32 v28, v8;
	s28 =	sadd.s32 $0x100, s28;
	v9 =	vld [tilespmem:s26+$0xFFFFFFD0]  }
0xaf: {  	_ =	sdelay $0x3  }
0xb0: {  	[tilespmem:v17+s7+$0x0] =	vst.idx.msk $0xffff, v16  }
0xb1: {  	[tilespmem:v20+s7+$0x0] =	vst.idx.msk $0xffff, v11  }
0xb2: {  	v4 =	vadd.s32 v4, v8;
	[tilespmem:v19+s7+$0x0] =	vst.idx.msk $0xffff, v5;
	v62 =	vor.u32 $0x2, v23  }
0xb3: {  	[tilespmem:v13+s7+$0x0] =	vst.idx.msk $0xffff, v3;
	v4 =	vor.u32 $0x7, v4;
	v11 =	vld [tilespmem:s26+$0x70]  }
0xb4: {  	v60 =	vor.u32 $0x5, v15;
	v61 =	vld [tilespmem:s26+$0x30];
	[tilespmem:v6+s7+$0x0] =	vst.idx.msk $0xffff, v7  }
0xb5: {  	v58 =	vadd.s32 v14, v8;
	v3 =	vor.u32 $0x4, v22;
	v63 =	vld [tilespmem:s26+$0x10];
	[tilespmem:v21+s7+$0x0] =	vst.idx.msk $0xffff, v18  }
0xb6: {  	v8 =	vor.u32 $0x6, v58;
	v59 =	vld [tilespmem:s26+$0x50];
	[tilespmem:v12+s7+$0x0] =	vst.idx.msk $0xffff, v10  }
0xb7: {  	[tilespmem:v62+s7+$0x0] =	vst.idx.msk $0xffff, v9  }
0xb8: {  	[tilespmem:v4+s7+$0x0] =	vst.idx.msk $0xffff, v11  }
0xb9: {  	[tilespmem:v60+s7+$0x0] =	vst.idx.msk $0xffff, v61  }
0xba: {  	s6 =	simm.s32 $0xC800;
	[tilespmem:v3+s7+$0x0] =	vst.idx.msk $0xffff, v63  }
0xbb: {  	s24 =	simm.s32 $0x10;
	s11 =	sadd.s32 $0x0, s19;
	s2 =	simm.s32 $0xC888;
	[tilespmem:v8+s7+$0x0] =	vst.idx.msk $0xffff, v59  }
.LBB2_14:
0xbc: {  	[hbm4b:s11+s3] =	stream.linear.scatter [tilespmem:s6], [sflag:$0x6], $0x80, $0x38;
	[tilespmem:$0x10C00] =	vst v63  }
0xbd: {  	s11 =	smov.u32 s24;
	s6 =	smov.u32 s2;
	p0 =	sne.s32 s24, $0x1F0  }
.Ltmp6:
0xbe: {  	s24 =	sadd.s32 $0x10, s24;
	(pc) =	sbr.rel @p0 .LBB2_14-.Ltmp6, $2  }
0xbf: {  	_ =	sdelay $0x2  }
0xc0: {  	s2 =	sadd.s32 $0x88, s2;
	s11 =	sadd.s32 s11, s19  }
0xc1: {  	[hbm4b:s11+s3] =	stream.linear.scatter [tilespmem:s6], [sflag:$0x6], $0x80, $0x38;
	[tilespmem:$0x10C00] =	vst v63  }
0xc2: {  	s6 =	simm.s32 $0xD900  }
0xc3: {  	s24 =	simm.s32 $0x10;
	s11 =	sadd.s32 $0x0, s22;
	s2 =	simm.s32 $0xD988  }
.LBB2_16:
0xc4: {  	[hbm4b:s11+s3] =	stream.linear.scatter [tilespmem:s6], [sflag:$0x6], $0x80, $0x38;
	[tilespmem:$0x10C00] =	vst v63  }
0xc5: {  	s11 =	smov.u32 s24;
	s6 =	smov.u32 s2;
	p0 =	sne.s32 s24, $0x1F0  }
.Ltmp7:
0xc6: {  	s24 =	sadd.s32 $0x10, s24;
	(pc) =	sbr.rel @p0 .LBB2_16-.Ltmp7, $2  }
0xc7: {  	_ =	sdelay $0x2  }
0xc8: {  	s2 =	sadd.s32 $0x88, s2;
	s11 =	sadd.s32 s11, s22  }
0xc9: {  	[hbm4b:s11+s3] =	stream.linear.scatter [tilespmem:s6], [sflag:$0x6], $0x80, $0x38;
	[tilespmem:$0x10C00] =	vst v63  }
0xca: {  	s6 =	simm.s32 $0xEA00  }
0xcb: {  	s24 =	simm.s32 $0x10;
	s11 =	sadd.s32 $0x0, s23;
	s2 =	simm.s32 $0xEA88  }
.LBB2_18:
0xcc: {  	[hbm4b:s11+s3] =	stream.linear.scatter [tilespmem:s6], [sflag:$0x6], $0x80, $0x38;
	[tilespmem:$0x10C00] =	vst v63  }
0xcd: {  	s11 =	smov.u32 s24;
	s6 =	smov.u32 s2;
	p0 =	sne.s32 s24, $0x1F0  }
.Ltmp8:
0xce: {  	s24 =	sadd.s32 $0x10, s24;
	(pc) =	sbr.rel @p0 .LBB2_18-.Ltmp8, $2  }
0xcf: {  	_ =	sdelay $0x2  }
0xd0: {  	s2 =	sadd.s32 $0x88, s2;
	s11 =	sadd.s32 s11, s23  }
0xd1: {  	[hbm4b:s11+s3] =	stream.linear.scatter [tilespmem:s6], [sflag:$0x6], $0x80, $0x38;
	[tilespmem:$0x10C00] =	vst v63  }
0xd2: {  	s2 =	simm.s32 $0x0;
	s6 =	simm.s32 $0xFB00  }
.LBB2_20:
0xd3: {  	p0 =	sne.s32 s2, $0x1F0  }
.Ltmp9:
0xd4: {  	_ = 	snop;
	(pc) =	sbr.rel @p0 .LBB2_20-.Ltmp9, $4  }
0xd5: {  	_ = 	snop  }
0xd6: {  	s11 =	sadd.s32 s2, s5  }
0xd7: {  	[hbm4b:s11+s3] =	stream.linear.scatter [tilespmem:s6], [sflag:$0x6], $0x80, $0x38;
	[tilespmem:$0x10C00] =	vst v63  }
0xd8: {  	s2 =	sadd.s32 $0x10, s2;
	s6 =	sadd.s32 $0x88, s6  }
0xd9: {  	s24 =	simm.s32 $0x1  }
.LBB2_22:
0xda: {  	s4 =	simm.s32 $0x3  }
0xdb: {  	_ =	swait.ge [sflag:s4], $0x4000  }
0xdc: {  	s28 =	sshll.u32 s24, $0xF;
	s2 =	rddreg [dreg:$0x13]  }
0xdd: {  	s2 =	sadd.s32 s2, s28  }
0xde: {  	[sflag:s4] =	ssyncset.done $0x0;
	s11 =	rddreg [dreg:$0x3];
	s2 =	sshrl.u32 s2, $0x3  }
0xdf: {  	s12 =	simm.s32 $0x2;
	[sflag:s4] =	ssyncadd.s32 $0xFFFFC000;
	s2 =	sadd.s32 s11, s2  }
0xe0: {  	[tilespmem:s3], [sflag:$0x1] =	stream.linear.gather [hbm4b:s2+s3], $0x200, $0x38;
	[tilespmem:$0x10C00] =	vst v63  }
0xe1: {  	_ =	swait.ge [sflag:s12], $0x200  }
0xe2: {  	s26 =	simm.s32 $0x200;
	[sflag:s12] =	ssyncset.done $0x0  }
0xe3: {  	s5 =	simm.s32 $0x4400;
	s18 =	rddreg [dreg:$0x4];
	[sflag:s12] =	ssyncadd.s32 $0xFFFFFE00  }
0xe4: {  	[tilespmem:s5], [sflag:$0x4] =	stream.indirect.gather [hbm4b:s18+s26], $0x20, s26, s26, $0xb8;
	[tilespmem:$0x10C00] =	vst v63  }
0xe5: {  	s6 =	simm.s32 $0x0;
	_ =	swait.ge [sflag:s20], $0x1000  }
0xe6: {  	s29 =	simm.s32 $0x1;
	s6 =	sand.u32 $0x18, s6;
	[sflag:s20] =	ssyncset.done $0x0  }
0xe7: {  	v4 =	vmov s6;
	s4 =	sand.u32 $0x78, s29;
	s12 =	simm.s32 $0x7;
	[sflag:s20] =	ssyncadd.s32 $0xFFFFF000  }
0xe8: {  	v4 =	vmul.u32 $0x88, v4;
	s26 =	simm.s32 $0x0;
	s5 =	simm.s32 $0x3;
	_ =	swait.ge [sflag:s20], $0x1000  }
0xe9: {  	v7 =	vmov s4;
	s18 =	simm.s32 $0x2;
	s12 =	sand.u32 $0x78, s12;
	[sflag:s20] =	ssyncset.done $0x0  }
0xea: {  	v9 =	vbroadcast v4, $0x0;
	v7 =	vshrl.u32 v7, $0x3;
	s11 =	sand.u32 $0x78, s26;
	s2 =	sand.u32 $0x78, s5;
	v6 =	vmov s12;
	[sflag:s20] =	ssyncadd.s32 $0xFFFFF000  }
0xeb: {  	s5 =	sand.u32 $0x78, s18;
	v3 =	vmov s11;
	v5 =	vmov s2;
	v6 =	vshrl.u32 v6, $0x3;
	_ =	swait.ge [sflag:s20], $0x1000  }
0xec: {  	s12 =	simm.s32 $0x4;
	v8 =	vmov s5;
	v3 =	vshrl.u32 v3, $0x3;
	v4 =	vshll.u32 v6, v1;
	[sflag:s20] =	ssyncset.done $0x0  }
0xed: {  	s6 =	sand.u32 $0x78, s12;
	v6 =	vshrl.u32 v8, $0x3;
	v5 =	vshrl.u32 v5, $0x3;
	v8 =	vadd.s32 v0, v9;
	[sflag:s20] =	ssyncadd.s32 $0xFFFFF000  }
0xee: {  	v11 =	vmov s6;
	v9 =	vadd.s32 v2, v9;
	v3 =	vshll.u32 v3, v1;
	_ =	swait.ge [sflag:s20], $0x1000  }
0xef: {  	s29 =	simm.s32 $0x480;
	s11 =	simm.s32 $0x5;
	v4 =	vbroadcast v4, $0x0;
	v5 =	vshll.u32 v5, v1;
	v12 =	vbroadcast v3, $0x0;
	[sflag:s20] =	ssyncset.done $0x0  }
0xf0: {  	s18 =	simm.s32 $0x6;
	s2 =	sand.u32 $0x78, s11;
	v3 =	vshll.u32 v6, v1;
	v6 =	vshll.u32 v7, v1;
	v7 =	vbroadcast v5, $0x0;
	[sflag:s20] =	ssyncadd.s32 $0xFFFFF000  }
0xf1: {  	v10 =	vmov s2;
	s2 =	sand.u32 $0x78, s18;
	v22 =	vbroadcast v3, $0x0;
	v6 =	vbroadcast v6, $0x0;
	v3 =	vld [tilespmem:s29+$0x0]  }
0xf2: {  	v5 =	vmov s2;
	v13 =	vadd.s32 v12, v8;
	v15 =	vadd.s32 v7, v8;
	v14 =	vld [tilespmem:s29+$0xFFFFFF80]  }
0xf3: {  	v10 =	vshrl.u32 v10, $0x3;
	v15 =	vor.u32 $0x3, v15;
	v17 =	vadd.s32 v6, v8;
	v18 =	vld [tilespmem:s29+$0xFFFFFFE0]  }
0xf4: {  	v16 =	vshrl.u32 v5, $0x3;
	v20 =	vadd.s32 v4, v8;
	v23 =	vor.u32 $0x1, v17;
	v21 =	vld [tilespmem:s29+$0xFFFFFFA0]  }
0xf5: {  	v10 =	vshll.u32 v10, v1;
	v16 =	vshll.u32 v16, v1;
	v19 =	vadd.s32 v22, v8;
	v5 =	vld [tilespmem:s29+$0x20]  }
0xf6: {  	v7 =	vadd.s32 v7, v9;
	v10 =	vbroadcast v10, $0x0;
	v19 =	vor.u32 $0x2, v19;
	v25 =	vld [tilespmem:s29+$0xFFFFFFC0]  }
0xf7: {  	v20 =	vor.u32 $0x7, v20;
	v24 =	vadd.s32 v6, v9;
	v6 =	vshrl.u32 v11, $0x3;
	v11 =	vld [tilespmem:s29+$0x60];
	[tilespmem:v13+s15+$0x0] =	vst.idx.msk $0xffff, v14  }
0xf8: {  	v17 =	vadd.s32 v12, v9;
	v13 =	vshll.u32 v6, v1;
	v14 =	vbroadcast v16, $0x0;
	[tilespmem:v15+s15+$0x0] =	vst.idx.msk $0xffff, v18;
	v18 =	vld [tilespmem:s29+$0x40]  }
0xf9: {  	v6 =	vor.u32 $0x3, v7;
	[tilespmem:v23+s15+$0x0] =	vst.idx.msk $0xffff, v21;
	v15 =	vadd.s32 v10, v9;
	v16 =	vld [tilespmem:s29+$0xFFFFFF90];
	v26 =	vbroadcast v13, $0x0  }
0xfa: {  	v23 =	vadd.s32 v22, v9;
	v7 =	vld [tilespmem:s29+$0xFFFFFFF0];
	v13 =	vadd.s32 v10, v8;
	v12 =	vadd.s32 v14, v8  }
0xfb: {  	[tilespmem:v19+s15+$0x0] =	vst.idx.msk $0xffff, v25;
	v10 =	vld [tilespmem:s29+$0xFFFFFFB0];
	v19 =	vor.u32 $0x5, v13;
	v21 =	vor.u32 $0x6, v12;
	v63 =	vadd.s32 v26, v8  }
0xfc: {  	s6 =	simm.s32 $0x580;
	v12 =	vor.u32 $0x1, v24;
	v8 =	vld [tilespmem:s29+$0xFFFFFFD0];
	v22 =	vadd.s32 v26, v9;
	v13 =	vor.u32 $0x4, v63  }
.LBB2_23:
0xfd: {  	s2 =	sadd.s32 $0xA, s26  }
0xfe: {  	s11 =	sadd.s32 $0xB, s26;
	[tilespmem:v17+s15+$0x0] =	vst.idx.msk $0xffff, v16;
	v16 =	vor.u32 $0x2, v23;
	v14 =	vadd.s32 v14, v9;
	v4 =	vadd.s32 v4, v9;
	s12 =	smov.u32 s26;
	s26 =	sadd.s32 $0x8, s26  }
0xff: {  	s18 =	sshrl.u32 s26, $0x4;
	s4 =	sand.u32 $0x78, s26;
	s5 =	sadd.s32 $0x9, s12;
	[tilespmem:v20+s15+$0x0] =	vst.idx.msk $0xffff, v11;
	v9 =	vor.u32 $0x7, v4  }
0x100: {  	v11 =	vor.u32 $0x5, v15;
	v14 =	vor.u32 $0x6, v14;
	s18 =	sand.u32 $0x18, s18;
	v4 =	vmov s4;
	s4 =	sand.u32 $0x78, s11;
	s11 =	sadd.s32 $0xF, s12;
	[tilespmem:v21+s15+$0x0] =	vst.idx.msk $0xffff, v18;
	v15 =	vld [tilespmem:s29+$0x70]  }
0x101: {  	s2 =	sand.u32 $0x78, s2;
	v20 =	vor.u32 $0x4, v22;
	s5 =	sand.u32 $0x78, s5;
	v17 =	vmov s18;
	v18 =	vmov s4;
	s4 =	sand.u32 $0x78, s11;
	[tilespmem:v19+s15+$0x0] =	vst.idx.msk $0xffff, v5;
	v5 =	vld [tilespmem:s29+$0x50]  }
0x102: {  	v19 =	vshrl.u32 v4, $0x3;
	s11 =	sadd.s32 $0xC, s12;
	s18 =	sadd.s32 $0xD, s12;
	s12 =	sadd.s32 $0xE, s12;
	v4 =	vmul.u32 $0x88, v17;
	v17 =	vmov s4;
	[tilespmem:v12+s15+$0x0] =	vst.idx.msk $0xffff, v10;
	v10 =	vld [tilespmem:s29+$0x30]  }
0x103: {  	p0 =	slt.u32 s26, $0x1F8;
	v21 =	vmov s2;
	v12 =	vmov s5;
	s2 =	sand.u32 $0x78, s11;
	v17 =	vshrl.u32 v17, $0x3;
	[tilespmem:v13+s15+$0x0] =	vst.idx.msk $0xffff, v3  }
0x104: {  	s4 =	sand.u32 $0x78, s18;
	v3 =	vshrl.u32 v12, $0x3;
	v13 =	vbroadcast v4, $0x0;
	v4 =	vshll.u32 v17, v1;
	[tilespmem:v6+s15+$0x0] =	vst.idx.msk $0xffff, v7;
	v6 =	vld [tilespmem:s29+$0x10];
	s29 =	smov.u32 s6  }
0x105: {  	v12 =	vshrl.u32 v18, $0x3;
	v7 =	vshrl.u32 v21, $0x3;
	v4 =	vbroadcast v4, $0x0;
	[tilespmem:v9+s15+$0x0] =	vst.idx.msk $0xffff, v15  }
0x106: {  	v9 =	vshll.u32 v19, v1;
	v15 =	vmov s4;
	v22 =	vadd.s32 v0, v13;
	[tilespmem:v14+s15+$0x0] =	vst.idx.msk $0xffff, v5  }
0x107: {  	v17 =	vbroadcast v9, $0x0;
	v5 =	vshll.u32 v7, v1;
	v7 =	vshll.u32 v12, v1;
	[tilespmem:v11+s15+$0x0] =	vst.idx.msk $0xffff, v10  }
0x108: {  	v9 =	vshll.u32 v3, v1;
	v7 =	vbroadcast v7, $0x0;
	v10 =	vmov s2;
	s2 =	sand.u32 $0x78, s12;
	[tilespmem:v16+s15+$0x0] =	vst.idx.msk $0xffff, v8  }
0x109: {  	v23 =	vbroadcast v5, $0x0;
	v8 =	vadd.s32 v17, v22;
	v5 =	vmov s2;
	v3 =	vld [tilespmem:s6+$0x0];
	[tilespmem:v20+s15+$0x0] =	vst.idx.msk $0xffff, v6  }
0x10a: {  	v14 =	vshrl.u32 v15, $0x3;
	v11 =	vbroadcast v9, $0x0;
	v12 =	vadd.s32 v7, v22;
	v6 =	vld [tilespmem:s6+$0xFFFFFF80]  }
0x10b: {  	v9 =	vadd.s32 v2, v13;
	v15 =	vshrl.u32 v5, $0x3;
	v12 =	vor.u32 $0x3, v12;
	v13 =	vld [tilespmem:s6+$0xFFFFFFE0]  }
0x10c: {  	v19 =	vadd.s32 v4, v22;
	v16 =	vadd.s32 v11, v22;
	v18 =	vadd.s32 v23, v22;
	v5 =	vld [tilespmem:s6+$0x20]  }
0x10d: {  	v24 =	vor.u32 $0x1, v16;
	v25 =	vor.u32 $0x2, v18;
	v15 =	vshll.u32 v15, v1;
	v21 =	vld [tilespmem:s6+$0xFFFFFFA0]  }
0x10e: {  	v10 =	vshrl.u32 v10, $0x3;
	v26 =	vadd.s32 v11, v9;
	v18 =	vshll.u32 v14, v1;
	v27 =	vld [tilespmem:s6+$0xFFFFFFC0]  }
0x10f: {  	v14 =	vbroadcast v15, $0x0;
	[tilespmem:v8+s15+$0x0] =	vst.idx.msk $0xffff, v6;
	v6 =	vadd.s32 v7, v9;
	v8 =	vshll.u32 v10, v1;
	v11 =	vld [tilespmem:s6+$0x60]  }
.Ltmp10:
0x110: {  	v17 =	vadd.s32 v17, v9;
	v10 =	vbroadcast v18, $0x0;
	v16 =	vld [tilespmem:s6+$0xFFFFFF90];
	[tilespmem:v12+s15+$0x0] =	vst.idx.msk $0xffff, v13;
	v6 =	vor.u32 $0x3, v6;
	(pc) =	sbr.rel @p0 .LBB2_23-.Ltmp10, $4  }
0x111: {  	v20 =	vor.u32 $0x7, v19;
	v28 =	vbroadcast v8, $0x0;
	v8 =	vadd.s32 v14, v22;
	v7 =	vld [tilespmem:s6+$0xFFFFFFF0]  }
0x112: {  	v13 =	vadd.s32 v10, v22;
	v15 =	vadd.s32 v10, v9;
	[tilespmem:v24+s15+$0x0] =	vst.idx.msk $0xffff, v21;
	v18 =	vld [tilespmem:s6+$0x40];
	v21 =	vor.u32 $0x6, v8  }
0x113: {  	v12 =	vor.u32 $0x1, v26;
	v22 =	vadd.s32 v28, v22;
	v19 =	vor.u32 $0x5, v13;
	v10 =	vld [tilespmem:s6+$0xFFFFFFB0];
	[tilespmem:v25+s15+$0x0] =	vst.idx.msk $0xffff, v27  }
0x114: {  	v23 =	vadd.s32 v23, v9;
	v13 =	vor.u32 $0x4, v22;
	v22 =	vadd.s32 v28, v9;
	s6 =	sadd.s32 $0x100, s6;
	v8 =	vld [tilespmem:s29+$0xFFFFFFD0]  }
0x115: {  	_ =	sdelay $0x3  }
0x116: {  	[tilespmem:v17+s15+$0x0] =	vst.idx.msk $0xffff, v16  }
0x117: {  	v4 =	vadd.s32 v4, v9;
	[tilespmem:v20+s15+$0x0] =	vst.idx.msk $0xffff, v11  }
0x118: {  	[tilespmem:v19+s15+$0x0] =	vst.idx.msk $0xffff, v5;
	v4 =	vor.u32 $0x7, v4;
	v11 =	vld [tilespmem:s29+$0x70]  }
0x119: {  	v58 =	vadd.s32 v14, v9;
	v60 =	vor.u32 $0x5, v15;
	v61 =	vld [tilespmem:s29+$0x30];
	[tilespmem:v21+s15+$0x0] =	vst.idx.msk $0xffff, v18  }
0x11a: {  	[tilespmem:v13+s15+$0x0] =	vst.idx.msk $0xffff, v3;
	v9 =	vor.u32 $0x6, v58;
	v59 =	vld [tilespmem:s29+$0x50]  }
0x11b: {  	[tilespmem:v6+s15+$0x0] =	vst.idx.msk $0xffff, v7  }
0x11c: {  	[tilespmem:v12+s15+$0x0] =	vst.idx.msk $0xffff, v10  }
0x11d: {  	v62 =	vor.u32 $0x2, v23;
	[tilespmem:v4+s15+$0x0] =	vst.idx.msk $0xffff, v11  }
0x11e: {  	v3 =	vor.u32 $0x4, v22;
	v63 =	vld [tilespmem:s29+$0x10];
	[tilespmem:v60+s15+$0x0] =	vst.idx.msk $0xffff, v61  }
0x11f: {  	[tilespmem:v9+s15+$0x0] =	vst.idx.msk $0xffff, v59  }
0x120: {  	s2 =	sshll.u32 s24, $0x11;
	s4 =	rddreg [dreg:$0x6]  }
0x121: {  	s18 =	rddreg [dreg:$0x1];
	s26 =	sor.u32 s4, s2  }
0x122: {  	s11 =	simm.s32 $0x8488;
	[tilespmem:v62+s15+$0x0] =	vst.idx.msk $0xffff, v8;
	s6 =	sadd.s32 s18, s26  }
0x123: {  	s29 =	simm.s32 $0x8400;
	[tilespmem:v3+s15+$0x0] =	vst.idx.msk $0xffff, v63;
	s2 =	simm.s32 $0x10;
	s12 =	sadd.s32 $0x0, s6  }
.LBB2_25:
0x124: {  	[hbm4b:s12+s3] =	stream.linear.scatter [tilespmem:s29], [sflag:$0x5], $0x80, $0x38;
	[tilespmem:$0x10C00] =	vst v63  }
0x125: {  	s4 =	smov.u32 s2;
	s29 =	smov.u32 s11;
	p0 =	sne.s32 s2, $0x1F0  }
.Ltmp11:
0x126: {  	s2 =	sadd.s32 $0x10, s2;
	(pc) =	sbr.rel @p0 .LBB2_25-.Ltmp11, $2  }
0x127: {  	_ =	sdelay $0x2  }
0x128: {  	s11 =	sadd.s32 $0x88, s11;
	s12 =	sadd.s32 s4, s6  }
0x129: {  	[hbm4b:s12+s3] =	stream.linear.scatter [tilespmem:s29], [sflag:$0x5], $0x80, $0x38;
	[tilespmem:$0x10C00] =	vst v63  }
0x12a: {  	s2 =	rddreg [dreg:$0x9]  }
0x12b: {  	s29 =	simm.s32 $0x9500;
	s6 =	sadd.s32 s26, s2  }
0x12c: {  	s11 =	simm.s32 $0x9588;
	s2 =	simm.s32 $0x10;
	s12 =	sadd.s32 $0x0, s6  }
.LBB2_27:
0x12d: {  	[hbm4b:s12+s3] =	stream.linear.scatter [tilespmem:s29], [sflag:$0x5], $0x80, $0x38;
	[tilespmem:$0x10C00] =	vst v63  }
0x12e: {  	s4 =	smov.u32 s2;
	s29 =	smov.u32 s11;
	p0 =	sne.s32 s2, $0x1F0  }
.Ltmp12:
0x12f: {  	s2 =	sadd.s32 $0x10, s2;
	(pc) =	sbr.rel @p0 .LBB2_27-.Ltmp12, $2  }
0x130: {  	_ =	sdelay $0x2  }
0x131: {  	s11 =	sadd.s32 $0x88, s11;
	s12 =	sadd.s32 s4, s6  }
0x132: {  	[hbm4b:s12+s3] =	stream.linear.scatter [tilespmem:s29], [sflag:$0x5], $0x80, $0x38;
	[tilespmem:$0x10C00] =	vst v63  }
0x133: {  	s2 =	rddreg [dreg:$0xa]  }
0x134: {  	s29 =	simm.s32 $0xA600;
	s6 =	sadd.s32 s26, s2  }
0x135: {  	s11 =	simm.s32 $0xA688;
	s2 =	simm.s32 $0x10;
	s12 =	sadd.s32 $0x0, s6  }
.LBB2_29:
0x136: {  	[hbm4b:s12+s3] =	stream.linear.scatter [tilespmem:s29], [sflag:$0x5], $0x80, $0x38;
	[tilespmem:$0x10C00] =	vst v63  }
0x137: {  	s4 =	smov.u32 s2;
	s29 =	smov.u32 s11;
	p0 =	sne.s32 s2, $0x1F0  }
.Ltmp13:
0x138: {  	s2 =	sadd.s32 $0x10, s2;
	(pc) =	sbr.rel @p0 .LBB2_29-.Ltmp13, $2  }
0x139: {  	_ =	sdelay $0x2  }
0x13a: {  	s11 =	sadd.s32 $0x88, s11;
	s12 =	sadd.s32 s4, s6  }
0x13b: {  	[hbm4b:s12+s3] =	stream.linear.scatter [tilespmem:s29], [sflag:$0x5], $0x80, $0x38;
	[tilespmem:$0x10C00] =	vst v63  }
0x13c: {  	s2 =	rddreg [dreg:$0xb]  }
0x13d: {  	s29 =	simm.s32 $0xB700;
	s6 =	sadd.s32 s26, s2  }
0x13e: {  	s11 =	simm.s32 $0xB788;
	s2 =	simm.s32 $0x10;
	s12 =	sadd.s32 $0x0, s6  }
.LBB2_31:
0x13f: {  	[hbm4b:s12+s3] =	stream.linear.scatter [tilespmem:s29], [sflag:$0x5], $0x80, $0x38;
	[tilespmem:$0x10C00] =	vst v63  }
0x140: {  	s4 =	smov.u32 s2;
	s29 =	smov.u32 s11;
	p0 =	sne.s32 s2, $0x1F0  }
.Ltmp14:
0x141: {  	s2 =	sadd.s32 $0x10, s2;
	(pc) =	sbr.rel @p0 .LBB2_31-.Ltmp14, $2  }
0x142: {  	_ =	sdelay $0x2  }
0x143: {  	s11 =	sadd.s32 $0x88, s11;
	s12 =	sadd.s32 s4, s6  }
0x144: {  	[hbm4b:s12+s3] =	stream.linear.scatter [tilespmem:s29], [sflag:$0x5], $0x80, $0x38;
	[tilespmem:$0x10C00] =	vst v63  }
0x145: {  	s4 =	simm.s32 $0x4  }
0x146: {  	_ =	swait.ge [sflag:s4], $0x4000  }
0x147: {  	s2 =	rddreg [dreg:$0x14]  }
0x148: {  	s11 =	simm.s32 $0x200;
	s2 =	sadd.s32 s2, s28  }
0x149: {  	[sflag:s4] =	ssyncset.done $0x0;
	s6 =	rddreg [dreg:$0x3];
	s2 =	sshrl.u32 s2, $0x3  }
0x14a: {  	s12 =	simm.s32 $0x1;
	[sflag:s4] =	ssyncadd.s32 $0xFFFFC000;
	s2 =	sadd.s32 s6, s2  }
0x14b: {  	[tilespmem:s11], [sflag:$0x2] =	stream.linear.gather [hbm4b:s2+s3], $0x200, $0x38;
	[tilespmem:$0x10C00] =	vst v63  }
0x14c: {  	_ =	swait.ge [sflag:s12], $0x200  }
0x14d: {  	[sflag:s12] =	ssyncset.done $0x0  }
0x14e: {  	s5 =	simm.s32 $0x400;
	s18 =	rddreg [dreg:$0x4];
	[sflag:s12] =	ssyncadd.s32 $0xFFFFFE00  }
0x14f: {  	[tilespmem:s5], [sflag:$0x3] =	stream.indirect.gather [hbm4b:s18+s11], $0x20, s3, s11, $0xb8;
	[tilespmem:$0x10C00] =	vst v63  }
0x150: {  	_ =	swait.ge [sflag:s21], $0x1000  }
0x151: {  	s28 =	simm.s32 $0x0;
	s6 =	simm.s32 $0x3;
	[sflag:s21] =	ssyncset.done $0x0  }
0x152: {  	s2 =	sand.u32 $0x78, s6;
	s6 =	simm.s32 $0x7;
	[sflag:s21] =	ssyncadd.s32 $0xFFFFF000  }
0x153: {  	v5 =	vmov s2;
	s12 =	sand.u32 $0x78, s28;
	s11 =	simm.s32 $0x0;
	_ =	swait.ge [sflag:s21], $0x1000  }
0x154: {  	v5 =	vshrl.u32 v5, $0x3;
	s18 =	simm.s32 $0x1;
	v3 =	vmov s12;
	s4 =	sand.u32 $0x18, s11;
	[sflag:s21] =	ssyncset.done $0x0  }
0x155: {  	v5 =	vshll.u32 v5, v1;
	s11 =	simm.s32 $0x2;
	s5 =	sand.u32 $0x78, s18;
	v3 =	vshrl.u32 v3, $0x3;
	v4 =	vmov s4;
	[sflag:s21] =	ssyncadd.s32 $0xFFFFF000  }
0x156: {  	s4 =	sand.u32 $0x78, s6;
	s6 =	sand.u32 $0x78, s11;
	v7 =	vmov s5;
	v3 =	vshll.u32 v3, v1;
	v4 =	vmul.u32 $0x88, v4;
	_ =	swait.ge [sflag:s21], $0x1000  }
0x157: {  	s11 =	simm.s32 $0x5;
	v6 =	vmov s4;
	v8 =	vmov s6;
	v7 =	vshrl.u32 v7, $0x3;
	[sflag:s21] =	ssyncset.done $0x0  }
0x158: {  	s2 =	sand.u32 $0x78, s11;
	v10 =	vbroadcast v3, $0x0;
	v6 =	vshrl.u32 v6, $0x3;
	v9 =	vbroadcast v4, $0x0;
	[sflag:s21] =	ssyncadd.s32 $0xFFFFF000  }
0x159: {  	v4 =	vshll.u32 v6, v1;
	v6 =	vshrl.u32 v8, $0x3;
	v8 =	vmov s2;
	_ =	swait.ge [sflag:s21], $0x1000  }
0x15a: {  	v3 =	vshll.u32 v6, v1;
	v6 =	vshll.u32 v7, v1;
	v7 =	vbroadcast v5, $0x0;
	[sflag:s21] =	ssyncset.done $0x0  }
0x15b: {  	s29 =	simm.s32 $0x4480;
	v16 =	vshrl.u32 v8, $0x3;
	v13 =	vadd.s32 v0, v9;
	v6 =	vbroadcast v6, $0x0;
	[sflag:s21] =	ssyncadd.s32 $0xFFFFF000  }
0x15c: {  	v22 =	vbroadcast v3, $0x0;
	v12 =	vadd.s32 v10, v13;
	v15 =	vadd.s32 v7, v13;
	v14 =	vld [tilespmem:s29+$0xFFFFFF80]  }
0x15d: {  	s12 =	simm.s32 $0x4;
	s18 =	simm.s32 $0x6;
	v8 =	vadd.s32 v2, v9;
	v15 =	vor.u32 $0x3, v15;
	v18 =	vadd.s32 v6, v13;
	v9 =	vld [tilespmem:s29+$0xFFFFFFE0]  }
0x15e: {  	s4 =	sand.u32 $0x78, s12;
	s2 =	sand.u32 $0x78, s18;
	v4 =	vbroadcast v4, $0x0;
	v19 =	vadd.s32 v22, v13;
	v18 =	vor.u32 $0x1, v18;
	v21 =	vld [tilespmem:s29+$0xFFFFFFA0]  }
0x15f: {  	v11 =	vmov s4;
	v5 =	vmov s2;
	v19 =	vor.u32 $0x2, v19;
	v24 =	vld [tilespmem:s29+$0xFFFFFFC0]  }
0x160: {  	v17 =	vshrl.u32 v5, $0x3;
	v25 =	vshll.u32 v16, v1;
	v20 =	vadd.s32 v4, v13;
	v3 =	vld [tilespmem:s29+$0x0]  }
0x161: {  	v17 =	vshll.u32 v17, v1;
	v23 =	vadd.s32 v6, v8;
	v6 =	vshrl.u32 v11, $0x3;
	v5 =	vld [tilespmem:s29+$0x20];
	[tilespmem:v12+s7+$0x0] =	vst.idx.msk $0xffff, v14  }
0x162: {  	v7 =	vadd.s32 v7, v8;
	v20 =	vor.u32 $0x7, v20;
	v11 =	vld [tilespmem:s29+$0x60];
	v12 =	vshll.u32 v6, v1;
	[tilespmem:v15+s7+$0x0] =	vst.idx.msk $0xffff, v9  }
0x163: {  	v14 =	vbroadcast v17, $0x0;
	v17 =	vadd.s32 v10, v8;
	v9 =	vbroadcast v25, $0x0;
	[tilespmem:v18+s7+$0x0] =	vst.idx.msk $0xffff, v21;
	v18 =	vld [tilespmem:s29+$0x40]  }
0x164: {  	v6 =	vor.u32 $0x3, v7;
	[tilespmem:v19+s7+$0x0] =	vst.idx.msk $0xffff, v24;
	v16 =	vld [tilespmem:s29+$0xFFFFFF90];
	v63 =	vbroadcast v12, $0x0;
	v12 =	vor.u32 $0x1, v23  }
0x165: {  	v7 =	vld [tilespmem:s29+$0xFFFFFFF0];
	v23 =	vadd.s32 v22, v8;
	v10 =	vadd.s32 v14, v13;
	v26 =	vadd.s32 v9, v13  }
0x166: {  	v15 =	vadd.s32 v9, v8;
	v9 =	vld [tilespmem:s29+$0xFFFFFFD0];
	v21 =	vor.u32 $0x6, v10;
	v13 =	vadd.s32 v63, v13  }
0x167: {  	s6 =	simm.s32 $0x4580;
	v10 =	vld [tilespmem:s29+$0xFFFFFFB0];
	v19 =	vor.u32 $0x5, v26;
	v22 =	vadd.s32 v63, v8;
	v13 =	vor.u32 $0x4, v13  }
.LBB2_33:
0x168: {  	s2 =	sadd.s32 $0xA, s28  }
0x169: {  	s4 =	sadd.s32 $0xB, s28;
	[tilespmem:v17+s7+$0x0] =	vst.idx.msk $0xffff, v16;
	v16 =	vor.u32 $0x2, v23;
	v14 =	vadd.s32 v14, v8;
	v4 =	vadd.s32 v4, v8;
	s5 =	smov.u32 s28;
	s28 =	sadd.s32 $0x8, s28  }
0x16a: {  	s11 =	sshrl.u32 s28, $0x4;
	s12 =	sand.u32 $0x78, s28;
	s18 =	sadd.s32 $0x9, s5;
	[tilespmem:v20+s7+$0x0] =	vst.idx.msk $0xffff, v11;
	v8 =	vor.u32 $0x7, v4  }
0x16b: {  	s4 =	sand.u32 $0x78, s4;
	v11 =	vor.u32 $0x5, v15;
	v14 =	vor.u32 $0x6, v14;
	s11 =	sand.u32 $0x18, s11;
	v4 =	vmov s12;
	s12 =	sadd.s32 $0xF, s5;
	[tilespmem:v21+s7+$0x0] =	vst.idx.msk $0xffff, v18;
	v15 =	vld [tilespmem:s29+$0x70]  }
0x16c: {  	s2 =	sand.u32 $0x78, s2;
	v20 =	vor.u32 $0x4, v22;
	v18 =	vmov s4;
	v17 =	vmov s11;
	s11 =	sand.u32 $0x78, s18;
	s4 =	sand.u32 $0x78, s12;
	[tilespmem:v19+s7+$0x0] =	vst.idx.msk $0xffff, v5;
	v5 =	vld [tilespmem:s29+$0x50]  }
0x16d: {  	v19 =	vshrl.u32 v4, $0x3;
	s12 =	sadd.s32 $0xC, s5;
	s18 =	sadd.s32 $0xD, s5;
	s5 =	sadd.s32 $0xE, s5;
	v4 =	vmul.u32 $0x88, v17;
	v17 =	vmov s4;
	[tilespmem:v12+s7+$0x0] =	vst.idx.msk $0xffff, v10;
	v10 =	vld [tilespmem:s29+$0x30]  }
0x16e: {  	p0 =	slt.u32 s28, $0x1F8;
	v21 =	vmov s2;
	v12 =	vmov s11;
	s2 =	sand.u32 $0x78, s12;
	v17 =	vshrl.u32 v17, $0x3;
	[tilespmem:v13+s7+$0x0] =	vst.idx.msk $0xffff, v3  }
0x16f: {  	s4 =	sand.u32 $0x78, s18;
	v3 =	vshrl.u32 v12, $0x3;
	v13 =	vbroadcast v4, $0x0;
	v4 =	vshll.u32 v17, v1;
	[tilespmem:v6+s7+$0x0] =	vst.idx.msk $0xffff, v7;
	v6 =	vld [tilespmem:s29+$0x10];
	s29 =	smov.u32 s6  }
0x170: {  	v12 =	vshrl.u32 v18, $0x3;
	v7 =	vshrl.u32 v21, $0x3;
	v4 =	vbroadcast v4, $0x0;
	[tilespmem:v8+s7+$0x0] =	vst.idx.msk $0xffff, v15  }
0x171: {  	v8 =	vshll.u32 v19, v1;
	v15 =	vmov s4;
	v22 =	vadd.s32 v0, v13;
	[tilespmem:v14+s7+$0x0] =	vst.idx.msk $0xffff, v5  }
0x172: {  	v17 =	vbroadcast v8, $0x0;
	v5 =	vshll.u32 v7, v1;
	v7 =	vshll.u32 v12, v1;
	[tilespmem:v11+s7+$0x0] =	vst.idx.msk $0xffff, v10  }
0x173: {  	v8 =	vshll.u32 v3, v1;
	v7 =	vbroadcast v7, $0x0;
	v10 =	vmov s2;
	s2 =	sand.u32 $0x78, s5;
	[tilespmem:v16+s7+$0x0] =	vst.idx.msk $0xffff, v9  }
0x174: {  	v23 =	vbroadcast v5, $0x0;
	v9 =	vadd.s32 v17, v22;
	v5 =	vmov s2;
	v3 =	vld [tilespmem:s6+$0x0];
	[tilespmem:v20+s7+$0x0] =	vst.idx.msk $0xffff, v6  }
0x175: {  	v14 =	vshrl.u32 v15, $0x3;
	v11 =	vbroadcast v8, $0x0;
	v12 =	vadd.s32 v7, v22;
	v6 =	vld [tilespmem:s6+$0xFFFFFF80]  }
0x176: {  	v8 =	vadd.s32 v2, v13;
	v15 =	vshrl.u32 v5, $0x3;
	v12 =	vor.u32 $0x3, v12;
	v13 =	vld [tilespmem:s6+$0xFFFFFFE0]  }
0x177: {  	v19 =	vadd.s32 v4, v22;
	v16 =	vadd.s32 v11, v22;
	v18 =	vadd.s32 v23, v22;
	v5 =	vld [tilespmem:s6+$0x20]  }
0x178: {  	v24 =	vor.u32 $0x1, v16;
	v25 =	vor.u32 $0x2, v18;
	v15 =	vshll.u32 v15, v1;
	v21 =	vld [tilespmem:s6+$0xFFFFFFA0]  }
0x179: {  	v10 =	vshrl.u32 v10, $0x3;
	v26 =	vadd.s32 v11, v8;
	v18 =	vshll.u32 v14, v1;
	v27 =	vld [tilespmem:s6+$0xFFFFFFC0]  }
0x17a: {  	v14 =	vbroadcast v15, $0x0;
	[tilespmem:v9+s7+$0x0] =	vst.idx.msk $0xffff, v6;
	v6 =	vadd.s32 v7, v8;
	v9 =	vshll.u32 v10, v1;
	v11 =	vld [tilespmem:s6+$0x60]  }
.Ltmp15:
0x17b: {  	v17 =	vadd.s32 v17, v8;
	v10 =	vbroadcast v18, $0x0;
	v16 =	vld [tilespmem:s6+$0xFFFFFF90];
	[tilespmem:v12+s7+$0x0] =	vst.idx.msk $0xffff, v13;
	v6 =	vor.u32 $0x3, v6;
	(pc) =	sbr.rel @p0 .LBB2_33-.Ltmp15, $4  }
0x17c: {  	v20 =	vor.u32 $0x7, v19;
	v28 =	vbroadcast v9, $0x0;
	v9 =	vadd.s32 v14, v22;
	v7 =	vld [tilespmem:s6+$0xFFFFFFF0]  }
0x17d: {  	v13 =	vadd.s32 v10, v22;
	v15 =	vadd.s32 v10, v8;
	[tilespmem:v24+s7+$0x0] =	vst.idx.msk $0xffff, v21;
	v18 =	vld [tilespmem:s6+$0x40];
	v21 =	vor.u32 $0x6, v9  }
0x17e: {  	v12 =	vor.u32 $0x1, v26;
	v22 =	vadd.s32 v28, v22;
	v19 =	vor.u32 $0x5, v13;
	v10 =	vld [tilespmem:s6+$0xFFFFFFB0];
	[tilespmem:v25+s7+$0x0] =	vst.idx.msk $0xffff, v27  }
0x17f: {  	v23 =	vadd.s32 v23, v8;
	v13 =	vor.u32 $0x4, v22;
	v22 =	vadd.s32 v28, v8;
	s6 =	sadd.s32 $0x100, s6;
	v9 =	vld [tilespmem:s29+$0xFFFFFFD0]  }
0x180: {  	_ =	sdelay $0x3  }
0x181: {  	[tilespmem:v17+s7+$0x0] =	vst.idx.msk $0xffff, v16  }
0x182: {  	[tilespmem:v20+s7+$0x0] =	vst.idx.msk $0xffff, v11  }
0x183: {  	v4 =	vadd.s32 v4, v8;
	[tilespmem:v19+s7+$0x0] =	vst.idx.msk $0xffff, v5;
	v62 =	vor.u32 $0x2, v23  }
0x184: {  	[tilespmem:v13+s7+$0x0] =	vst.idx.msk $0xffff, v3;
	v4 =	vor.u32 $0x7, v4;
	v11 =	vld [tilespmem:s29+$0x70]  }
0x185: {  	v58 =	vadd.s32 v14, v8;
	v60 =	vor.u32 $0x5, v15;
	v61 =	vld [tilespmem:s29+$0x30];
	[tilespmem:v21+s7+$0x0] =	vst.idx.msk $0xffff, v18  }
0x186: {  	v8 =	vor.u32 $0x6, v58;
	[tilespmem:v6+s7+$0x0] =	vst.idx.msk $0xffff, v7;
	v59 =	vld [tilespmem:s29+$0x50]  }
0x187: {  	[tilespmem:v12+s7+$0x0] =	vst.idx.msk $0xffff, v10  }
0x188: {  	[tilespmem:v62+s7+$0x0] =	vst.idx.msk $0xffff, v9  }
0x189: {  	v3 =	vor.u32 $0x4, v22;
	v63 =	vld [tilespmem:s29+$0x10];
	[tilespmem:v4+s7+$0x0] =	vst.idx.msk $0xffff, v11  }
0x18a: {  	[tilespmem:v60+s7+$0x0] =	vst.idx.msk $0xffff, v61  }
0x18b: {  	[tilespmem:v8+s7+$0x0] =	vst.idx.msk $0xffff, v59  }
0x18c: {  	s2 =	rddreg [dreg:$0xd]  }
0x18d: {  	s28 =	simm.s32 $0xC800;
	s6 =	sadd.s32 s26, s2  }
0x18e: {  	s11 =	simm.s32 $0xC888;
	[tilespmem:v3+s7+$0x0] =	vst.idx.msk $0xffff, v63;
	s2 =	simm.s32 $0x10;
	s12 =	sadd.s32 $0x0, s6  }
.LBB2_35:
0x18f: {  	[hbm4b:s12+s3] =	stream.linear.scatter [tilespmem:s28], [sflag:$0x6], $0x80, $0x38;
	[tilespmem:$0x10C00] =	vst v63  }
0x190: {  	s4 =	smov.u32 s2;
	s28 =	smov.u32 s11;
	p0 =	sne.s32 s2, $0x1F0  }
.Ltmp16:
0x191: {  	s2 =	sadd.s32 $0x10, s2;
	(pc) =	sbr.rel @p0 .LBB2_35-.Ltmp16, $2  }
0x192: {  	_ =	sdelay $0x2  }
0x193: {  	s11 =	sadd.s32 $0x88, s11;
	s12 =	sadd.s32 s4, s6  }
0x194: {  	[hbm4b:s12+s3] =	stream.linear.scatter [tilespmem:s28], [sflag:$0x6], $0x80, $0x38;
	[tilespmem:$0x10C00] =	vst v63  }
0x195: {  	s2 =	rddreg [dreg:$0xe]  }
0x196: {  	s28 =	simm.s32 $0xD900;
	s6 =	sadd.s32 s26, s2  }
0x197: {  	s11 =	simm.s32 $0xD988;
	s2 =	simm.s32 $0x10;
	s12 =	sadd.s32 $0x0, s6  }
.LBB2_37:
0x198: {  	[hbm4b:s12+s3] =	stream.linear.scatter [tilespmem:s28], [sflag:$0x6], $0x80, $0x38;
	[tilespmem:$0x10C00] =	vst v63  }
0x199: {  	s4 =	smov.u32 s2;
	s28 =	smov.u32 s11;
	p0 =	sne.s32 s2, $0x1F0  }
.Ltmp17:
0x19a: {  	s2 =	sadd.s32 $0x10, s2;
	(pc) =	sbr.rel @p0 .LBB2_37-.Ltmp17, $2  }
0x19b: {  	_ =	sdelay $0x2  }
0x19c: {  	s11 =	sadd.s32 $0x88, s11;
	s12 =	sadd.s32 s4, s6  }
0x19d: {  	[hbm4b:s12+s3] =	stream.linear.scatter [tilespmem:s28], [sflag:$0x6], $0x80, $0x38;
	[tilespmem:$0x10C00] =	vst v63  }
0x19e: {  	s2 =	rddreg [dreg:$0xf]  }
0x19f: {  	s28 =	simm.s32 $0xEA00;
	s6 =	sadd.s32 s26, s2  }
0x1a0: {  	s11 =	simm.s32 $0xEA88;
	s2 =	simm.s32 $0x10;
	s12 =	sadd.s32 $0x0, s6  }
.LBB2_39:
0x1a1: {  	[hbm4b:s12+s3] =	stream.linear.scatter [tilespmem:s28], [sflag:$0x6], $0x80, $0x38;
	[tilespmem:$0x10C00] =	vst v63  }
0x1a2: {  	s4 =	smov.u32 s2;
	s28 =	smov.u32 s11;
	p0 =	sne.s32 s2, $0x1F0  }
.Ltmp18:
0x1a3: {  	s2 =	sadd.s32 $0x10, s2;
	(pc) =	sbr.rel @p0 .LBB2_39-.Ltmp18, $2  }
0x1a4: {  	_ =	sdelay $0x2  }
0x1a5: {  	s11 =	sadd.s32 $0x88, s11;
	s12 =	sadd.s32 s4, s6  }
0x1a6: {  	[hbm4b:s12+s3] =	stream.linear.scatter [tilespmem:s28], [sflag:$0x6], $0x80, $0x38;
	[tilespmem:$0x10C00] =	vst v63  }
0x1a7: {  	s2 =	rddreg [dreg:$0x10]  }
0x1a8: {  	s11 =	simm.s32 $0xFB88;
	s6 =	sadd.s32 s26, s2  }
0x1a9: {  	s26 =	simm.s32 $0xFB00;
	s2 =	simm.s32 $0x10;
	s12 =	sadd.s32 $0x0, s6  }
.LBB2_41:
0x1aa: {  	[hbm4b:s12+s3] =	stream.linear.scatter [tilespmem:s26], [sflag:$0x6], $0x80, $0x38;
	[tilespmem:$0x10C00] =	vst v63  }
0x1ab: {  	s4 =	smov.u32 s2;
	s26 =	smov.u32 s11;
	p0 =	sne.s32 s2, $0x1F0  }
.Ltmp19:
0x1ac: {  	s2 =	sadd.s32 $0x10, s2;
	(pc) =	sbr.rel @p0 .LBB2_41-.Ltmp19, $2  }
0x1ad: {  	_ =	sdelay $0x2  }
0x1ae: {  	s11 =	sadd.s32 $0x88, s11;
	s12 =	sadd.s32 s4, s6  }
0x1af: {  	s24 =	sadd.s32 $0x1, s24  }
0x1b0: {  	p0 =	sne.s32 s24, $0x63  }
.Ltmp20:
0x1b1: {  	_ = 	snop;
	(pc) =	sbr.rel @p0 .LBB2_22-.Ltmp20, $2  }
0x1b2: {  	_ =	sdelay $0x2  }
0x1b3: {  	[hbm4b:s12+s3] =	stream.linear.scatter [tilespmem:s26], [sflag:$0x6], $0x80, $0x38;
	[tilespmem:$0x10C00] =	vst v63  }
0x1b4: {  	s2 =	simm.s32 $0x3  }
0x1b5: {  	_ =	swait.ge [sflag:s2], $0x4000  }
0x1b6: {  	[sflag:s2] =	ssyncset.done $0x0  }
0x1b7: {  	s18 =	simm.s32 $0x2;
	[sflag:s2] =	ssyncadd.s32 $0xFFFFC000  }
0x1b8: {  	_ =	swait.ge [sflag:s18], $0x200  }
0x1b9: {  	s4 =	simm.s32 $0x200;
	[sflag:s18] =	ssyncset.done $0x0  }
0x1ba: {  	s5 =	simm.s32 $0x4400;
	s24 =	rddreg [dreg:$0x4];
	[sflag:s18] =	ssyncadd.s32 $0xFFFFFE00  }
0x1bb: {  	[tilespmem:s5], [sflag:$0x4] =	stream.indirect.gather [hbm4b:s24+s4], $0x20, s4, s4, $0xb8;
	[tilespmem:$0x10C00] =	vst v63  }
0x1bc: {  	s26 =	simm.s32 $0x3;
	_ =	swait.ge [sflag:s20], $0x1000  }
0x1bd: {  	s28 =	simm.s32 $0x0;
	s6 =	simm.s32 $0x7;
	[sflag:s20] =	ssyncset.done $0x0  }
0x1be: {  	s12 =	simm.s32 $0x1;
	s6 =	sand.u32 $0x78, s6;
	[sflag:s20] =	ssyncadd.s32 $0xFFFFF000  }
0x1bf: {  	s12 =	sand.u32 $0x78, s12;
	v6 =	vmov s6;
	s2 =	sand.u32 $0x78, s26;
	_ =	swait.ge [sflag:s20], $0x1000  }
0x1c0: {  	v7 =	vmov s12;
	v6 =	vshrl.u32 v6, $0x3;
	s24 =	simm.s32 $0x0;
	s4 =	sand.u32 $0x18, s28;
	[sflag:s20] =	ssyncset.done $0x0  }
0x1c1: {  	s11 =	simm.s32 $0x2;
	v7 =	vshrl.u32 v7, $0x3;
	v5 =	vmov s2;
	s29 =	sand.u32 $0x78, s24;
	v4 =	vmov s4;
	[sflag:s20] =	ssyncadd.s32 $0xFFFFF000  }
0x1c2: {  	v5 =	vshrl.u32 v5, $0x3;
	s18 =	sand.u32 $0x78, s11;
	v3 =	vmov s29;
	v4 =	vmul.u32 $0x88, v4;
	_ =	swait.ge [sflag:s20], $0x1000  }
0x1c3: {  	s26 =	simm.s32 $0x5;
	v5 =	vshll.u32 v5, v1;
	v8 =	vmov s18;
	v3 =	vshrl.u32 v3, $0x3;
	[sflag:s20] =	ssyncset.done $0x0  }
0x1c4: {  	s2 =	sand.u32 $0x78, s26;
	v9 =	vbroadcast v4, $0x0;
	v4 =	vshll.u32 v6, v1;
	v3 =	vshll.u32 v3, v1;
	[sflag:s20] =	ssyncadd.s32 $0xFFFFF000  }
0x1c5: {  	v6 =	vshrl.u32 v8, $0x3;
	v8 =	vmov s2;
	v10 =	vbroadcast v3, $0x0;
	_ =	swait.ge [sflag:s20], $0x1000  }
0x1c6: {  	v3 =	vshll.u32 v6, v1;
	v6 =	vshll.u32 v7, v1;
	v7 =	vbroadcast v5, $0x0;
	[sflag:s20] =	ssyncset.done $0x0  }
0x1c7: {  	s26 =	simm.s32 $0x480;
	v16 =	vshrl.u32 v8, $0x3;
	v13 =	vadd.s32 v0, v9;
	v6 =	vbroadcast v6, $0x0;
	[sflag:s20] =	ssyncadd.s32 $0xFFFFF000  }
0x1c8: {  	v22 =	vbroadcast v3, $0x0;
	v12 =	vadd.s32 v10, v13;
	v15 =	vadd.s32 v7, v13;
	v14 =	vld [tilespmem:s26+$0xFFFFFF80]  }
0x1c9: {  	s28 =	simm.s32 $0x4;
	s29 =	simm.s32 $0x6;
	v8 =	vadd.s32 v2, v9;
	v15 =	vor.u32 $0x3, v15;
	v18 =	vadd.s32 v6, v13;
	v9 =	vld [tilespmem:s26+$0xFFFFFFE0]  }
0x1ca: {  	s4 =	sand.u32 $0x78, s28;
	s2 =	sand.u32 $0x78, s29;
	v4 =	vbroadcast v4, $0x0;
	v19 =	vadd.s32 v22, v13;
	v18 =	vor.u32 $0x1, v18;
	v21 =	vld [tilespmem:s26+$0xFFFFFFA0]  }
0x1cb: {  	v11 =	vmov s4;
	v5 =	vmov s2;
	v19 =	vor.u32 $0x2, v19;
	v24 =	vld [tilespmem:s26+$0xFFFFFFC0]  }
0x1cc: {  	v17 =	vshrl.u32 v5, $0x3;
	v25 =	vshll.u32 v16, v1;
	v20 =	vadd.s32 v4, v13;
	v3 =	vld [tilespmem:s26+$0x0]  }
0x1cd: {  	v17 =	vshll.u32 v17, v1;
	v23 =	vadd.s32 v6, v8;
	v6 =	vshrl.u32 v11, $0x3;
	v5 =	vld [tilespmem:s26+$0x20];
	[tilespmem:v12+s15+$0x0] =	vst.idx.msk $0xffff, v14  }
0x1ce: {  	v7 =	vadd.s32 v7, v8;
	v20 =	vor.u32 $0x7, v20;
	v11 =	vld [tilespmem:s26+$0x60];
	v12 =	vshll.u32 v6, v1;
	[tilespmem:v15+s15+$0x0] =	vst.idx.msk $0xffff, v9  }
0x1cf: {  	v14 =	vbroadcast v17, $0x0;
	v17 =	vadd.s32 v10, v8;
	v9 =	vbroadcast v25, $0x0;
	[tilespmem:v18+s15+$0x0] =	vst.idx.msk $0xffff, v21;
	v18 =	vld [tilespmem:s26+$0x40]  }
0x1d0: {  	v6 =	vor.u32 $0x3, v7;
	[tilespmem:v19+s15+$0x0] =	vst.idx.msk $0xffff, v24;
	v16 =	vld [tilespmem:s26+$0xFFFFFF90];
	v63 =	vbroadcast v12, $0x0;
	v12 =	vor.u32 $0x1, v23  }
0x1d1: {  	v7 =	vld [tilespmem:s26+$0xFFFFFFF0];
	v23 =	vadd.s32 v22, v8;
	v10 =	vadd.s32 v14, v13;
	v26 =	vadd.s32 v9, v13  }
0x1d2: {  	v15 =	vadd.s32 v9, v8;
	v9 =	vld [tilespmem:s26+$0xFFFFFFD0];
	v21 =	vor.u32 $0x6, v10;
	v13 =	vadd.s32 v63, v13  }
0x1d3: {  	s6 =	simm.s32 $0x580;
	v10 =	vld [tilespmem:s26+$0xFFFFFFB0];
	v19 =	vor.u32 $0x5, v26;
	v22 =	vadd.s32 v63, v8;
	v13 =	vor.u32 $0x4, v13  }
.LBB2_44:
0x1d4: {  	s2 =	sadd.s32 $0xA, s24  }
0x1d5: {  	s4 =	sadd.s32 $0xB, s24;
	[tilespmem:v17+s15+$0x0] =	vst.idx.msk $0xffff, v16;
	v16 =	vor.u32 $0x2, v23;
	v14 =	vadd.s32 v14, v8;
	v4 =	vadd.s32 v4, v8;
	s5 =	smov.u32 s24;
	s24 =	sadd.s32 $0x8, s24  }
0x1d6: {  	s11 =	sshrl.u32 s24, $0x4;
	s12 =	sand.u32 $0x78, s24;
	s18 =	sadd.s32 $0x9, s5;
	[tilespmem:v20+s15+$0x0] =	vst.idx.msk $0xffff, v11;
	v8 =	vor.u32 $0x7, v4  }
0x1d7: {  	s4 =	sand.u32 $0x78, s4;
	v11 =	vor.u32 $0x5, v15;
	v14 =	vor.u32 $0x6, v14;
	s11 =	sand.u32 $0x18, s11;
	v4 =	vmov s12;
	s12 =	sadd.s32 $0xF, s5;
	[tilespmem:v21+s15+$0x0] =	vst.idx.msk $0xffff, v18;
	v15 =	vld [tilespmem:s26+$0x70]  }
0x1d8: {  	s2 =	sand.u32 $0x78, s2;
	v20 =	vor.u32 $0x4, v22;
	v18 =	vmov s4;
	v17 =	vmov s11;
	s11 =	sand.u32 $0x78, s18;
	s4 =	sand.u32 $0x78, s12;
	[tilespmem:v19+s15+$0x0] =	vst.idx.msk $0xffff, v5;
	v5 =	vld [tilespmem:s26+$0x50]  }
0x1d9: {  	v19 =	vshrl.u32 v4, $0x3;
	s12 =	sadd.s32 $0xC, s5;
	s18 =	sadd.s32 $0xD, s5;
	s5 =	sadd.s32 $0xE, s5;
	v4 =	vmul.u32 $0x88, v17;
	v17 =	vmov s4;
	[tilespmem:v12+s15+$0x0] =	vst.idx.msk $0xffff, v10;
	v10 =	vld [tilespmem:s26+$0x30]  }
0x1da: {  	p0 =	slt.u32 s24, $0x1F8;
	v21 =	vmov s2;
	v12 =	vmov s11;
	s2 =	sand.u32 $0x78, s12;
	v17 =	vshrl.u32 v17, $0x3;
	[tilespmem:v13+s15+$0x0] =	vst.idx.msk $0xffff, v3  }
0x1db: {  	s4 =	sand.u32 $0x78, s18;
	v3 =	vshrl.u32 v12, $0x3;
	v13 =	vbroadcast v4, $0x0;
	v4 =	vshll.u32 v17, v1;
	[tilespmem:v6+s15+$0x0] =	vst.idx.msk $0xffff, v7;
	v6 =	vld [tilespmem:s26+$0x10];
	s26 =	smov.u32 s6  }
0x1dc: {  	v12 =	vshrl.u32 v18, $0x3;
	v7 =	vshrl.u32 v21, $0x3;
	v4 =	vbroadcast v4, $0x0;
	[tilespmem:v8+s15+$0x0] =	vst.idx.msk $0xffff, v15  }
0x1dd: {  	v8 =	vshll.u32 v19, v1;
	v15 =	vmov s4;
	v22 =	vadd.s32 v0, v13;
	[tilespmem:v14+s15+$0x0] =	vst.idx.msk $0xffff, v5  }
0x1de: {  	v17 =	vbroadcast v8, $0x0;
	v5 =	vshll.u32 v7, v1;
	v7 =	vshll.u32 v12, v1;
	[tilespmem:v11+s15+$0x0] =	vst.idx.msk $0xffff, v10  }
0x1df: {  	v8 =	vshll.u32 v3, v1;
	v7 =	vbroadcast v7, $0x0;
	v10 =	vmov s2;
	s2 =	sand.u32 $0x78, s5;
	[tilespmem:v16+s15+$0x0] =	vst.idx.msk $0xffff, v9  }
0x1e0: {  	v23 =	vbroadcast v5, $0x0;
	v9 =	vadd.s32 v17, v22;
	v5 =	vmov s2;
	v3 =	vld [tilespmem:s6+$0x0];
	[tilespmem:v20+s15+$0x0] =	vst.idx.msk $0xffff, v6  }
0x1e1: {  	v14 =	vshrl.u32 v15, $0x3;
	v11 =	vbroadcast v8, $0x0;
	v12 =	vadd.s32 v7, v22;
	v6 =	vld [tilespmem:s6+$0xFFFFFF80]  }
0x1e2: {  	v8 =	vadd.s32 v2, v13;
	v15 =	vshrl.u32 v5, $0x3;
	v12 =	vor.u32 $0x3, v12;
	v13 =	vld [tilespmem:s6+$0xFFFFFFE0]  }
0x1e3: {  	v19 =	vadd.s32 v4, v22;
	v16 =	vadd.s32 v11, v22;
	v18 =	vadd.s32 v23, v22;
	v5 =	vld [tilespmem:s6+$0x20]  }
0x1e4: {  	v24 =	vor.u32 $0x1, v16;
	v25 =	vor.u32 $0x2, v18;
	v15 =	vshll.u32 v15, v1;
	v21 =	vld [tilespmem:s6+$0xFFFFFFA0]  }
0x1e5: {  	v10 =	vshrl.u32 v10, $0x3;
	v26 =	vadd.s32 v11, v8;
	v18 =	vshll.u32 v14, v1;
	v27 =	vld [tilespmem:s6+$0xFFFFFFC0]  }
0x1e6: {  	v14 =	vbroadcast v15, $0x0;
	[tilespmem:v9+s15+$0x0] =	vst.idx.msk $0xffff, v6;
	v6 =	vadd.s32 v7, v8;
	v9 =	vshll.u32 v10, v1;
	v11 =	vld [tilespmem:s6+$0x60]  }
.Ltmp21:
0x1e7: {  	v17 =	vadd.s32 v17, v8;
	v10 =	vbroadcast v18, $0x0;
	v16 =	vld [tilespmem:s6+$0xFFFFFF90];
	[tilespmem:v12+s15+$0x0] =	vst.idx.msk $0xffff, v13;
	v6 =	vor.u32 $0x3, v6;
	(pc) =	sbr.rel @p0 .LBB2_44-.Ltmp21, $4  }
0x1e8: {  	v20 =	vor.u32 $0x7, v19;
	v28 =	vbroadcast v9, $0x0;
	v9 =	vadd.s32 v14, v22;
	v7 =	vld [tilespmem:s6+$0xFFFFFFF0]  }
0x1e9: {  	v13 =	vadd.s32 v10, v22;
	v15 =	vadd.s32 v10, v8;
	[tilespmem:v24+s15+$0x0] =	vst.idx.msk $0xffff, v21;
	v18 =	vld [tilespmem:s6+$0x40];
	v21 =	vor.u32 $0x6, v9  }
0x1ea: {  	v12 =	vor.u32 $0x1, v26;
	v22 =	vadd.s32 v28, v22;
	v19 =	vor.u32 $0x5, v13;
	v10 =	vld [tilespmem:s6+$0xFFFFFFB0];
	[tilespmem:v25+s15+$0x0] =	vst.idx.msk $0xffff, v27  }
0x1eb: {  	v23 =	vadd.s32 v23, v8;
	v13 =	vor.u32 $0x4, v22;
	v22 =	vadd.s32 v28, v8;
	s6 =	sadd.s32 $0x100, s6;
	v9 =	vld [tilespmem:s26+$0xFFFFFFD0]  }
0x1ec: {  	_ =	sdelay $0x3  }
0x1ed: {  	[tilespmem:v17+s15+$0x0] =	vst.idx.msk $0xffff, v16  }
0x1ee: {  	[tilespmem:v20+s15+$0x0] =	vst.idx.msk $0xffff, v11  }
0x1ef: {  	v4 =	vadd.s32 v4, v8;
	[tilespmem:v19+s15+$0x0] =	vst.idx.msk $0xffff, v5;
	v62 =	vor.u32 $0x2, v23  }
0x1f0: {  	[tilespmem:v13+s15+$0x0] =	vst.idx.msk $0xffff, v3;
	v4 =	vor.u32 $0x7, v4;
	v11 =	vld [tilespmem:s26+$0x70]  }
0x1f1: {  	v60 =	vor.u32 $0x5, v15;
	v61 =	vld [tilespmem:s26+$0x30];
	[tilespmem:v6+s15+$0x0] =	vst.idx.msk $0xffff, v7  }
0x1f2: {  	v58 =	vadd.s32 v14, v8;
	v3 =	vor.u32 $0x4, v22;
	v63 =	vld [tilespmem:s26+$0x10];
	[tilespmem:v21+s15+$0x0] =	vst.idx.msk $0xffff, v18  }
0x1f3: {  	v8 =	vor.u32 $0x6, v58;
	v59 =	vld [tilespmem:s26+$0x50];
	[tilespmem:v12+s15+$0x0] =	vst.idx.msk $0xffff, v10  }
0x1f4: {  	[tilespmem:v62+s15+$0x0] =	vst.idx.msk $0xffff, v9  }
0x1f5: {  	[tilespmem:v4+s15+$0x0] =	vst.idx.msk $0xffff, v11  }
0x1f6: {  	[tilespmem:v60+s15+$0x0] =	vst.idx.msk $0xffff, v61  }
0x1f7: {  	s6 =	simm.s32 $0x8400;
	[tilespmem:v3+s15+$0x0] =	vst.idx.msk $0xffff, v63  }
0x1f8: {  	s2 =	simm.s32 $0x10;
	s12 =	sadd.s32 $0x0, s30;
	s11 =	simm.s32 $0x8488;
	[tilespmem:v8+s15+$0x0] =	vst.idx.msk $0xffff, v59  }
.LBB2_46:
0x1f9: {  	[hbm4b:s12+s3] =	stream.linear.scatter [tilespmem:s6], [sflag:$0x5], $0x80, $0x38;
	[tilespmem:$0x10C00] =	vst v63  }
0x1fa: {  	s4 =	smov.u32 s2;
	s6 =	smov.u32 s11;
	p0 =	sne.s32 s2, $0x1F0  }
.Ltmp22:
0x1fb: {  	s2 =	sadd.s32 $0x10, s2;
	(pc) =	sbr.rel @p0 .LBB2_46-.Ltmp22, $2  }
0x1fc: {  	_ =	sdelay $0x2  }
0x1fd: {  	s11 =	sadd.s32 $0x88, s11;
	s12 =	sadd.s32 s4, s30  }
0x1fe: {  	[hbm4b:s12+s3] =	stream.linear.scatter [tilespmem:s6], [sflag:$0x5], $0x80, $0x38;
	[tilespmem:$0x10C00] =	vst v63  }
0x1ff: {  	s6 =	simm.s32 $0x9500  }
0x200: {  	s2 =	simm.s32 $0x10;
	s12 =	sadd.s32 $0x0, s31;
	s11 =	simm.s32 $0x9588  }
.LBB2_48:
0x201: {  	[hbm4b:s12+s3] =	stream.linear.scatter [tilespmem:s6], [sflag:$0x5], $0x80, $0x38;
	[tilespmem:$0x10C00] =	vst v63  }
0x202: {  	s4 =	smov.u32 s2;
	s6 =	smov.u32 s11;
	p0 =	sne.s32 s2, $0x1F0  }
.Ltmp23:
0x203: {  	s2 =	sadd.s32 $0x10, s2;
	(pc) =	sbr.rel @p0 .LBB2_48-.Ltmp23, $2  }
0x204: {  	_ =	sdelay $0x2  }
0x205: {  	s11 =	sadd.s32 $0x88, s11;
	s12 =	sadd.s32 s4, s31  }
0x206: {  	[hbm4b:s12+s3] =	stream.linear.scatter [tilespmem:s6], [sflag:$0x5], $0x80, $0x38;
	[tilespmem:$0x10C00] =	vst v63  }
0x207: {  	s6 =	simm.s32 $0xA600  }
0x208: {  	s2 =	simm.s32 $0x10;
	s12 =	sadd.s32 $0x0, s0;
	s11 =	simm.s32 $0xA688  }
.LBB2_50:
0x209: {  	[hbm4b:s12+s3] =	stream.linear.scatter [tilespmem:s6], [sflag:$0x5], $0x80, $0x38;
	[tilespmem:$0x10C00] =	vst v63  }
0x20a: {  	s4 =	smov.u32 s2;
	s6 =	smov.u32 s11;
	p0 =	sne.s32 s2, $0x1F0  }
.Ltmp24:
0x20b: {  	s2 =	sadd.s32 $0x10, s2;
	(pc) =	sbr.rel @p0 .LBB2_50-.Ltmp24, $2  }
0x20c: {  	_ =	sdelay $0x2  }
0x20d: {  	s11 =	sadd.s32 $0x88, s11;
	s12 =	sadd.s32 s4, s0  }
0x20e: {  	[hbm4b:s12+s3] =	stream.linear.scatter [tilespmem:s6], [sflag:$0x5], $0x80, $0x38;
	[tilespmem:$0x10C00] =	vst v63  }
0x20f: {  	s6 =	simm.s32 $0xB700  }
0x210: {  	s2 =	simm.s32 $0x10;
	s12 =	sadd.s32 $0x0, s1;
	s11 =	simm.s32 $0xB788  }
.LBB2_52:
0x211: {  	[hbm4b:s12+s3] =	stream.linear.scatter [tilespmem:s6], [sflag:$0x5], $0x80, $0x38;
	[tilespmem:$0x10C00] =	vst v63  }
0x212: {  	s4 =	smov.u32 s2;
	s6 =	smov.u32 s11;
	p0 =	sne.s32 s2, $0x1F0  }
.Ltmp25:
0x213: {  	s2 =	sadd.s32 $0x10, s2;
	(pc) =	sbr.rel @p0 .LBB2_52-.Ltmp25, $2  }
0x214: {  	_ =	sdelay $0x2  }
0x215: {  	s11 =	sadd.s32 $0x88, s11;
	s12 =	sadd.s32 s4, s1  }
0x216: {  	[hbm4b:s12+s3] =	stream.linear.scatter [tilespmem:s6], [sflag:$0x5], $0x80, $0x38;
	[tilespmem:$0x10C00] =	vst v63  }
0x217: {  	s2 =	simm.s32 $0x4  }
0x218: {  	_ =	swait.ge [sflag:s2], $0x4000  }
0x219: {  	[sflag:s2] =	ssyncset.done $0x0  }
0x21a: {  	[sflag:s2] =	ssyncadd.s32 $0xFFFFC000  }
0x21b: {  	s24 =	simm.s32 $0x0;
	s4 =	simm.s32 $0x0;
	_ =	swait.ge [sflag:s21], $0x1000  }
0x21c: {  	s28 =	simm.s32 $0x7;
	s11 =	simm.s32 $0x2;
	[sflag:s21] =	ssyncset.done $0x0  }
0x21d: {  	s29 =	simm.s32 $0x1;
	s5 =	sand.u32 $0x78, s24;
	[sflag:s21] =	ssyncadd.s32 $0xFFFFF000  }
0x21e: {  	s4 =	sand.u32 $0x18, s4;
	s6 =	sand.u32 $0x78, s28;
	_ =	swait.ge [sflag:s21], $0x1000  }
0x21f: {  	s12 =	sand.u32 $0x78, s29;
	s18 =	sand.u32 $0x78, s11;
	v3 =	vmov s5;
	v4 =	vmov s4;
	v6 =	vmov s6;
	[sflag:s21] =	ssyncset.done $0x0  }
0x220: {  	s26 =	simm.s32 $0x3;
	v7 =	vmov s12;
	v8 =	vmov s18;
	v4 =	vmul.u32 $0x88, v4;
	[sflag:s21] =	ssyncadd.s32 $0xFFFFF000  }
0x221: {  	s2 =	sand.u32 $0x78, s26;
	v3 =	vshrl.u32 v3, $0x3;
	v6 =	vshrl.u32 v6, $0x3;
	v7 =	vshrl.u32 v7, $0x3;
	_ =	swait.ge [sflag:s21], $0x1000  }
0x222: {  	s26 =	simm.s32 $0x5;
	v5 =	vmov s2;
	v3 =	vshll.u32 v3, v1;
	v9 =	vbroadcast v4, $0x0;
	[sflag:s21] =	ssyncset.done $0x0  }
0x223: {  	s2 =	sand.u32 $0x78, s26;
	v4 =	vshll.u32 v6, v1;
	v6 =	vshrl.u32 v8, $0x3;
	v5 =	vshrl.u32 v5, $0x3;
	[sflag:s21] =	ssyncadd.s32 $0xFFFFF000  }
0x224: {  	v8 =	vmov s2;
	v10 =	vbroadcast v3, $0x0;
	v5 =	vshll.u32 v5, v1;
	_ =	swait.ge [sflag:s21], $0x1000  }
0x225: {  	v3 =	vshll.u32 v6, v1;
	v6 =	vshll.u32 v7, v1;
	v7 =	vbroadcast v5, $0x0;
	[sflag:s21] =	ssyncset.done $0x0  }
0x226: {  	s26 =	simm.s32 $0x4480;
	v16 =	vshrl.u32 v8, $0x3;
	v13 =	vadd.s32 v0, v9;
	v6 =	vbroadcast v6, $0x0;
	[sflag:s21] =	ssyncadd.s32 $0xFFFFF000  }
0x227: {  	v22 =	vbroadcast v3, $0x0;
	v12 =	vadd.s32 v10, v13;
	v15 =	vadd.s32 v7, v13;
	v14 =	vld [tilespmem:s26+$0xFFFFFF80]  }
0x228: {  	s28 =	simm.s32 $0x4;
	s29 =	simm.s32 $0x6;
	v8 =	vadd.s32 v2, v9;
	v18 =	vadd.s32 v6, v13;
	v15 =	vor.u32 $0x3, v15;
	v9 =	vld [tilespmem:s26+$0xFFFFFFE0]  }
0x229: {  	s4 =	sand.u32 $0x78, s28;
	s2 =	sand.u32 $0x78, s29;
	v4 =	vbroadcast v4, $0x0;
	v19 =	vadd.s32 v22, v13;
	v18 =	vor.u32 $0x1, v18;
	v21 =	vld [tilespmem:s26+$0xFFFFFFA0]  }
0x22a: {  	v11 =	vmov s4;
	v5 =	vmov s2;
	v19 =	vor.u32 $0x2, v19;
	v24 =	vld [tilespmem:s26+$0xFFFFFFC0]  }
0x22b: {  	v25 =	vshll.u32 v16, v1;
	v17 =	vshrl.u32 v5, $0x3;
	v20 =	vadd.s32 v4, v13;
	v3 =	vld [tilespmem:s26+$0x0]  }
0x22c: {  	v17 =	vshll.u32 v17, v1;
	v23 =	vadd.s32 v6, v8;
	v6 =	vshrl.u32 v11, $0x3;
	v5 =	vld [tilespmem:s26+$0x20];
	[tilespmem:v12+s7+$0x0] =	vst.idx.msk $0xffff, v14  }
0x22d: {  	v7 =	vadd.s32 v7, v8;
	v20 =	vor.u32 $0x7, v20;
	v11 =	vld [tilespmem:s26+$0x60];
	v12 =	vshll.u32 v6, v1;
	[tilespmem:v15+s7+$0x0] =	vst.idx.msk $0xffff, v9  }
0x22e: {  	v14 =	vbroadcast v17, $0x0;
	v17 =	vadd.s32 v10, v8;
	v9 =	vbroadcast v25, $0x0;
	[tilespmem:v18+s7+$0x0] =	vst.idx.msk $0xffff, v21;
	v18 =	vld [tilespmem:s26+$0x40]  }
0x22f: {  	v6 =	vor.u32 $0x3, v7;
	[tilespmem:v19+s7+$0x0] =	vst.idx.msk $0xffff, v24;
	v16 =	vld [tilespmem:s26+$0xFFFFFF90];
	v63 =	vbroadcast v12, $0x0;
	v12 =	vor.u32 $0x1, v23  }
0x230: {  	v7 =	vld [tilespmem:s26+$0xFFFFFFF0];
	v23 =	vadd.s32 v22, v8;
	v10 =	vadd.s32 v14, v13;
	v26 =	vadd.s32 v9, v13  }
0x231: {  	v15 =	vadd.s32 v9, v8;
	v9 =	vld [tilespmem:s26+$0xFFFFFFD0];
	v21 =	vor.u32 $0x6, v10;
	v13 =	vadd.s32 v63, v13  }
0x232: {  	s6 =	simm.s32 $0x4580;
	v10 =	vld [tilespmem:s26+$0xFFFFFFB0];
	v19 =	vor.u32 $0x5, v26;
	v22 =	vadd.s32 v63, v8;
	v13 =	vor.u32 $0x4, v13  }
.LBB2_54:
0x233: {  	s2 =	sadd.s32 $0xA, s24  }
0x234: {  	s4 =	sadd.s32 $0xB, s24;
	[tilespmem:v17+s7+$0x0] =	vst.idx.msk $0xffff, v16;
	v16 =	vor.u32 $0x2, v23;
	v14 =	vadd.s32 v14, v8;
	v4 =	vadd.s32 v4, v8;
	s5 =	smov.u32 s24;
	s24 =	sadd.s32 $0x8, s24  }
0x235: {  	s11 =	sshrl.u32 s24, $0x4;
	s12 =	sand.u32 $0x78, s24;
	s18 =	sadd.s32 $0x9, s5;
	[tilespmem:v20+s7+$0x0] =	vst.idx.msk $0xffff, v11;
	v8 =	vor.u32 $0x7, v4  }
0x236: {  	s4 =	sand.u32 $0x78, s4;
	v11 =	vor.u32 $0x5, v15;
	v14 =	vor.u32 $0x6, v14;
	s11 =	sand.u32 $0x18, s11;
	v4 =	vmov s12;
	s12 =	sadd.s32 $0xF, s5;
	[tilespmem:v21+s7+$0x0] =	vst.idx.msk $0xffff, v18;
	v15 =	vld [tilespmem:s26+$0x70]  }
0x237: {  	s2 =	sand.u32 $0x78, s2;
	v20 =	vor.u32 $0x4, v22;
	v18 =	vmov s4;
	v17 =	vmov s11;
	s11 =	sand.u32 $0x78, s18;
	s4 =	sand.u32 $0x78, s12;
	[tilespmem:v19+s7+$0x0] =	vst.idx.msk $0xffff, v5;
	v5 =	vld [tilespmem:s26+$0x50]  }
0x238: {  	v19 =	vshrl.u32 v4, $0x3;
	s12 =	sadd.s32 $0xC, s5;
	s18 =	sadd.s32 $0xD, s5;
	s5 =	sadd.s32 $0xE, s5;
	v4 =	vmul.u32 $0x88, v17;
	v17 =	vmov s4;
	[tilespmem:v12+s7+$0x0] =	vst.idx.msk $0xffff, v10;
	v10 =	vld [tilespmem:s26+$0x30]  }
0x239: {  	p0 =	slt.u32 s24, $0x1F8;
	v21 =	vmov s2;
	v12 =	vmov s11;
	s2 =	sand.u32 $0x78, s12;
	v17 =	vshrl.u32 v17, $0x3;
	[tilespmem:v13+s7+$0x0] =	vst.idx.msk $0xffff, v3  }
0x23a: {  	s4 =	sand.u32 $0x78, s18;
	v3 =	vshrl.u32 v12, $0x3;
	v13 =	vbroadcast v4, $0x0;
	v4 =	vshll.u32 v17, v1;
	[tilespmem:v6+s7+$0x0] =	vst.idx.msk $0xffff, v7;
	v6 =	vld [tilespmem:s26+$0x10];
	s26 =	smov.u32 s6  }
0x23b: {  	v12 =	vshrl.u32 v18, $0x3;
	v7 =	vshrl.u32 v21, $0x3;
	v4 =	vbroadcast v4, $0x0;
	[tilespmem:v8+s7+$0x0] =	vst.idx.msk $0xffff, v15  }
0x23c: {  	v8 =	vshll.u32 v19, v1;
	v15 =	vmov s4;
	v22 =	vadd.s32 v0, v13;
	[tilespmem:v14+s7+$0x0] =	vst.idx.msk $0xffff, v5  }
0x23d: {  	v17 =	vbroadcast v8, $0x0;
	v5 =	vshll.u32 v7, v1;
	v7 =	vshll.u32 v12, v1;
	[tilespmem:v11+s7+$0x0] =	vst.idx.msk $0xffff, v10  }
0x23e: {  	v8 =	vshll.u32 v3, v1;
	v7 =	vbroadcast v7, $0x0;
	v10 =	vmov s2;
	s2 =	sand.u32 $0x78, s5;
	[tilespmem:v16+s7+$0x0] =	vst.idx.msk $0xffff, v9  }
0x23f: {  	v23 =	vbroadcast v5, $0x0;
	v9 =	vadd.s32 v17, v22;
	v5 =	vmov s2;
	v3 =	vld [tilespmem:s6+$0x0];
	[tilespmem:v20+s7+$0x0] =	vst.idx.msk $0xffff, v6  }
0x240: {  	v14 =	vshrl.u32 v15, $0x3;
	v11 =	vbroadcast v8, $0x0;
	v12 =	vadd.s32 v7, v22;
	v6 =	vld [tilespmem:s6+$0xFFFFFF80]  }
0x241: {  	v8 =	vadd.s32 v2, v13;
	v15 =	vshrl.u32 v5, $0x3;
	v12 =	vor.u32 $0x3, v12;
	v13 =	vld [tilespmem:s6+$0xFFFFFFE0]  }
0x242: {  	v19 =	vadd.s32 v4, v22;
	v16 =	vadd.s32 v11, v22;
	v18 =	vadd.s32 v23, v22;
	v5 =	vld [tilespmem:s6+$0x20]  }
0x243: {  	v24 =	vor.u32 $0x1, v16;
	v25 =	vor.u32 $0x2, v18;
	v15 =	vshll.u32 v15, v1;
	v21 =	vld [tilespmem:s6+$0xFFFFFFA0]  }
0x244: {  	v10 =	vshrl.u32 v10, $0x3;
	v26 =	vadd.s32 v11, v8;
	v18 =	vshll.u32 v14, v1;
	v27 =	vld [tilespmem:s6+$0xFFFFFFC0]  }
0x245: {  	v14 =	vbroadcast v15, $0x0;
	[tilespmem:v9+s7+$0x0] =	vst.idx.msk $0xffff, v6;
	v6 =	vadd.s32 v7, v8;
	v9 =	vshll.u32 v10, v1;
	v11 =	vld [tilespmem:s6+$0x60]  }
.Ltmp26:
0x246: {  	v17 =	vadd.s32 v17, v8;
	v10 =	vbroadcast v18, $0x0;
	v16 =	vld [tilespmem:s6+$0xFFFFFF90];
	[tilespmem:v12+s7+$0x0] =	vst.idx.msk $0xffff, v13;
	v6 =	vor.u32 $0x3, v6;
	(pc) =	sbr.rel @p0 .LBB2_54-.Ltmp26, $4  }
0x247: {  	v20 =	vor.u32 $0x7, v19;
	v28 =	vbroadcast v9, $0x0;
	v9 =	vadd.s32 v14, v22;
	v7 =	vld [tilespmem:s6+$0xFFFFFFF0]  }
0x248: {  	v13 =	vadd.s32 v10, v22;
	v15 =	vadd.s32 v10, v8;
	[tilespmem:v24+s7+$0x0] =	vst.idx.msk $0xffff, v21;
	v18 =	vld [tilespmem:s6+$0x40];
	v21 =	vor.u32 $0x6, v9  }
0x249: {  	v12 =	vor.u32 $0x1, v26;
	v22 =	vadd.s32 v28, v22;
	v19 =	vor.u32 $0x5, v13;
	v10 =	vld [tilespmem:s6+$0xFFFFFFB0];
	[tilespmem:v25+s7+$0x0] =	vst.idx.msk $0xffff, v27  }
0x24a: {  	v23 =	vadd.s32 v23, v8;
	v13 =	vor.u32 $0x4, v22;
	v22 =	vadd.s32 v28, v8;
	s6 =	sadd.s32 $0x100, s6;
	v9 =	vld [tilespmem:s26+$0xFFFFFFD0]  }
0x24b: {  	_ =	sdelay $0x3  }
0x24c: {  	[tilespmem:v17+s7+$0x0] =	vst.idx.msk $0xffff, v16  }
0x24d: {  	[tilespmem:v20+s7+$0x0] =	vst.idx.msk $0xffff, v11  }
0x24e: {  	v4 =	vadd.s32 v4, v8;
	[tilespmem:v19+s7+$0x0] =	vst.idx.msk $0xffff, v5;
	v62 =	vor.u32 $0x2, v23  }
0x24f: {  	[tilespmem:v13+s7+$0x0] =	vst.idx.msk $0xffff, v3;
	v4 =	vor.u32 $0x7, v4;
	v11 =	vld [tilespmem:s26+$0x70]  }
0x250: {  	v60 =	vor.u32 $0x5, v15;
	v61 =	vld [tilespmem:s26+$0x30];
	[tilespmem:v6+s7+$0x0] =	vst.idx.msk $0xffff, v7  }
0x251: {  	v58 =	vadd.s32 v14, v8;
	v3 =	vor.u32 $0x4, v22;
	v63 =	vld [tilespmem:s26+$0x10];
	[tilespmem:v21+s7+$0x0] =	vst.idx.msk $0xffff, v18  }
0x252: {  	v8 =	vor.u32 $0x6, v58;
	v59 =	vld [tilespmem:s26+$0x50];
	[tilespmem:v12+s7+$0x0] =	vst.idx.msk $0xffff, v10  }
0x253: {  	[tilespmem:v62+s7+$0x0] =	vst.idx.msk $0xffff, v9  }
0x254: {  	[tilespmem:v4+s7+$0x0] =	vst.idx.msk $0xffff, v11  }
0x255: {  	[tilespmem:v60+s7+$0x0] =	vst.idx.msk $0xffff, v61  }
0x256: {  	s6 =	simm.s32 $0xC800;
	[tilespmem:v3+s7+$0x0] =	vst.idx.msk $0xffff, v63  }
0x257: {  	s2 =	simm.s32 $0x10;
	s12 =	sadd.s32 $0x0, s8;
	s11 =	simm.s32 $0xC888;
	[tilespmem:v8+s7+$0x0] =	vst.idx.msk $0xffff, v59  }
.LBB2_56:
0x258: {  	[hbm4b:s12+s3] =	stream.linear.scatter [tilespmem:s6], [sflag:$0x6], $0x80, $0x38;
	[tilespmem:$0x10C00] =	vst v63  }
0x259: {  	s4 =	smov.u32 s2;
	s6 =	smov.u32 s11;
	p0 =	sne.s32 s2, $0x1F0  }
.Ltmp27:
0x25a: {  	s2 =	sadd.s32 $0x10, s2;
	(pc) =	sbr.rel @p0 .LBB2_56-.Ltmp27, $2  }
0x25b: {  	_ =	sdelay $0x2  }
0x25c: {  	s11 =	sadd.s32 $0x88, s11;
	s12 =	sadd.s32 s4, s8  }
0x25d: {  	[hbm4b:s12+s3] =	stream.linear.scatter [tilespmem:s6], [sflag:$0x6], $0x80, $0x38;
	[tilespmem:$0x10C00] =	vst v63  }
0x25e: {  	s6 =	simm.s32 $0xD900;
	s2 =	simm.s32 $0x10  }
0x25f: {  	s12 =	sadd.s32 $0x0, s9;
	s11 =	simm.s32 $0xD988;
	s5 =	rddreg [dreg:$0x12]  }
.LBB2_58:
0x260: {  	[hbm4b:s12+s3] =	stream.linear.scatter [tilespmem:s6], [sflag:$0x6], $0x80, $0x38;
	[tilespmem:$0x10C00] =	vst v63  }
0x261: {  	s4 =	smov.u32 s2;
	s6 =	smov.u32 s11;
	p0 =	sne.s32 s2, $0x1F0  }
.Ltmp28:
0x262: {  	s2 =	sadd.s32 $0x10, s2;
	(pc) =	sbr.rel @p0 .LBB2_58-.Ltmp28, $2  }
0x263: {  	_ =	sdelay $0x2  }
0x264: {  	s11 =	sadd.s32 $0x88, s11;
	s12 =	sadd.s32 s4, s9  }
0x265: {  	[hbm4b:s12+s3] =	stream.linear.scatter [tilespmem:s6], [sflag:$0x6], $0x80, $0x38;
	[tilespmem:$0x10C00] =	vst v63  }
0x266: {  	s6 =	simm.s32 $0xEA00  }
0x267: {  	s2 =	simm.s32 $0x10;
	s12 =	sadd.s32 $0x0, s17;
	s11 =	simm.s32 $0xEA88  }
.LBB2_60:
0x268: {  	[hbm4b:s12+s3] =	stream.linear.scatter [tilespmem:s6], [sflag:$0x6], $0x80, $0x38;
	[tilespmem:$0x10C00] =	vst v63  }
0x269: {  	s4 =	smov.u32 s2;
	s6 =	smov.u32 s11;
	p0 =	sne.s32 s2, $0x1F0  }
.Ltmp29:
0x26a: {  	s2 =	sadd.s32 $0x10, s2;
	(pc) =	sbr.rel @p0 .LBB2_60-.Ltmp29, $2  }
0x26b: {  	_ =	sdelay $0x2  }
0x26c: {  	s11 =	sadd.s32 $0x88, s11;
	s12 =	sadd.s32 s4, s17  }
0x26d: {  	[hbm4b:s12+s3] =	stream.linear.scatter [tilespmem:s6], [sflag:$0x6], $0x80, $0x38;
	[tilespmem:$0x10C00] =	vst v63  }
0x26e: {  	s6 =	simm.s32 $0xFB00  }
0x26f: {  	s2 =	simm.s32 $0x10;
	s12 =	sadd.s32 $0x0, s25;
	s11 =	simm.s32 $0xFB88  }
.LBB2_62:
0x270: {  	[hbm4b:s12+s3] =	stream.linear.scatter [tilespmem:s6], [sflag:$0x6], $0x80, $0x38;
	[tilespmem:$0x10C00] =	vst v63  }
0x271: {  	s4 =	smov.u32 s2;
	s6 =	smov.u32 s11;
	p0 =	sne.s32 s2, $0x1F0  }
.Ltmp30:
0x272: {  	s2 =	sadd.s32 $0x10, s2;
	(pc) =	sbr.rel @p0 .LBB2_62-.Ltmp30, $2  }
0x273: {  	_ =	sdelay $0x2  }
0x274: {  	s11 =	sadd.s32 $0x88, s11;
	s12 =	sadd.s32 s4, s25  }
0x275: {  	[hbm4b:s12+s3] =	stream.linear.scatter [tilespmem:s6], [sflag:$0x6], $0x80, $0x38;
	[tilespmem:$0x10C00] =	vst v63  }
0x276: {  	_ =	swait.ge [sflag:s20], $0x1000  }
0x277: {  	[sflag:s20] =	ssyncset.done $0x0  }
0x278: {  	[sflag:s20] =	ssyncadd.s32 $0xFFFFF000  }
0x279: {  	_ =	swait.ge [sflag:s20], $0x1000  }
0x27a: {  	[sflag:s20] =	ssyncset.done $0x0  }
0x27b: {  	[sflag:s20] =	ssyncadd.s32 $0xFFFFF000  }
0x27c: {  	_ =	swait.ge [sflag:s20], $0x1000  }
0x27d: {  	[sflag:s20] =	ssyncset.done $0x0  }
0x27e: {  	[sflag:s20] =	ssyncadd.s32 $0xFFFFF000  }
0x27f: {  	_ =	swait.ge [sflag:s20], $0x1000  }
0x280: {  	[sflag:s20] =	ssyncset.done $0x0  }
0x281: {  	[sflag:s20] =	ssyncadd.s32 $0xFFFFF000  }
0x282: {  	_ =	swait.ge [sflag:s21], $0x1000  }
0x283: {  	[sflag:s21] =	ssyncset.done $0x0  }
0x284: {  	[sflag:s21] =	ssyncadd.s32 $0xFFFFF000  }
0x285: {  	_ =	swait.ge [sflag:s21], $0x1000  }
0x286: {  	[sflag:s21] =	ssyncset.done $0x0  }
0x287: {  	[sflag:s21] =	ssyncadd.s32 $0xFFFFF000  }
0x288: {  	_ =	swait.ge [sflag:s21], $0x1000  }
0x289: {  	[sflag:s21] =	ssyncset.done $0x0  }
0x28a: {  	[sflag:s21] =	ssyncadd.s32 $0xFFFFF000  }
0x28b: {  	_ =	swait.ge [sflag:s21], $0x1000  }
0x28c: {  	s4 =	rddreg [dreg:$0x15]  }
0x28d: {  	s2 =	rddreg [dreg:$0x11];
	s4 =	sadd.s32 $0x1, s4  }
0x28e: {  	p0 =	sne.s32 s4, s2  }
.Ltmp31:
0x28f: {  	_ = 	snop;
	(pc) =	sbr.rel @p0 .LBB2_1-.Ltmp31, $3  }
0x290: {  	_ =	sdelay $0x1  }
0x291: {  	[sflag:s21] =	ssyncset.done $0x0  }
0x292: {  	[sflag:s21] =	ssyncadd.s32 $0xFFFFF000  }
0x293: {  	_ =	sfence.sel $0x180000  }
0x294: {  	[bflag:$0x0] =	sbarrier.arrive $0xFFFF  }
0x295: {  	_ =	strace $0x90000047  }
0x296: {  	s0 =	stileid.u32;
	[bflag:$0x2] =	sbarrier.arrive $0xFFFF  }
0x297: {  	p0 =	sne.s32 s0, $0x0;
	s0 =	rddreg [dreg:$0x2]  }
0x298: {  	s0 =	sadd.s32 @!p0 $0x100000, s0  }
0x299: {  	[sflag:s0] =	ssyncadd.tile.s32 @!p0 $0x1;
	_ =	shalt  }
.Lfunc_end2:
_tile_overlayer_lowered:
.L_overlay_start_2:
0x29a: {  	(tag) =	ssettag $0x2  }
0x29b: {  	s0 =	rddreg [dreg:$0x0];
	s2 =	stileid.u32  }
0x29c: {  	s1 =	rddreg [dreg:$0x1];
	p0 =	sne.s32 s2, $0x0  }
0x29d: {  	s3 =	rddreg [dreg:$0x2];
	[bflag:$0x3] =	sbarrier.arrive $0xFFFF;
	s2 =	simm.s32 @!p0 $0x1C07  }
0x29e: {  	[timem:s3], [sflag:s2] =	dma.local @!p0 [hbm:s0], s1  }
0x29f: {  	s0 =	simm.s32 @!p0 $0x7  }
0x2a0: {  	_ =	swait.ge @!p0 [sflag:s0], s1  }
0x2a1: {  	s1 =	ssub.s32 @!p0 $0x0, s1;
	[sflag:s0] =	ssyncset.done @!p0 $0x0  }
0x2a2: {  	[sflag:s0] =	ssyncadd.s32 @!p0 s1  }
0x2a3: {  	[bflag:$0x3] =	sbarrier.arrive $0xFFFF  }
0x2a4: {  	_ =	shalt  }

</sc_bundles>
